<compile_context>
chip_gen: v7x
topology: tpu7x:2x2x1
jax: 0.10.2.dev20260603
libtpu: 0.0.44.dev20260713+nightly
codegen_flags: <defaults>
</compile_context>

<pallas_src>
import functools

import jax
import jax.numpy as jnp
from jax import lax
from jax.experimental import pallas as pl
from jax.experimental.pallas import tpu as pltpu
from jax.experimental.pallas import tpu_sc as plsc

VOCAB = 1000000
BATCH = 4096
SEQ = 50
DIM = 64
NC, NS = 2, 16
NW = NC * NS
BPW = BATCH // NW
BB = 8
RND = BPW // BB
NBUF = 4

TRB = 16384
NTRB = -(-VOCAB // TRB)

_mesh = plsc.VectorSubcoreMesh(core_axis_name="c", subcore_axis_name="s")


def _transpose_body(x_ref, o_ref, t_ref):
    t_ref[...] = x_ref[...].T
    o_ref[:, 0:DIM] = t_ref[0::2, :]
    o_ref[:, DIM:] = t_ref[1::2, :]


_linearize = pl.pallas_call(
    _transpose_body,
    grid=(NTRB,),
    in_specs=[pl.BlockSpec((DIM, TRB), lambda i: (0, i))],
    out_specs=pl.BlockSpec((TRB // 2, 2 * DIM), lambda i: (i, 0)),
    out_shape=jax.ShapeDtypeStruct((VOCAB // 2, 2 * DIM), jnp.float32),
    scratch_shapes=[pltpu.VMEM((TRB, DIM), jnp.float32)],
)


@functools.partial(
    pl.kernel,
    mesh=_mesh,
    compiler_params=pltpu.CompilerParams(use_tc_tiling_on_sc=False),
    out_type=jax.ShapeDtypeStruct((BATCH, SEQ, DIM), jnp.float32),
    scratch_types=[
        pltpu.VMEM((BPW, SEQ), jnp.int32),
        pltpu.VMEM((NBUF, BB, SEQ, DIM), jnp.float32),
        [pltpu.SemaphoreType.DMA] * NBUF,
        [pltpu.SemaphoreType.DMA] * NBUF,
    ],
)
def _gather_kernel(idx_hbm, table_hbm, out_hbm, idx_v, rows_v, sem_g, sem_w):
    wid = lax.axis_index("s") * NC + lax.axis_index("c")
    base = wid * BPW
    pltpu.sync_copy(idx_hbm.at[pl.ds(base, BPW)], idx_v)

    def fire(r, j):
        for q in range(BB):
            pltpu.async_copy(
                table_hbm.at[idx_v.at[r * BB + q]],
                rows_v.at[j, q],
                sem_g[j],
            )

    def drain_gathers(j):
        for q in range(BB):
            pltpu.make_async_copy(
                table_hbm.at[idx_v.at[0]],
                rows_v.at[j, q],
                sem_g[j],
            ).wait()

    def wait_write(j):
        pltpu.make_async_copy(
            rows_v.at[j],
            out_hbm.at[pl.ds(base, BB)],
            sem_w[j],
        ).wait()

    for j in range(NBUF):
        fire(j, j)

    def outer(t, carry):
        for j in range(NBUF):
            r = t * NBUF + j
            drain_gathers(j)
            pltpu.async_copy(
                rows_v.at[j],
                out_hbm.at[pl.ds(base + r * BB, BB)],
                sem_w[j],
            )

            @pl.when(r + NBUF < RND)
            def _():
                wait_write(j)
                fire(r + NBUF, j)

        return carry

    lax.fori_loop(0, RND // NBUF, outer, 0)
    for j in range(NBUF):
        wait_write(j)


def kernel(input_ids, weight):
    wlin = _linearize(weight.T)
    return _gather_kernel(
        input_ids.astype(jnp.int32), wlin.reshape(VOCAB, DIM)
    )

# --- scband reference (transcript-rebuilt; emitter-appended) ---
"""Pipeline reference for scband-vocab-parallel-embedding-33071248179372 (READ-ONLY COPY).

The authoritative reference and input builder live on the scoring server;
editing this copy changes nothing except your own understanding.
"""

import jax, jax.numpy as jnp
import numpy as np

NUM_EMBEDDINGS = 1000000
EMBEDDING_DIM = 64

def setup_inputs(seed: int = 0) -> dict:
    key = jax.random.key(seed)
    k1, k2 = jax.random.split(key)
    input_ids = jax.random.randint(k1, (4096, 50), 0, NUM_EMBEDDINGS, dtype=jnp.int64) if jax.config.jax_enable_x64 else jax.random.randint(k1, (4096, 50), 0, NUM_EMBEDDINGS, dtype=jnp.int32)
    weight = jax.random.normal(k2, (NUM_EMBEDDINGS, EMBEDDING_DIM), dtype=jnp.float32) * 0.02
    return {"input_ids": input_ids, "weight": weight}

def reference(input_ids, weight):
    # Single-rank path of VocabParallelEmbedding: tp_group is None, so
    # masked_input == input_ids and no all-reduce / masking is performed.
    # F.embedding(masked_input, weight) -> row gather.
    output = jnp.take(weight, input_ids, axis=0)
    return output

if __name__ == "__main__":
    import jax
    _d = setup_inputs()
    print(jax.jit(kernel)(*tuple(_d.values())))

</pallas_src>

<mosaic_0001>
#map = affine_map<(d0, d1) -> (0, 0)>
#map1 = affine_map<(d0, d1) -> (0, 0, 0)>
module attributes {stable_mosaic.version = 14 : i64} {
  func.func @_gather_kernel(%arg0: i32, %arg1: i32, %arg2: memref<4096x50xi32, #tpu.memory_space<hbm>>, %arg3: memref<1000000x64xf32, #tpu.memory_space<hbm>>, %arg4: memref<4096x50x64xf32, #tpu.memory_space<hbm>>, %arg5: memref<128x50xi32, #tpu.memory_space<vmem>>, %arg6: memref<4x8x50x64xf32, #tpu.memory_space<vmem>>, %arg7: memref<!tpu.dma_semaphore, #tpu.memory_space<semaphore_mem>>, %arg8: memref<!tpu.dma_semaphore, #tpu.memory_space<semaphore_mem>>, %arg9: memref<!tpu.dma_semaphore, #tpu.memory_space<semaphore_mem>>, %arg10: memref<!tpu.dma_semaphore, #tpu.memory_space<semaphore_mem>>, %arg11: memref<!tpu.dma_semaphore, #tpu.memory_space<semaphore_mem>>, %arg12: memref<!tpu.dma_semaphore, #tpu.memory_space<semaphore_mem>>, %arg13: memref<!tpu.dma_semaphore, #tpu.memory_space<semaphore_mem>>, %arg14: memref<!tpu.dma_semaphore, #tpu.memory_space<semaphore_mem>>) attributes {dimension_semantics = [#tpu.dimension_semantics<core_parallel>, #tpu.dimension_semantics<subcore_parallel>], iteration_bounds = array<i64: 2, 16>, scalar_prefetch = 0 : i64, scratch_operands = 10 : i64, tpu.core_type = #tpu.core_type<sc_vector_subcore>, window_params = [{transform_indices = #map}, {transform_indices = #map}, {transform_indices = #map1}]} {
    %mul3A = arith.constant 2 : i32
    %mul3A_0 = arith.muli %arg1, %mul3A : i32
    %add3A = arith.addi %mul3A_0, %arg0 : i32
    %mul3A_1 = arith.constant 128 : i32
    %mul3A_2 = arith.muli %add3A, %mul3A_1 : i32
    "tpu.region"() ({
      %run_scoped3A = tpu.sem_alloc : memref<!tpu.dma_semaphore, #tpu.memory_space<semaphore_mem>>
      %dma_start3A_490 = arith.constant 0 : i32
      %dma_start3A_491 = tpu.memref_slice %arg2[%mul3A_2, %dma_start3A_490] : memref<4096x50xi32, #tpu.memory_space<hbm>> -> memref<128x50xi32, #tpu.memory_space<hbm>>
      %dma_start3A_492 = arith.constant 0 : i32
      %dma_start3A_493 = tpu.memref_slice %arg2[%mul3A_2, %dma_start3A_492] : memref<4096x50xi32, #tpu.memory_space<hbm>> -> memref<128x50xi32, #tpu.memory_space<hbm>>
      tpu.enqueue_dma source(%dma_start3A_493 : memref<128x50xi32, #tpu.memory_space<hbm>>) target(%arg5 : memref<128x50xi32, #tpu.memory_space<vmem>>) target_semaphore(%run_scoped3A : memref<!tpu.dma_semaphore, #tpu.memory_space<semaphore_mem>>)
      %dma_wait3A_494 = arith.constant 0 : i32
      %dma_wait3A_495 = tpu.memref_slice %arg2[%mul3A_2, %dma_wait3A_494] : memref<4096x50xi32, #tpu.memory_space<hbm>> -> memref<128x50xi32, #tpu.memory_space<hbm>>
      %dma_wait3A_496 = arith.constant 0 : i32
      %dma_wait3A_497 = tpu.memref_slice %arg2[%mul3A_2, %dma_wait3A_496] : memref<4096x50xi32, #tpu.memory_space<hbm>> -> memref<128x50xi32, #tpu.memory_space<hbm>>
      tpu.wait_dma2 semaphore(%run_scoped3A : memref<!tpu.dma_semaphore, #tpu.memory_space<semaphore_mem>>) src(%dma_wait3A_497 : memref<128x50xi32, #tpu.memory_space<hbm>>) dst(%arg5 : memref<128x50xi32, #tpu.memory_space<vmem>>)
      tpu.yield
    }) : () -> ()
    %dma_start3A = arith.constant 0 : i32
    %dma_start3A_3 = arith.constant 0 : i32
    %dma_start3A_4 = arith.constant 0 : i32
    %dma_start3A_5 = arith.constant 0 : i32
    %dma_start3A_6 = arith.constant 0 : i32
    %dma_start3A_7 = tpu.memref_slice %arg6[%dma_start3A_3, %dma_start3A_4, %dma_start3A_5, %dma_start3A_6] : memref<4x8x50x64xf32, #tpu.memory_space<vmem>> -> memref<1x1x50x64xf32, #tpu.memory_space<vmem>>
    %dma_start3A_8 = tpu.memref_squeeze %dma_start3A_7 : memref<1x1x50x64xf32, #tpu.memory_space<vmem>> -> memref<50x64xf32, #tpu.memory_space<vmem>>
    %dma_start3A_9 = arith.constant 0 : i32
    %dma_start3A_10 = tpu.memref_slice %arg5[%dma_start3A, %dma_start3A_9] : memref<128x50xi32, #tpu.memory_space<vmem>> -> memref<1x50xi32, #tpu.memory_space<vmem>>
    %dma_start3A_11 = tpu.memref_squeeze %dma_start3A_10 : memref<1x50xi32, #tpu.memory_space<vmem>> -> memref<50xi32, #tpu.memory_space<vmem>>
    %dma_start3A_12 = arith.constant 0 : i32
    %dma_start3A_13 = arith.constant 0 : i32
    %dma_start3A_14 = tpu.memref_slice %arg3[%dma_start3A_12, %dma_start3A_13] : memref<1000000x64xf32, #tpu.memory_space<hbm>> -> memref<1000000x64xf32, #tpu.memory_space<hbm>>
    tpu.enqueue_indirect_dma source(%dma_start3A_14 : memref<1000000x64xf32, #tpu.memory_space<hbm>>) target(%dma_start3A_8 : memref<50x64xf32, #tpu.memory_space<vmem>>) offsets(%dma_start3A_11 : memref<50xi32, #tpu.memory_space<vmem>>) semaphore(%arg7 : memref<!tpu.dma_semaphore, #tpu.memory_space<semaphore_mem>>)
    %dma_start3A_15 = arith.constant 1 : i32
    %dma_start3A_16 = arith.constant 0 : i32
    %dma_start3A_17 = arith.constant 1 : i32
    %dma_start3A_18 = arith.constant 0 : i32
    %dma_start3A_19 = arith.constant 0 : i32
    %dma_start3A_20 = tpu.memref_slice %arg6[%dma_start3A_16, %dma_start3A_17, %dma_start3A_18, %dma_start3A_19] : memref<4x8x50x64xf32, #tpu.memory_space<vmem>> -> memref<1x1x50x64xf32, #tpu.memory_space<vmem>>
    %dma_start3A_21 = tpu.memref_squeeze %dma_start3A_20 : memref<1x1x50x64xf32, #tpu.memory_space<vmem>> -> memref<50x64xf32, #tpu.memory_space<vmem>>
    %dma_start3A_22 = arith.constant 0 : i32
    %dma_start3A_23 = tpu.memref_slice %arg5[%dma_start3A_15, %dma_start3A_22] : memref<128x50xi32, #tpu.memory_space<vmem>> -> memref<1x50xi32, #tpu.memory_space<vmem>>
    %dma_start3A_24 = tpu.memref_squeeze %dma_start3A_23 : memref<1x50xi32, #tpu.memory_space<vmem>> -> memref<50xi32, #tpu.memory_space<vmem>>
    %dma_start3A_25 = arith.constant 0 : i32
    %dma_start3A_26 = arith.constant 0 : i32
    %dma_start3A_27 = tpu.memref_slice %arg3[%dma_start3A_25, %dma_start3A_26] : memref<1000000x64xf32, #tpu.memory_space<hbm>> -> memref<1000000x64xf32, #tpu.memory_space<hbm>>
    tpu.enqueue_indirect_dma source(%dma_start3A_27 : memref<1000000x64xf32, #tpu.memory_space<hbm>>) target(%dma_start3A_21 : memref<50x64xf32, #tpu.memory_space<vmem>>) offsets(%dma_start3A_24 : memref<50xi32, #tpu.memory_space<vmem>>) semaphore(%arg7 : memref<!tpu.dma_semaphore, #tpu.memory_space<semaphore_mem>>)
    %dma_start3A_28 = arith.constant 2 : i32
    %dma_start3A_29 = arith.constant 0 : i32
    %dma_start3A_30 = arith.constant 2 : i32
    %dma_start3A_31 = arith.constant 0 : i32
    %dma_start3A_32 = arith.constant 0 : i32
    %dma_start3A_33 = tpu.memref_slice %arg6[%dma_start3A_29, %dma_start3A_30, %dma_start3A_31, %dma_start3A_32] : memref<4x8x50x64xf32, #tpu.memory_space<vmem>> -> memref<1x1x50x64xf32, #tpu.memory_space<vmem>>
    %dma_start3A_34 = tpu.memref_squeeze %dma_start3A_33 : memref<1x1x50x64xf32, #tpu.memory_space<vmem>> -> memref<50x64xf32, #tpu.memory_space<vmem>>
    %dma_start3A_35 = arith.constant 0 : i32
    %dma_start3A_36 = tpu.memref_slice %arg5[%dma_start3A_28, %dma_start3A_35] : memref<128x50xi32, #tpu.memory_space<vmem>> -> memref<1x50xi32, #tpu.memory_space<vmem>>
    %dma_start3A_37 = tpu.memref_squeeze %dma_start3A_36 : memref<1x50xi32, #tpu.memory_space<vmem>> -> memref<50xi32, #tpu.memory_space<vmem>>
    %dma_start3A_38 = arith.constant 0 : i32
    %dma_start3A_39 = arith.constant 0 : i32
    %dma_start3A_40 = tpu.memref_slice %arg3[%dma_start3A_38, %dma_start3A_39] : memref<1000000x64xf32, #tpu.memory_space<hbm>> -> memref<1000000x64xf32, #tpu.memory_space<hbm>>
    tpu.enqueue_indirect_dma source(%dma_start3A_40 : memref<1000000x64xf32, #tpu.memory_space<hbm>>) target(%dma_start3A_34 : memref<50x64xf32, #tpu.memory_space<vmem>>) offsets(%dma_start3A_37 : memref<50xi32, #tpu.memory_space<vmem>>) semaphore(%arg7 : memref<!tpu.dma_semaphore, #tpu.memory_space<semaphore_mem>>)
    %dma_start3A_41 = arith.constant 3 : i32
    %dma_start3A_42 = arith.constant 0 : i32
    %dma_start3A_43 = arith.constant 3 : i32
    %dma_start3A_44 = arith.constant 0 : i32
    %dma_start3A_45 = arith.constant 0 : i32
    %dma_start3A_46 = tpu.memref_slice %arg6[%dma_start3A_42, %dma_start3A_43, %dma_start3A_44, %dma_start3A_45] : memref<4x8x50x64xf32, #tpu.memory_space<vmem>> -> memref<1x1x50x64xf32, #tpu.memory_space<vmem>>
    %dma_start3A_47 = tpu.memref_squeeze %dma_start3A_46 : memref<1x1x50x64xf32, #tpu.memory_space<vmem>> -> memref<50x64xf32, #tpu.memory_space<vmem>>
    %dma_start3A_48 = arith.constant 0 : i32
    %dma_start3A_49 = tpu.memref_slice %arg5[%dma_start3A_41, %dma_start3A_48] : memref<128x50xi32, #tpu.memory_space<vmem>> -> memref<1x50xi32, #tpu.memory_space<vmem>>
    %dma_start3A_50 = tpu.memref_squeeze %dma_start3A_49 : memref<1x50xi32, #tpu.memory_space<vmem>> -> memref<50xi32, #tpu.memory_space<vmem>>
    %dma_start3A_51 = arith.constant 0 : i32
    %dma_start3A_52 = arith.constant 0 : i32
    %dma_start3A_53 = tpu.memref_slice %arg3[%dma_start3A_51, %dma_start3A_52] : memref<1000000x64xf32, #tpu.memory_space<hbm>> -> memref<1000000x64xf32, #tpu.memory_space<hbm>>
    tpu.enqueue_indirect_dma source(%dma_start3A_53 : memref<1000000x64xf32, #tpu.memory_space<hbm>>) target(%dma_start3A_47 : memref<50x64xf32, #tpu.memory_space<vmem>>) offsets(%dma_start3A_50 : memref<50xi32, #tpu.memory_space<vmem>>) semaphore(%arg7 : memref<!tpu.dma_semaphore, #tpu.memory_space<semaphore_mem>>)
    %dma_start3A_54 = arith.constant 4 : i32
    %dma_start3A_55 = arith.constant 0 : i32
    %dma_start3A_56 = arith.constant 4 : i32
    %dma_start3A_57 = arith.constant 0 : i32
    %dma_start3A_58 = arith.constant 0 : i32
    %dma_start3A_59 = tpu.memref_slice %arg6[%dma_start3A_55, %dma_start3A_56, %dma_start3A_57, %dma_start3A_58] : memref<4x8x50x64xf32, #tpu.memory_space<vmem>> -> memref<1x1x50x64xf32, #tpu.memory_space<vmem>>
    %dma_start3A_60 = tpu.memref_squeeze %dma_start3A_59 : memref<1x1x50x64xf32, #tpu.memory_space<vmem>> -> memref<50x64xf32, #tpu.memory_space<vmem>>
    %dma_start3A_61 = arith.constant 0 : i32
    %dma_start3A_62 = tpu.memref_slice %arg5[%dma_start3A_54, %dma_start3A_61] : memref<128x50xi32, #tpu.memory_space<vmem>> -> memref<1x50xi32, #tpu.memory_space<vmem>>
    %dma_start3A_63 = tpu.memref_squeeze %dma_start3A_62 : memref<1x50xi32, #tpu.memory_space<vmem>> -> memref<50xi32, #tpu.memory_space<vmem>>
    %dma_start3A_64 = arith.constant 0 : i32
    %dma_start3A_65 = arith.constant 0 : i32
    %dma_start3A_66 = tpu.memref_slice %arg3[%dma_start3A_64, %dma_start3A_65] : memref<1000000x64xf32, #tpu.memory_space<hbm>> -> memref<1000000x64xf32, #tpu.memory_space<hbm>>
    tpu.enqueue_indirect_dma source(%dma_start3A_66 : memref<1000000x64xf32, #tpu.memory_space<hbm>>) target(%dma_start3A_60 : memref<50x64xf32, #tpu.memory_space<vmem>>) offsets(%dma_start3A_63 : memref<50xi32, #tpu.memory_space<vmem>>) semaphore(%arg7 : memref<!tpu.dma_semaphore, #tpu.memory_space<semaphore_mem>>)
    %dma_start3A_67 = arith.constant 5 : i32
    %dma_start3A_68 = arith.constant 0 : i32
    %dma_start3A_69 = arith.constant 5 : i32
    %dma_start3A_70 = arith.constant 0 : i32
    %dma_start3A_71 = arith.constant 0 : i32
    %dma_start3A_72 = tpu.memref_slice %arg6[%dma_start3A_68, %dma_start3A_69, %dma_start3A_70, %dma_start3A_71] : memref<4x8x50x64xf32, #tpu.memory_space<vmem>> -> memref<1x1x50x64xf32, #tpu.memory_space<vmem>>
    %dma_start3A_73 = tpu.memref_squeeze %dma_start3A_72 : memref<1x1x50x64xf32, #tpu.memory_space<vmem>> -> memref<50x64xf32, #tpu.memory_space<vmem>>
    %dma_start3A_74 = arith.constant 0 : i32
    %dma_start3A_75 = tpu.memref_slice %arg5[%dma_start3A_67, %dma_start3A_74] : memref<128x50xi32, #tpu.memory_space<vmem>> -> memref<1x50xi32, #tpu.memory_space<vmem>>
    %dma_start3A_76 = tpu.memref_squeeze %dma_start3A_75 : memref<1x50xi32, #tpu.memory_space<vmem>> -> memref<50xi32, #tpu.memory_space<vmem>>
    %dma_start3A_77 = arith.constant 0 : i32
    %dma_start3A_78 = arith.constant 0 : i32
    %dma_start3A_79 = tpu.memref_slice %arg3[%dma_start3A_77, %dma_start3A_78] : memref<1000000x64xf32, #tpu.memory_space<hbm>> -> memref<1000000x64xf32, #tpu.memory_space<hbm>>
    tpu.enqueue_indirect_dma source(%dma_start3A_79 : memref<1000000x64xf32, #tpu.memory_space<hbm>>) target(%dma_start3A_73 : memref<50x64xf32, #tpu.memory_space<vmem>>) offsets(%dma_start3A_76 : memref<50xi32, #tpu.memory_space<vmem>>) semaphore(%arg7 : memref<!tpu.dma_semaphore, #tpu.memory_space<semaphore_mem>>)
    %dma_start3A_80 = arith.constant 6 : i32
    %dma_start3A_81 = arith.constant 0 : i32
    %dma_start3A_82 = arith.constant 6 : i32
    %dma_start3A_83 = arith.constant 0 : i32
    %dma_start3A_84 = arith.constant 0 : i32
    %dma_start3A_85 = tpu.memref_slice %arg6[%dma_start3A_81, %dma_start3A_82, %dma_start3A_83, %dma_start3A_84] : memref<4x8x50x64xf32, #tpu.memory_space<vmem>> -> memref<1x1x50x64xf32, #tpu.memory_space<vmem>>
    %dma_start3A_86 = tpu.memref_squeeze %dma_start3A_85 : memref<1x1x50x64xf32, #tpu.memory_space<vmem>> -> memref<50x64xf32, #tpu.memory_space<vmem>>
    %dma_start3A_87 = arith.constant 0 : i32
    %dma_start3A_88 = tpu.memref_slice %arg5[%dma_start3A_80, %dma_start3A_87] : memref<128x50xi32, #tpu.memory_space<vmem>> -> memref<1x50xi32, #tpu.memory_space<vmem>>
    %dma_start3A_89 = tpu.memref_squeeze %dma_start3A_88 : memref<1x50xi32, #tpu.memory_space<vmem>> -> memref<50xi32, #tpu.memory_space<vmem>>
    %dma_start3A_90 = arith.constant 0 : i32
    %dma_start3A_91 = arith.constant 0 : i32
    %dma_start3A_92 = tpu.memref_slice %arg3[%dma_start3A_90, %dma_start3A_91] : memref<1000000x64xf32, #tpu.memory_space<hbm>> -> memref<1000000x64xf32, #tpu.memory_space<hbm>>
    tpu.enqueue_indirect_dma source(%dma_start3A_92 : memref<1000000x64xf32, #tpu.memory_space<hbm>>) target(%dma_start3A_86 : memref<50x64xf32, #tpu.memory_space<vmem>>) offsets(%dma_start3A_89 : memref<50xi32, #tpu.memory_space<vmem>>) semaphore(%arg7 : memref<!tpu.dma_semaphore, #tpu.memory_space<semaphore_mem>>)
    %dma_start3A_93 = arith.constant 7 : i32
    %dma_start3A_94 = arith.constant 0 : i32
    %dma_start3A_95 = arith.constant 7 : i32
    %dma_start3A_96 = arith.constant 0 : i32
    %dma_start3A_97 = arith.constant 0 : i32
    %dma_start3A_98 = tpu.memref_slice %arg6[%dma_start3A_94, %dma_start3A_95, %dma_start3A_96, %dma_start3A_97] : memref<4x8x50x64xf32, #tpu.memory_space<vmem>> -> memref<1x1x50x64xf32, #tpu.memory_space<vmem>>
    %dma_start3A_99 = tpu.memref_squeeze %dma_start3A_98 : memref<1x1x50x64xf32, #tpu.memory_space<vmem>> -> memref<50x64xf32, #tpu.memory_space<vmem>>
    %dma_start3A_100 = arith.constant 0 : i32
    %dma_start3A_101 = tpu.memref_slice %arg5[%dma_start3A_93, %dma_start3A_100] : memref<128x50xi32, #tpu.memory_space<vmem>> -> memref<1x50xi32, #tpu.memory_space<vmem>>
    %dma_start3A_102 = tpu.memref_squeeze %dma_start3A_101 : memref<1x50xi32, #tpu.memory_space<vmem>> -> memref<50xi32, #tpu.memory_space<vmem>>
    %dma_start3A_103 = arith.constant 0 : i32
    %dma_start3A_104 = arith.constant 0 : i32
    %dma_start3A_105 = tpu.memref_slice %arg3[%dma_start3A_103, %dma_start3A_104] : memref<1000000x64xf32, #tpu.memory_space<hbm>> -> memref<1000000x64xf32, #tpu.memory_space<hbm>>
    tpu.enqueue_indirect_dma source(%dma_start3A_105 : memref<1000000x64xf32, #tpu.memory_space<hbm>>) target(%dma_start3A_99 : memref<50x64xf32, #tpu.memory_space<vmem>>) offsets(%dma_start3A_102 : memref<50xi32, #tpu.memory_space<vmem>>) semaphore(%arg7 : memref<!tpu.dma_semaphore, #tpu.memory_space<semaphore_mem>>)
    %dma_start3A_106 = arith.constant 8 : i32
    %dma_start3A_107 = arith.constant 1 : i32
    %dma_start3A_108 = arith.constant 0 : i32
    %dma_start3A_109 = arith.constant 0 : i32
    %dma_start3A_110 = arith.constant 0 : i32
    %dma_start3A_111 = tpu.memref_slice %arg6[%dma_start3A_107, %dma_start3A_108, %dma_start3A_109, %dma_start3A_110] : memref<4x8x50x64xf32, #tpu.memory_space<vmem>> -> memref<1x1x50x64xf32, #tpu.memory_space<vmem>>
    %dma_start3A_112 = tpu.memref_squeeze %dma_start3A_111 : memref<1x1x50x64xf32, #tpu.memory_space<vmem>> -> memref<50x64xf32, #tpu.memory_space<vmem>>
    %dma_start3A_113 = arith.constant 0 : i32
    %dma_start3A_114 = tpu.memref_slice %arg5[%dma_start3A_106, %dma_start3A_113] : memref<128x50xi32, #tpu.memory_space<vmem>> -> memref<1x50xi32, #tpu.memory_space<vmem>>
    %dma_start3A_115 = tpu.memref_squeeze %dma_start3A_114 : memref<1x50xi32, #tpu.memory_space<vmem>> -> memref<50xi32, #tpu.memory_space<vmem>>
    %dma_start3A_116 = arith.constant 0 : i32
    %dma_start3A_117 = arith.constant 0 : i32
    %dma_start3A_118 = tpu.memref_slice %arg3[%dma_start3A_116, %dma_start3A_117] : memref<1000000x64xf32, #tpu.memory_space<hbm>> -> memref<1000000x64xf32, #tpu.memory_space<hbm>>
    tpu.enqueue_indirect_dma source(%dma_start3A_118 : memref<1000000x64xf32, #tpu.memory_space<hbm>>) target(%dma_start3A_112 : memref<50x64xf32, #tpu.memory_space<vmem>>) offsets(%dma_start3A_115 : memref<50xi32, #tpu.memory_space<vmem>>) semaphore(%arg8 : memref<!tpu.dma_semaphore, #tpu.memory_space<semaphore_mem>>)
    %dma_start3A_119 = arith.constant 9 : i32
    %dma_start3A_120 = arith.constant 1 : i32
    %dma_start3A_121 = arith.constant 1 : i32
    %dma_start3A_122 = arith.constant 0 : i32
    %dma_start3A_123 = arith.constant 0 : i32
    %dma_start3A_124 = tpu.memref_slice %arg6[%dma_start3A_120, %dma_start3A_121, %dma_start3A_122, %dma_start3A_123] : memref<4x8x50x64xf32, #tpu.memory_space<vmem>> -> memref<1x1x50x64xf32, #tpu.memory_space<vmem>>
    %dma_start3A_125 = tpu.memref_squeeze %dma_start3A_124 : memref<1x1x50x64xf32, #tpu.memory_space<vmem>> -> memref<50x64xf32, #tpu.memory_space<vmem>>
    %dma_start3A_126 = arith.constant 0 : i32
    %dma_start3A_127 = tpu.memref_slice %arg5[%dma_start3A_119, %dma_start3A_126] : memref<128x50xi32, #tpu.memory_space<vmem>> -> memref<1x50xi32, #tpu.memory_space<vmem>>
    %dma_start3A_128 = tpu.memref_squeeze %dma_start3A_127 : memref<1x50xi32, #tpu.memory_space<vmem>> -> memref<50xi32, #tpu.memory_space<vmem>>
    %dma_start3A_129 = arith.constant 0 : i32
    %dma_start3A_130 = arith.constant 0 : i32
    %dma_start3A_131 = tpu.memref_slice %arg3[%dma_start3A_129, %dma_start3A_130] : memref<1000000x64xf32, #tpu.memory_space<hbm>> -> memref<1000000x64xf32, #tpu.memory_space<hbm>>
    tpu.enqueue_indirect_dma source(%dma_start3A_131 : memref<1000000x64xf32, #tpu.memory_space<hbm>>) target(%dma_start3A_125 : memref<50x64xf32, #tpu.memory_space<vmem>>) offsets(%dma_start3A_128 : memref<50xi32, #tpu.memory_space<vmem>>) semaphore(%arg8 : memref<!tpu.dma_semaphore, #tpu.memory_space<semaphore_mem>>)
    %dma_start3A_132 = arith.constant 10 : i32
    %dma_start3A_133 = arith.constant 1 : i32
    %dma_start3A_134 = arith.constant 2 : i32
    %dma_start3A_135 = arith.constant 0 : i32
    %dma_start3A_136 = arith.constant 0 : i32
    %dma_start3A_137 = tpu.memref_slice %arg6[%dma_start3A_133, %dma_start3A_134, %dma_start3A_135, %dma_start3A_136] : memref<4x8x50x64xf32, #tpu.memory_space<vmem>> -> memref<1x1x50x64xf32, #tpu.memory_space<vmem>>
    %dma_start3A_138 = tpu.memref_squeeze %dma_start3A_137 : memref<1x1x50x64xf32, #tpu.memory_space<vmem>> -> memref<50x64xf32, #tpu.memory_space<vmem>>
    %dma_start3A_139 = arith.constant 0 : i32
    %dma_start3A_140 = tpu.memref_slice %arg5[%dma_start3A_132, %dma_start3A_139] : memref<128x50xi32, #tpu.memory_space<vmem>> -> memref<1x50xi32, #tpu.memory_space<vmem>>
    %dma_start3A_141 = tpu.memref_squeeze %dma_start3A_140 : memref<1x50xi32, #tpu.memory_space<vmem>> -> memref<50xi32, #tpu.memory_space<vmem>>
    %dma_start3A_142 = arith.constant 0 : i32
    %dma_start3A_143 = arith.constant 0 : i32
    %dma_start3A_144 = tpu.memref_slice %arg3[%dma_start3A_142, %dma_start3A_143] : memref<1000000x64xf32, #tpu.memory_space<hbm>> -> memref<1000000x64xf32, #tpu.memory_space<hbm>>
    tpu.enqueue_indirect_dma source(%dma_start3A_144 : memref<1000000x64xf32, #tpu.memory_space<hbm>>) target(%dma_start3A_138 : memref<50x64xf32, #tpu.memory_space<vmem>>) offsets(%dma_start3A_141 : memref<50xi32, #tpu.memory_space<vmem>>) semaphore(%arg8 : memref<!tpu.dma_semaphore, #tpu.memory_space<semaphore_mem>>)
    %dma_start3A_145 = arith.constant 11 : i32
    %dma_start3A_146 = arith.constant 1 : i32
    %dma_start3A_147 = arith.constant 3 : i32
    %dma_start3A_148 = arith.constant 0 : i32
    %dma_start3A_149 = arith.constant 0 : i32
    %dma_start3A_150 = tpu.memref_slice %arg6[%dma_start3A_146, %dma_start3A_147, %dma_start3A_148, %dma_start3A_149] : memref<4x8x50x64xf32, #tpu.memory_space<vmem>> -> memref<1x1x50x64xf32, #tpu.memory_space<vmem>>
    %dma_start3A_151 = tpu.memref_squeeze %dma_start3A_150 : memref<1x1x50x64xf32, #tpu.memory_space<vmem>> -> memref<50x64xf32, #tpu.memory_space<vmem>>
    %dma_start3A_152 = arith.constant 0 : i32
    %dma_start3A_153 = tpu.memref_slice %arg5[%dma_start3A_145, %dma_start3A_152] : memref<128x50xi32, #tpu.memory_space<vmem>> -> memref<1x50xi32, #tpu.memory_space<vmem>>
    %dma_start3A_154 = tpu.memref_squeeze %dma_start3A_153 : memref<1x50xi32, #tpu.memory_space<vmem>> -> memref<50xi32, #tpu.memory_space<vmem>>
    %dma_start3A_155 = arith.constant 0 : i32
    %dma_start3A_156 = arith.constant 0 : i32
    %dma_start3A_157 = tpu.memref_slice %arg3[%dma_start3A_155, %dma_start3A_156] : memref<1000000x64xf32, #tpu.memory_space<hbm>> -> memref<1000000x64xf32, #tpu.memory_space<hbm>>
    tpu.enqueue_indirect_dma source(%dma_start3A_157 : memref<1000000x64xf32, #tpu.memory_space<hbm>>) target(%dma_start3A_151 : memref<50x64xf32, #tpu.memory_space<vmem>>) offsets(%dma_start3A_154 : memref<50xi32, #tpu.memory_space<vmem>>) semaphore(%arg8 : memref<!tpu.dma_semaphore, #tpu.memory_space<semaphore_mem>>)
    %dma_start3A_158 = arith.constant 12 : i32
    %dma_start3A_159 = arith.constant 1 : i32
    %dma_start3A_160 = arith.constant 4 : i32
    %dma_start3A_161 = arith.constant 0 : i32
    %dma_start3A_162 = arith.constant 0 : i32
    %dma_start3A_163 = tpu.memref_slice %arg6[%dma_start3A_159, %dma_start3A_160, %dma_start3A_161, %dma_start3A_162] : memref<4x8x50x64xf32, #tpu.memory_space<vmem>> -> memref<1x1x50x64xf32, #tpu.memory_space<vmem>>
    %dma_start3A_164 = tpu.memref_squeeze %dma_start3A_163 : memref<1x1x50x64xf32, #tpu.memory_space<vmem>> -> memref<50x64xf32, #tpu.memory_space<vmem>>
    %dma_start3A_165 = arith.constant 0 : i32
    %dma_start3A_166 = tpu.memref_slice %arg5[%dma_start3A_158, %dma_start3A_165] : memref<128x50xi32, #tpu.memory_space<vmem>> -> memref<1x50xi32, #tpu.memory_space<vmem>>
    %dma_start3A_167 = tpu.memref_squeeze %dma_start3A_166 : memref<1x50xi32, #tpu.memory_space<vmem>> -> memref<50xi32, #tpu.memory_space<vmem>>
    %dma_start3A_168 = arith.constant 0 : i32
    %dma_start3A_169 = arith.constant 0 : i32
    %dma_start3A_170 = tpu.memref_slice %arg3[%dma_start3A_168, %dma_start3A_169] : memref<1000000x64xf32, #tpu.memory_space<hbm>> -> memref<1000000x64xf32, #tpu.memory_space<hbm>>
    tpu.enqueue_indirect_dma source(%dma_start3A_170 : memref<1000000x64xf32, #tpu.memory_space<hbm>>) target(%dma_start3A_164 : memref<50x64xf32, #tpu.memory_space<vmem>>) offsets(%dma_start3A_167 : memref<50xi32, #tpu.memory_space<vmem>>) semaphore(%arg8 : memref<!tpu.dma_semaphore, #tpu.memory_space<semaphore_mem>>)
    %dma_start3A_171 = arith.constant 13 : i32
    %dma_start3A_172 = arith.constant 1 : i32
    %dma_start3A_173 = arith.constant 5 : i32
    %dma_start3A_174 = arith.constant 0 : i32
    %dma_start3A_175 = arith.constant 0 : i32
    %dma_start3A_176 = tpu.memref_slice %arg6[%dma_start3A_172, %dma_start3A_173, %dma_start3A_174, %dma_start3A_175] : memref<4x8x50x64xf32, #tpu.memory_space<vmem>> -> memref<1x1x50x64xf32, #tpu.memory_space<vmem>>
    %dma_start3A_177 = tpu.memref_squeeze %dma_start3A_176 : memref<1x1x50x64xf32, #tpu.memory_space<vmem>> -> memref<50x64xf32, #tpu.memory_space<vmem>>
    %dma_start3A_178 = arith.constant 0 : i32
    %dma_start3A_179 = tpu.memref_slice %arg5[%dma_start3A_171, %dma_start3A_178] : memref<128x50xi32, #tpu.memory_space<vmem>> -> memref<1x50xi32, #tpu.memory_space<vmem>>
    %dma_start3A_180 = tpu.memref_squeeze %dma_start3A_179 : memref<1x50xi32, #tpu.memory_space<vmem>> -> memref<50xi32, #tpu.memory_space<vmem>>
    %dma_start3A_181 = arith.constant 0 : i32
    %dma_start3A_182 = arith.constant 0 : i32
    %dma_start3A_183 = tpu.memref_slice %arg3[%dma_start3A_181, %dma_start3A_182] : memref<1000000x64xf32, #tpu.memory_space<hbm>> -> memref<1000000x64xf32, #tpu.memory_space<hbm>>
    tpu.enqueue_indirect_dma source(%dma_start3A_183 : memref<1000000x64xf32, #tpu.memory_space<hbm>>) target(%dma_start3A_177 : memref<50x64xf32, #tpu.memory_space<vmem>>) offsets(%dma_start3A_180 : memref<50xi32, #tpu.memory_space<vmem>>) semaphore(%arg8 : memref<!tpu.dma_semaphore, #tpu.memory_space<semaphore_mem>>)
    %dma_start3A_184 = arith.constant 14 : i32
    %dma_start3A_185 = arith.constant 1 : i32
    %dma_start3A_186 = arith.constant 6 : i32
    %dma_start3A_187 = arith.constant 0 : i32
    %dma_start3A_188 = arith.constant 0 : i32
    %dma_start3A_189 = tpu.memref_slice %arg6[%dma_start3A_185, %dma_start3A_186, %dma_start3A_187, %dma_start3A_188] : memref<4x8x50x64xf32, #tpu.memory_space<vmem>> -> memref<1x1x50x64xf32, #tpu.memory_space<vmem>>
    %dma_start3A_190 = tpu.memref_squeeze %dma_start3A_189 : memref<1x1x50x64xf32, #tpu.memory_space<vmem>> -> memref<50x64xf32, #tpu.memory_space<vmem>>
    %dma_start3A_191 = arith.constant 0 : i32
    %dma_start3A_192 = tpu.memref_slice %arg5[%dma_start3A_184, %dma_start3A_191] : memref<128x50xi32, #tpu.memory_space<vmem>> -> memref<1x50xi32, #tpu.memory_space<vmem>>
    %dma_start3A_193 = tpu.memref_squeeze %dma_start3A_192 : memref<1x50xi32, #tpu.memory_space<vmem>> -> memref<50xi32, #tpu.memory_space<vmem>>
    %dma_start3A_194 = arith.constant 0 : i32
    %dma_start3A_195 = arith.constant 0 : i32
    %dma_start3A_196 = tpu.memref_slice %arg3[%dma_start3A_194, %dma_start3A_195] : memref<1000000x64xf32, #tpu.memory_space<hbm>> -> memref<1000000x64xf32, #tpu.memory_space<hbm>>
    tpu.enqueue_indirect_dma source(%dma_start3A_196 : memref<1000000x64xf32, #tpu.memory_space<hbm>>) target(%dma_start3A_190 : memref<50x64xf32, #tpu.memory_space<vmem>>) offsets(%dma_start3A_193 : memref<50xi32, #tpu.memory_space<vmem>>) semaphore(%arg8 : memref<!tpu.dma_semaphore, #tpu.memory_space<semaphore_mem>>)
    %dma_start3A_197 = arith.constant 15 : i32
    %dma_start3A_198 = arith.constant 1 : i32
    %dma_start3A_199 = arith.constant 7 : i32
    %dma_start3A_200 = arith.constant 0 : i32
    %dma_start3A_201 = arith.constant 0 : i32
    %dma_start3A_202 = tpu.memref_slice %arg6[%dma_start3A_198, %dma_start3A_199, %dma_start3A_200, %dma_start3A_201] : memref<4x8x50x64xf32, #tpu.memory_space<vmem>> -> memref<1x1x50x64xf32, #tpu.memory_space<vmem>>
    %dma_start3A_203 = tpu.memref_squeeze %dma_start3A_202 : memref<1x1x50x64xf32, #tpu.memory_space<vmem>> -> memref<50x64xf32, #tpu.memory_space<vmem>>
    %dma_start3A_204 = arith.constant 0 : i32
    %dma_start3A_205 = tpu.memref_slice %arg5[%dma_start3A_197, %dma_start3A_204] : memref<128x50xi32, #tpu.memory_space<vmem>> -> memref<1x50xi32, #tpu.memory_space<vmem>>
    %dma_start3A_206 = tpu.memref_squeeze %dma_start3A_205 : memref<1x50xi32, #tpu.memory_space<vmem>> -> memref<50xi32, #tpu.memory_space<vmem>>
    %dma_start3A_207 = arith.constant 0 : i32
    %dma_start3A_208 = arith.constant 0 : i32
    %dma_start3A_209 = tpu.memref_slice %arg3[%dma_start3A_207, %dma_start3A_208] : memref<1000000x64xf32, #tpu.memory_space<hbm>> -> memref<1000000x64xf32, #tpu.memory_space<hbm>>
    tpu.enqueue_indirect_dma source(%dma_start3A_209 : memref<1000000x64xf32, #tpu.memory_space<hbm>>) target(%dma_start3A_203 : memref<50x64xf32, #tpu.memory_space<vmem>>) offsets(%dma_start3A_206 : memref<50xi32, #tpu.memory_space<vmem>>) semaphore(%arg8 : memref<!tpu.dma_semaphore, #tpu.memory_space<semaphore_mem>>)
    %dma_start3A_210 = arith.constant 16 : i32
    %dma_start3A_211 = arith.constant 2 : i32
    %dma_start3A_212 = arith.constant 0 : i32
    %dma_start3A_213 = arith.constant 0 : i32
    %dma_start3A_214 = arith.constant 0 : i32
    %dma_start3A_215 = tpu.memref_slice %arg6[%dma_start3A_211, %dma_start3A_212, %dma_start3A_213, %dma_start3A_214] : memref<4x8x50x64xf32, #tpu.memory_space<vmem>> -> memref<1x1x50x64xf32, #tpu.memory_space<vmem>>
    %dma_start3A_216 = tpu.memref_squeeze %dma_start3A_215 : memref<1x1x50x64xf32, #tpu.memory_space<vmem>> -> memref<50x64xf32, #tpu.memory_space<vmem>>
    %dma_start3A_217 = arith.constant 0 : i32
    %dma_start3A_218 = tpu.memref_slice %arg5[%dma_start3A_210, %dma_start3A_217] : memref<128x50xi32, #tpu.memory_space<vmem>> -> memref<1x50xi32, #tpu.memory_space<vmem>>
    %dma_start3A_219 = tpu.memref_squeeze %dma_start3A_218 : memref<1x50xi32, #tpu.memory_space<vmem>> -> memref<50xi32, #tpu.memory_space<vmem>>
    %dma_start3A_220 = arith.constant 0 : i32
    %dma_start3A_221 = arith.constant 0 : i32
    %dma_start3A_222 = tpu.memref_slice %arg3[%dma_start3A_220, %dma_start3A_221] : memref<1000000x64xf32, #tpu.memory_space<hbm>> -> memref<1000000x64xf32, #tpu.memory_space<hbm>>
    tpu.enqueue_indirect_dma source(%dma_start3A_222 : memref<1000000x64xf32, #tpu.memory_space<hbm>>) target(%dma_start3A_216 : memref<50x64xf32, #tpu.memory_space<vmem>>) offsets(%dma_start3A_219 : memref<50xi32, #tpu.memory_space<vmem>>) semaphore(%arg9 : memref<!tpu.dma_semaphore, #tpu.memory_space<semaphore_mem>>)
    %dma_start3A_223 = arith.constant 17 : i32
    %dma_start3A_224 = arith.constant 2 : i32
    %dma_start3A_225 = arith.constant 1 : i32
    %dma_start3A_226 = arith.constant 0 : i32
    %dma_start3A_227 = arith.constant 0 : i32
    %dma_start3A_228 = tpu.memref_slice %arg6[%dma_start3A_224, %dma_start3A_225, %dma_start3A_226, %dma_start3A_227] : memref<4x8x50x64xf32, #tpu.memory_space<vmem>> -> memref<1x1x50x64xf32, #tpu.memory_space<vmem>>
    %dma_start3A_229 = tpu.memref_squeeze %dma_start3A_228 : memref<1x1x50x64xf32, #tpu.memory_space<vmem>> -> memref<50x64xf32, #tpu.memory_space<vmem>>
    %dma_start3A_230 = arith.constant 0 : i32
    %dma_start3A_231 = tpu.memref_slice %arg5[%dma_start3A_223, %dma_start3A_230] : memref<128x50xi32, #tpu.memory_space<vmem>> -> memref<1x50xi32, #tpu.memory_space<vmem>>
    %dma_start3A_232 = tpu.memref_squeeze %dma_start3A_231 : memref<1x50xi32, #tpu.memory_space<vmem>> -> memref<50xi32, #tpu.memory_space<vmem>>
    %dma_start3A_233 = arith.constant 0 : i32
    %dma_start3A_234 = arith.constant 0 : i32
    %dma_start3A_235 = tpu.memref_slice %arg3[%dma_start3A_233, %dma_start3A_234] : memref<1000000x64xf32, #tpu.memory_space<hbm>> -> memref<1000000x64xf32, #tpu.memory_space<hbm>>
    tpu.enqueue_indirect_dma source(%dma_start3A_235 : memref<1000000x64xf32, #tpu.memory_space<hbm>>) target(%dma_start3A_229 : memref<50x64xf32, #tpu.memory_space<vmem>>) offsets(%dma_start3A_232 : memref<50xi32, #tpu.memory_space<vmem>>) semaphore(%arg9 : memref<!tpu.dma_semaphore, #tpu.memory_space<semaphore_mem>>)
    %dma_start3A_236 = arith.constant 18 : i32
    %dma_start3A_237 = arith.constant 2 : i32
    %dma_start3A_238 = arith.constant 2 : i32
    %dma_start3A_239 = arith.constant 0 : i32
    %dma_start3A_240 = arith.constant 0 : i32
    %dma_start3A_241 = tpu.memref_slice %arg6[%dma_start3A_237, %dma_start3A_238, %dma_start3A_239, %dma_start3A_240] : memref<4x8x50x64xf32, #tpu.memory_space<vmem>> -> memref<1x1x50x64xf32, #tpu.memory_space<vmem>>
    %dma_start3A_242 = tpu.memref_squeeze %dma_start3A_241 : memref<1x1x50x64xf32, #tpu.memory_space<vmem>> -> memref<50x64xf32, #tpu.memory_space<vmem>>
    %dma_start3A_243 = arith.constant 0 : i32
    %dma_start3A_244 = tpu.memref_slice %arg5[%dma_start3A_236, %dma_start3A_243] : memref<128x50xi32, #tpu.memory_space<vmem>> -> memref<1x50xi32, #tpu.memory_space<vmem>>
    %dma_start3A_245 = tpu.memref_squeeze %dma_start3A_244 : memref<1x50xi32, #tpu.memory_space<vmem>> -> memref<50xi32, #tpu.memory_space<vmem>>
    %dma_start3A_246 = arith.constant 0 : i32
    %dma_start3A_247 = arith.constant 0 : i32
    %dma_start3A_248 = tpu.memref_slice %arg3[%dma_start3A_246, %dma_start3A_247] : memref<1000000x64xf32, #tpu.memory_space<hbm>> -> memref<1000000x64xf32, #tpu.memory_space<hbm>>
    tpu.enqueue_indirect_dma source(%dma_start3A_248 : memref<1000000x64xf32, #tpu.memory_space<hbm>>) target(%dma_start3A_242 : memref<50x64xf32, #tpu.memory_space<vmem>>) offsets(%dma_start3A_245 : memref<50xi32, #tpu.memory_space<vmem>>) semaphore(%arg9 : memref<!tpu.dma_semaphore, #tpu.memory_space<semaphore_mem>>)
    %dma_start3A_249 = arith.constant 19 : i32
    %dma_start3A_250 = arith.constant 2 : i32
    %dma_start3A_251 = arith.constant 3 : i32
    %dma_start3A_252 = arith.constant 0 : i32
    %dma_start3A_253 = arith.constant 0 : i32
    %dma_start3A_254 = tpu.memref_slice %arg6[%dma_start3A_250, %dma_start3A_251, %dma_start3A_252, %dma_start3A_253] : memref<4x8x50x64xf32, #tpu.memory_space<vmem>> -> memref<1x1x50x64xf32, #tpu.memory_space<vmem>>
    %dma_start3A_255 = tpu.memref_squeeze %dma_start3A_254 : memref<1x1x50x64xf32, #tpu.memory_space<vmem>> -> memref<50x64xf32, #tpu.memory_space<vmem>>
    %dma_start3A_256 = arith.constant 0 : i32
    %dma_start3A_257 = tpu.memref_slice %arg5[%dma_start3A_249, %dma_start3A_256] : memref<128x50xi32, #tpu.memory_space<vmem>> -> memref<1x50xi32, #tpu.memory_space<vmem>>
    %dma_start3A_258 = tpu.memref_squeeze %dma_start3A_257 : memref<1x50xi32, #tpu.memory_space<vmem>> -> memref<50xi32, #tpu.memory_space<vmem>>
    %dma_start3A_259 = arith.constant 0 : i32
    %dma_start3A_260 = arith.constant 0 : i32
    %dma_start3A_261 = tpu.memref_slice %arg3[%dma_start3A_259, %dma_start3A_260] : memref<1000000x64xf32, #tpu.memory_space<hbm>> -> memref<1000000x64xf32, #tpu.memory_space<hbm>>
    tpu.enqueue_indirect_dma source(%dma_start3A_261 : memref<1000000x64xf32, #tpu.memory_space<hbm>>) target(%dma_start3A_255 : memref<50x64xf32, #tpu.memory_space<vmem>>) offsets(%dma_start3A_258 : memref<50xi32, #tpu.memory_space<vmem>>) semaphore(%arg9 : memref<!tpu.dma_semaphore, #tpu.memory_space<semaphore_mem>>)
    %dma_start3A_262 = arith.constant 20 : i32
    %dma_start3A_263 = arith.constant 2 : i32
    %dma_start3A_264 = arith.constant 4 : i32
    %dma_start3A_265 = arith.constant 0 : i32
    %dma_start3A_266 = arith.constant 0 : i32
    %dma_start3A_267 = tpu.memref_slice %arg6[%dma_start3A_263, %dma_start3A_264, %dma_start3A_265, %dma_start3A_266] : memref<4x8x50x64xf32, #tpu.memory_space<vmem>> -> memref<1x1x50x64xf32, #tpu.memory_space<vmem>>
    %dma_start3A_268 = tpu.memref_squeeze %dma_start3A_267 : memref<1x1x50x64xf32, #tpu.memory_space<vmem>> -> memref<50x64xf32, #tpu.memory_space<vmem>>
    %dma_start3A_269 = arith.constant 0 : i32
    %dma_start3A_270 = tpu.memref_slice %arg5[%dma_start3A_262, %dma_start3A_269] : memref<128x50xi32, #tpu.memory_space<vmem>> -> memref<1x50xi32, #tpu.memory_space<vmem>>
    %dma_start3A_271 = tpu.memref_squeeze %dma_start3A_270 : memref<1x50xi32, #tpu.memory_space<vmem>> -> memref<50xi32, #tpu.memory_space<vmem>>
    %dma_start3A_272 = arith.constant 0 : i32
    %dma_start3A_273 = arith.constant 0 : i32
    %dma_start3A_274 = tpu.memref_slice %arg3[%dma_start3A_272, %dma_start3A_273] : memref<1000000x64xf32, #tpu.memory_space<hbm>> -> memref<1000000x64xf32, #tpu.memory_space<hbm>>
    tpu.enqueue_indirect_dma source(%dma_start3A_274 : memref<1000000x64xf32, #tpu.memory_space<hbm>>) target(%dma_start3A_268 : memref<50x64xf32, #tpu.memory_space<vmem>>) offsets(%dma_start3A_271 : memref<50xi32, #tpu.memory_space<vmem>>) semaphore(%arg9 : memref<!tpu.dma_semaphore, #tpu.memory_space<semaphore_mem>>)
    %dma_start3A_275 = arith.constant 21 : i32
    %dma_start3A_276 = arith.constant 2 : i32
    %dma_start3A_277 = arith.constant 5 : i32
    %dma_start3A_278 = arith.constant 0 : i32
    %dma_start3A_279 = arith.constant 0 : i32
    %dma_start3A_280 = tpu.memref_slice %arg6[%dma_start3A_276, %dma_start3A_277, %dma_start3A_278, %dma_start3A_279] : memref<4x8x50x64xf32, #tpu.memory_space<vmem>> -> memref<1x1x50x64xf32, #tpu.memory_space<vmem>>
    %dma_start3A_281 = tpu.memref_squeeze %dma_start3A_280 : memref<1x1x50x64xf32, #tpu.memory_space<vmem>> -> memref<50x64xf32, #tpu.memory_space<vmem>>
    %dma_start3A_282 = arith.constant 0 : i32
    %dma_start3A_283 = tpu.memref_slice %arg5[%dma_start3A_275, %dma_start3A_282] : memref<128x50xi32, #tpu.memory_space<vmem>> -> memref<1x50xi32, #tpu.memory_space<vmem>>
    %dma_start3A_284 = tpu.memref_squeeze %dma_start3A_283 : memref<1x50xi32, #tpu.memory_space<vmem>> -> memref<50xi32, #tpu.memory_space<vmem>>
    %dma_start3A_285 = arith.constant 0 : i32
    %dma_start3A_286 = arith.constant 0 : i32
    %dma_start3A_287 = tpu.memref_slice %arg3[%dma_start3A_285, %dma_start3A_286] : memref<1000000x64xf32, #tpu.memory_space<hbm>> -> memref<1000000x64xf32, #tpu.memory_space<hbm>>
    tpu.enqueue_indirect_dma source(%dma_start3A_287 : memref<1000000x64xf32, #tpu.memory_space<hbm>>) target(%dma_start3A_281 : memref<50x64xf32, #tpu.memory_space<vmem>>) offsets(%dma_start3A_284 : memref<50xi32, #tpu.memory_space<vmem>>) semaphore(%arg9 : memref<!tpu.dma_semaphore, #tpu.memory_space<semaphore_mem>>)
    %dma_start3A_288 = arith.constant 22 : i32
    %dma_start3A_289 = arith.constant 2 : i32
    %dma_start3A_290 = arith.constant 6 : i32
    %dma_start3A_291 = arith.constant 0 : i32
    %dma_start3A_292 = arith.constant 0 : i32
    %dma_start3A_293 = tpu.memref_slice %arg6[%dma_start3A_289, %dma_start3A_290, %dma_start3A_291, %dma_start3A_292] : memref<4x8x50x64xf32, #tpu.memory_space<vmem>> -> memref<1x1x50x64xf32, #tpu.memory_space<vmem>>
    %dma_start3A_294 = tpu.memref_squeeze %dma_start3A_293 : memref<1x1x50x64xf32, #tpu.memory_space<vmem>> -> memref<50x64xf32, #tpu.memory_space<vmem>>
    %dma_start3A_295 = arith.constant 0 : i32
    %dma_start3A_296 = tpu.memref_slice %arg5[%dma_start3A_288, %dma_start3A_295] : memref<128x50xi32, #tpu.memory_space<vmem>> -> memref<1x50xi32, #tpu.memory_space<vmem>>
    %dma_start3A_297 = tpu.memref_squeeze %dma_start3A_296 : memref<1x50xi32, #tpu.memory_space<vmem>> -> memref<50xi32, #tpu.memory_space<vmem>>
    %dma_start3A_298 = arith.constant 0 : i32
    %dma_start3A_299 = arith.constant 0 : i32
    %dma_start3A_300 = tpu.memref_slice %arg3[%dma_start3A_298, %dma_start3A_299] : memref<1000000x64xf32, #tpu.memory_space<hbm>> -> memref<1000000x64xf32, #tpu.memory_space<hbm>>
    tpu.enqueue_indirect_dma source(%dma_start3A_300 : memref<1000000x64xf32, #tpu.memory_space<hbm>>) target(%dma_start3A_294 : memref<50x64xf32, #tpu.memory_space<vmem>>) offsets(%dma_start3A_297 : memref<50xi32, #tpu.memory_space<vmem>>) semaphore(%arg9 : memref<!tpu.dma_semaphore, #tpu.memory_space<semaphore_mem>>)
    %dma_start3A_301 = arith.constant 23 : i32
    %dma_start3A_302 = arith.constant 2 : i32
    %dma_start3A_303 = arith.constant 7 : i32
    %dma_start3A_304 = arith.constant 0 : i32
    %dma_start3A_305 = arith.constant 0 : i32
    %dma_start3A_306 = tpu.memref_slice %arg6[%dma_start3A_302, %dma_start3A_303, %dma_start3A_304, %dma_start3A_305] : memref<4x8x50x64xf32, #tpu.memory_space<vmem>> -> memref<1x1x50x64xf32, #tpu.memory_space<vmem>>
    %dma_start3A_307 = tpu.memref_squeeze %dma_start3A_306 : memref<1x1x50x64xf32, #tpu.memory_space<vmem>> -> memref<50x64xf32, #tpu.memory_space<vmem>>
    %dma_start3A_308 = arith.constant 0 : i32
    %dma_start3A_309 = tpu.memref_slice %arg5[%dma_start3A_301, %dma_start3A_308] : memref<128x50xi32, #tpu.memory_space<vmem>> -> memref<1x50xi32, #tpu.memory_space<vmem>>
    %dma_start3A_310 = tpu.memref_squeeze %dma_start3A_309 : memref<1x50xi32, #tpu.memory_space<vmem>> -> memref<50xi32, #tpu.memory_space<vmem>>
    %dma_start3A_311 = arith.constant 0 : i32
    %dma_start3A_312 = arith.constant 0 : i32
    %dma_start3A_313 = tpu.memref_slice %arg3[%dma_start3A_311, %dma_start3A_312] : memref<1000000x64xf32, #tpu.memory_space<hbm>> -> memref<1000000x64xf32, #tpu.memory_space<hbm>>
    tpu.enqueue_indirect_dma source(%dma_start3A_313 : memref<1000000x64xf32, #tpu.memory_space<hbm>>) target(%dma_start3A_307 : memref<50x64xf32, #tpu.memory_space<vmem>>) offsets(%dma_start3A_310 : memref<50xi32, #tpu.memory_space<vmem>>) semaphore(%arg9 : memref<!tpu.dma_semaphore, #tpu.memory_space<semaphore_mem>>)
    %dma_start3A_314 = arith.constant 24 : i32
    %dma_start3A_315 = arith.constant 3 : i32
    %dma_start3A_316 = arith.constant 0 : i32
    %dma_start3A_317 = arith.constant 0 : i32
    %dma_start3A_318 = arith.constant 0 : i32
    %dma_start3A_319 = tpu.memref_slice %arg6[%dma_start3A_315, %dma_start3A_316, %dma_start3A_317, %dma_start3A_318] : memref<4x8x50x64xf32, #tpu.memory_space<vmem>> -> memref<1x1x50x64xf32, #tpu.memory_space<vmem>>
    %dma_start3A_320 = tpu.memref_squeeze %dma_start3A_319 : memref<1x1x50x64xf32, #tpu.memory_space<vmem>> -> memref<50x64xf32, #tpu.memory_space<vmem>>
    %dma_start3A_321 = arith.constant 0 : i32
    %dma_start3A_322 = tpu.memref_slice %arg5[%dma_start3A_314, %dma_start3A_321] : memref<128x50xi32, #tpu.memory_space<vmem>> -> memref<1x50xi32, #tpu.memory_space<vmem>>
    %dma_start3A_323 = tpu.memref_squeeze %dma_start3A_322 : memref<1x50xi32, #tpu.memory_space<vmem>> -> memref<50xi32, #tpu.memory_space<vmem>>
    %dma_start3A_324 = arith.constant 0 : i32
    %dma_start3A_325 = arith.constant 0 : i32
    %dma_start3A_326 = tpu.memref_slice %arg3[%dma_start3A_324, %dma_start3A_325] : memref<1000000x64xf32, #tpu.memory_space<hbm>> -> memref<1000000x64xf32, #tpu.memory_space<hbm>>
    tpu.enqueue_indirect_dma source(%dma_start3A_326 : memref<1000000x64xf32, #tpu.memory_space<hbm>>) target(%dma_start3A_320 : memref<50x64xf32, #tpu.memory_space<vmem>>) offsets(%dma_start3A_323 : memref<50xi32, #tpu.memory_space<vmem>>) semaphore(%arg10 : memref<!tpu.dma_semaphore, #tpu.memory_space<semaphore_mem>>)
    %dma_start3A_327 = arith.constant 25 : i32
    %dma_start3A_328 = arith.constant 3 : i32
    %dma_start3A_329 = arith.constant 1 : i32
    %dma_start3A_330 = arith.constant 0 : i32
    %dma_start3A_331 = arith.constant 0 : i32
    %dma_start3A_332 = tpu.memref_slice %arg6[%dma_start3A_328, %dma_start3A_329, %dma_start3A_330, %dma_start3A_331] : memref<4x8x50x64xf32, #tpu.memory_space<vmem>> -> memref<1x1x50x64xf32, #tpu.memory_space<vmem>>
    %dma_start3A_333 = tpu.memref_squeeze %dma_start3A_332 : memref<1x1x50x64xf32, #tpu.memory_space<vmem>> -> memref<50x64xf32, #tpu.memory_space<vmem>>
    %dma_start3A_334 = arith.constant 0 : i32
    %dma_start3A_335 = tpu.memref_slice %arg5[%dma_start3A_327, %dma_start3A_334] : memref<128x50xi32, #tpu.memory_space<vmem>> -> memref<1x50xi32, #tpu.memory_space<vmem>>
    %dma_start3A_336 = tpu.memref_squeeze %dma_start3A_335 : memref<1x50xi32, #tpu.memory_space<vmem>> -> memref<50xi32, #tpu.memory_space<vmem>>
    %dma_start3A_337 = arith.constant 0 : i32
    %dma_start3A_338 = arith.constant 0 : i32
    %dma_start3A_339 = tpu.memref_slice %arg3[%dma_start3A_337, %dma_start3A_338] : memref<1000000x64xf32, #tpu.memory_space<hbm>> -> memref<1000000x64xf32, #tpu.memory_space<hbm>>
    tpu.enqueue_indirect_dma source(%dma_start3A_339 : memref<1000000x64xf32, #tpu.memory_space<hbm>>) target(%dma_start3A_333 : memref<50x64xf32, #tpu.memory_space<vmem>>) offsets(%dma_start3A_336 : memref<50xi32, #tpu.memory_space<vmem>>) semaphore(%arg10 : memref<!tpu.dma_semaphore, #tpu.memory_space<semaphore_mem>>)
    %dma_start3A_340 = arith.constant 26 : i32
    %dma_start3A_341 = arith.constant 3 : i32
    %dma_start3A_342 = arith.constant 2 : i32
    %dma_start3A_343 = arith.constant 0 : i32
    %dma_start3A_344 = arith.constant 0 : i32
    %dma_start3A_345 = tpu.memref_slice %arg6[%dma_start3A_341, %dma_start3A_342, %dma_start3A_343, %dma_start3A_344] : memref<4x8x50x64xf32, #tpu.memory_space<vmem>> -> memref<1x1x50x64xf32, #tpu.memory_space<vmem>>
    %dma_start3A_346 = tpu.memref_squeeze %dma_start3A_345 : memref<1x1x50x64xf32, #tpu.memory_space<vmem>> -> memref<50x64xf32, #tpu.memory_space<vmem>>
    %dma_start3A_347 = arith.constant 0 : i32
    %dma_start3A_348 = tpu.memref_slice %arg5[%dma_start3A_340, %dma_start3A_347] : memref<128x50xi32, #tpu.memory_space<vmem>> -> memref<1x50xi32, #tpu.memory_space<vmem>>
    %dma_start3A_349 = tpu.memref_squeeze %dma_start3A_348 : memref<1x50xi32, #tpu.memory_space<vmem>> -> memref<50xi32, #tpu.memory_space<vmem>>
    %dma_start3A_350 = arith.constant 0 : i32
    %dma_start3A_351 = arith.constant 0 : i32
    %dma_start3A_352 = tpu.memref_slice %arg3[%dma_start3A_350, %dma_start3A_351] : memref<1000000x64xf32, #tpu.memory_space<hbm>> -> memref<1000000x64xf32, #tpu.memory_space<hbm>>
    tpu.enqueue_indirect_dma source(%dma_start3A_352 : memref<1000000x64xf32, #tpu.memory_space<hbm>>) target(%dma_start3A_346 : memref<50x64xf32, #tpu.memory_space<vmem>>) offsets(%dma_start3A_349 : memref<50xi32, #tpu.memory_space<vmem>>) semaphore(%arg10 : memref<!tpu.dma_semaphore, #tpu.memory_space<semaphore_mem>>)
    %dma_start3A_353 = arith.constant 27 : i32
    %dma_start3A_354 = arith.constant 3 : i32
    %dma_start3A_355 = arith.constant 3 : i32
    %dma_start3A_356 = arith.constant 0 : i32
    %dma_start3A_357 = arith.constant 0 : i32
    %dma_start3A_358 = tpu.memref_slice %arg6[%dma_start3A_354, %dma_start3A_355, %dma_start3A_356, %dma_start3A_357] : memref<4x8x50x64xf32, #tpu.memory_space<vmem>> -> memref<1x1x50x64xf32, #tpu.memory_space<vmem>>
    %dma_start3A_359 = tpu.memref_squeeze %dma_start3A_358 : memref<1x1x50x64xf32, #tpu.memory_space<vmem>> -> memref<50x64xf32, #tpu.memory_space<vmem>>
    %dma_start3A_360 = arith.constant 0 : i32
    %dma_start3A_361 = tpu.memref_slice %arg5[%dma_start3A_353, %dma_start3A_360] : memref<128x50xi32, #tpu.memory_space<vmem>> -> memref<1x50xi32, #tpu.memory_space<vmem>>
    %dma_start3A_362 = tpu.memref_squeeze %dma_start3A_361 : memref<1x50xi32, #tpu.memory_space<vmem>> -> memref<50xi32, #tpu.memory_space<vmem>>
    %dma_start3A_363 = arith.constant 0 : i32
    %dma_start3A_364 = arith.constant 0 : i32
    %dma_start3A_365 = tpu.memref_slice %arg3[%dma_start3A_363, %dma_start3A_364] : memref<1000000x64xf32, #tpu.memory_space<hbm>> -> memref<1000000x64xf32, #tpu.memory_space<hbm>>
    tpu.enqueue_indirect_dma source(%dma_start3A_365 : memref<1000000x64xf32, #tpu.memory_space<hbm>>) target(%dma_start3A_359 : memref<50x64xf32, #tpu.memory_space<vmem>>) offsets(%dma_start3A_362 : memref<50xi32, #tpu.memory_space<vmem>>) semaphore(%arg10 : memref<!tpu.dma_semaphore, #tpu.memory_space<semaphore_mem>>)
    %dma_start3A_366 = arith.constant 28 : i32
    %dma_start3A_367 = arith.constant 3 : i32
    %dma_start3A_368 = arith.constant 4 : i32
    %dma_start3A_369 = arith.constant 0 : i32
    %dma_start3A_370 = arith.constant 0 : i32
    %dma_start3A_371 = tpu.memref_slice %arg6[%dma_start3A_367, %dma_start3A_368, %dma_start3A_369, %dma_start3A_370] : memref<4x8x50x64xf32, #tpu.memory_space<vmem>> -> memref<1x1x50x64xf32, #tpu.memory_space<vmem>>
    %dma_start3A_372 = tpu.memref_squeeze %dma_start3A_371 : memref<1x1x50x64xf32, #tpu.memory_space<vmem>> -> memref<50x64xf32, #tpu.memory_space<vmem>>
    %dma_start3A_373 = arith.constant 0 : i32
    %dma_start3A_374 = tpu.memref_slice %arg5[%dma_start3A_366, %dma_start3A_373] : memref<128x50xi32, #tpu.memory_space<vmem>> -> memref<1x50xi32, #tpu.memory_space<vmem>>
    %dma_start3A_375 = tpu.memref_squeeze %dma_start3A_374 : memref<1x50xi32, #tpu.memory_space<vmem>> -> memref<50xi32, #tpu.memory_space<vmem>>
    %dma_start3A_376 = arith.constant 0 : i32
    %dma_start3A_377 = arith.constant 0 : i32
    %dma_start3A_378 = tpu.memref_slice %arg3[%dma_start3A_376, %dma_start3A_377] : memref<1000000x64xf32, #tpu.memory_space<hbm>> -> memref<1000000x64xf32, #tpu.memory_space<hbm>>
    tpu.enqueue_indirect_dma source(%dma_start3A_378 : memref<1000000x64xf32, #tpu.memory_space<hbm>>) target(%dma_start3A_372 : memref<50x64xf32, #tpu.memory_space<vmem>>) offsets(%dma_start3A_375 : memref<50xi32, #tpu.memory_space<vmem>>) semaphore(%arg10 : memref<!tpu.dma_semaphore, #tpu.memory_space<semaphore_mem>>)
    %dma_start3A_379 = arith.constant 29 : i32
    %dma_start3A_380 = arith.constant 3 : i32
    %dma_start3A_381 = arith.constant 5 : i32
    %dma_start3A_382 = arith.constant 0 : i32
    %dma_start3A_383 = arith.constant 0 : i32
    %dma_start3A_384 = tpu.memref_slice %arg6[%dma_start3A_380, %dma_start3A_381, %dma_start3A_382, %dma_start3A_383] : memref<4x8x50x64xf32, #tpu.memory_space<vmem>> -> memref<1x1x50x64xf32, #tpu.memory_space<vmem>>
    %dma_start3A_385 = tpu.memref_squeeze %dma_start3A_384 : memref<1x1x50x64xf32, #tpu.memory_space<vmem>> -> memref<50x64xf32, #tpu.memory_space<vmem>>
    %dma_start3A_386 = arith.constant 0 : i32
    %dma_start3A_387 = tpu.memref_slice %arg5[%dma_start3A_379, %dma_start3A_386] : memref<128x50xi32, #tpu.memory_space<vmem>> -> memref<1x50xi32, #tpu.memory_space<vmem>>
    %dma_start3A_388 = tpu.memref_squeeze %dma_start3A_387 : memref<1x50xi32, #tpu.memory_space<vmem>> -> memref<50xi32, #tpu.memory_space<vmem>>
    %dma_start3A_389 = arith.constant 0 : i32
    %dma_start3A_390 = arith.constant 0 : i32
    %dma_start3A_391 = tpu.memref_slice %arg3[%dma_start3A_389, %dma_start3A_390] : memref<1000000x64xf32, #tpu.memory_space<hbm>> -> memref<1000000x64xf32, #tpu.memory_space<hbm>>
    tpu.enqueue_indirect_dma source(%dma_start3A_391 : memref<1000000x64xf32, #tpu.memory_space<hbm>>) target(%dma_start3A_385 : memref<50x64xf32, #tpu.memory_space<vmem>>) offsets(%dma_start3A_388 : memref<50xi32, #tpu.memory_space<vmem>>) semaphore(%arg10 : memref<!tpu.dma_semaphore, #tpu.memory_space<semaphore_mem>>)
    %dma_start3A_392 = arith.constant 30 : i32
    %dma_start3A_393 = arith.constant 3 : i32
    %dma_start3A_394 = arith.constant 6 : i32
    %dma_start3A_395 = arith.constant 0 : i32
    %dma_start3A_396 = arith.constant 0 : i32
    %dma_start3A_397 = tpu.memref_slice %arg6[%dma_start3A_393, %dma_start3A_394, %dma_start3A_395, %dma_start3A_396] : memref<4x8x50x64xf32, #tpu.memory_space<vmem>> -> memref<1x1x50x64xf32, #tpu.memory_space<vmem>>
    %dma_start3A_398 = tpu.memref_squeeze %dma_start3A_397 : memref<1x1x50x64xf32, #tpu.memory_space<vmem>> -> memref<50x64xf32, #tpu.memory_space<vmem>>
    %dma_start3A_399 = arith.constant 0 : i32
    %dma_start3A_400 = tpu.memref_slice %arg5[%dma_start3A_392, %dma_start3A_399] : memref<128x50xi32, #tpu.memory_space<vmem>> -> memref<1x50xi32, #tpu.memory_space<vmem>>
    %dma_start3A_401 = tpu.memref_squeeze %dma_start3A_400 : memref<1x50xi32, #tpu.memory_space<vmem>> -> memref<50xi32, #tpu.memory_space<vmem>>
    %dma_start3A_402 = arith.constant 0 : i32
    %dma_start3A_403 = arith.constant 0 : i32
    %dma_start3A_404 = tpu.memref_slice %arg3[%dma_start3A_402, %dma_start3A_403] : memref<1000000x64xf32, #tpu.memory_space<hbm>> -> memref<1000000x64xf32, #tpu.memory_space<hbm>>
    tpu.enqueue_indirect_dma source(%dma_start3A_404 : memref<1000000x64xf32, #tpu.memory_space<hbm>>) target(%dma_start3A_398 : memref<50x64xf32, #tpu.memory_space<vmem>>) offsets(%dma_start3A_401 : memref<50xi32, #tpu.memory_space<vmem>>) semaphore(%arg10 : memref<!tpu.dma_semaphore, #tpu.memory_space<semaphore_mem>>)
    %dma_start3A_405 = arith.constant 31 : i32
    %dma_start3A_406 = arith.constant 3 : i32
    %dma_start3A_407 = arith.constant 7 : i32
    %dma_start3A_408 = arith.constant 0 : i32
    %dma_start3A_409 = arith.constant 0 : i32
    %dma_start3A_410 = tpu.memref_slice %arg6[%dma_start3A_406, %dma_start3A_407, %dma_start3A_408, %dma_start3A_409] : memref<4x8x50x64xf32, #tpu.memory_space<vmem>> -> memref<1x1x50x64xf32, #tpu.memory_space<vmem>>
    %dma_start3A_411 = tpu.memref_squeeze %dma_start3A_410 : memref<1x1x50x64xf32, #tpu.memory_space<vmem>> -> memref<50x64xf32, #tpu.memory_space<vmem>>
    %dma_start3A_412 = arith.constant 0 : i32
    %dma_start3A_413 = tpu.memref_slice %arg5[%dma_start3A_405, %dma_start3A_412] : memref<128x50xi32, #tpu.memory_space<vmem>> -> memref<1x50xi32, #tpu.memory_space<vmem>>
    %dma_start3A_414 = tpu.memref_squeeze %dma_start3A_413 : memref<1x50xi32, #tpu.memory_space<vmem>> -> memref<50xi32, #tpu.memory_space<vmem>>
    %dma_start3A_415 = arith.constant 0 : i32
    %dma_start3A_416 = arith.constant 0 : i32
    %dma_start3A_417 = tpu.memref_slice %arg3[%dma_start3A_415, %dma_start3A_416] : memref<1000000x64xf32, #tpu.memory_space<hbm>> -> memref<1000000x64xf32, #tpu.memory_space<hbm>>
    tpu.enqueue_indirect_dma source(%dma_start3A_417 : memref<1000000x64xf32, #tpu.memory_space<hbm>>) target(%dma_start3A_411 : memref<50x64xf32, #tpu.memory_space<vmem>>) offsets(%dma_start3A_414 : memref<50xi32, #tpu.memory_space<vmem>>) semaphore(%arg10 : memref<!tpu.dma_semaphore, #tpu.memory_space<semaphore_mem>>)
    %scan3A = arith.constant 0 : i32
    %scan3A_418 = arith.constant 0 : i32
    %scan3A_419 = arith.constant 4 : i32
    %scan3A_420 = arith.addi %scan3A_418, %scan3A_419 : i32
    %scan3A_421 = arith.constant 1 : i32
    scf.for %scan3A_490 = %scan3A_418 to %scan3A_420 step %scan3A_421  : i32 {
      %mul3A_491 = arith.constant 4 : i32
      %mul3A_492 = arith.muli %scan3A_490, %mul3A_491 : i32
      %add3A_493 = arith.constant 0 : i32
      %add3A_494 = arith.addi %mul3A_492, %add3A_493 : i32
      %dma_wait3A_495 = arith.constant 0 : i32
      %dma_wait3A_496 = arith.constant 0 : i32
      %dma_wait3A_497 = arith.constant 0 : i32
      %dma_wait3A_498 = arith.constant 0 : i32
      %dma_wait3A_499 = arith.constant 0 : i32
      %dma_wait3A_500 = tpu.memref_slice %arg6[%dma_wait3A_496, %dma_wait3A_497, %dma_wait3A_498, %dma_wait3A_499] : memref<4x8x50x64xf32, #tpu.memory_space<vmem>> -> memref<1x1x50x64xf32, #tpu.memory_space<vmem>>
      %dma_wait3A_501 = tpu.memref_squeeze %dma_wait3A_500 : memref<1x1x50x64xf32, #tpu.memory_space<vmem>> -> memref<50x64xf32, #tpu.memory_space<vmem>>
      %dma_wait3A_502 = arith.constant 0 : i32
      %dma_wait3A_503 = tpu.memref_slice %arg5[%dma_wait3A_495, %dma_wait3A_502] : memref<128x50xi32, #tpu.memory_space<vmem>> -> memref<1x50xi32, #tpu.memory_space<vmem>>
      %dma_wait3A_504 = tpu.memref_squeeze %dma_wait3A_503 : memref<1x50xi32, #tpu.memory_space<vmem>> -> memref<50xi32, #tpu.memory_space<vmem>>
      %dma_wait3A_505 = arith.constant 0 : i32
      %dma_wait3A_506 = arith.constant 0 : i32
      %dma_wait3A_507 = tpu.memref_slice %arg3[%dma_wait3A_505, %dma_wait3A_506] : memref<1000000x64xf32, #tpu.memory_space<hbm>> -> memref<1000000x64xf32, #tpu.memory_space<hbm>>
      tpu.wait_indirect_dma semaphore(%arg7 : memref<!tpu.dma_semaphore, #tpu.memory_space<semaphore_mem>>) src(%dma_wait3A_507 : memref<1000000x64xf32, #tpu.memory_space<hbm>>) dst(%dma_wait3A_501 : memref<50x64xf32, #tpu.memory_space<vmem>>)
      %dma_wait3A_508 = arith.constant 0 : i32
      %dma_wait3A_509 = arith.constant 0 : i32
      %dma_wait3A_510 = arith.constant 1 : i32
      %dma_wait3A_511 = arith.constant 0 : i32
      %dma_wait3A_512 = arith.constant 0 : i32
      %dma_wait3A_513 = tpu.memref_slice %arg6[%dma_wait3A_509, %dma_wait3A_510, %dma_wait3A_511, %dma_wait3A_512] : memref<4x8x50x64xf32, #tpu.memory_space<vmem>> -> memref<1x1x50x64xf32, #tpu.memory_space<vmem>>
      %dma_wait3A_514 = tpu.memref_squeeze %dma_wait3A_513 : memref<1x1x50x64xf32, #tpu.memory_space<vmem>> -> memref<50x64xf32, #tpu.memory_space<vmem>>
      %dma_wait3A_515 = arith.constant 0 : i32
      %dma_wait3A_516 = tpu.memref_slice %arg5[%dma_wait3A_508, %dma_wait3A_515] : memref<128x50xi32, #tpu.memory_space<vmem>> -> memref<1x50xi32, #tpu.memory_space<vmem>>
      %dma_wait3A_517 = tpu.memref_squeeze %dma_wait3A_516 : memref<1x50xi32, #tpu.memory_space<vmem>> -> memref<50xi32, #tpu.memory_space<vmem>>
      %dma_wait3A_518 = arith.constant 0 : i32
      %dma_wait3A_519 = arith.constant 0 : i32
      %dma_wait3A_520 = tpu.memref_slice %arg3[%dma_wait3A_518, %dma_wait3A_519] : memref<1000000x64xf32, #tpu.memory_space<hbm>> -> memref<1000000x64xf32, #tpu.memory_space<hbm>>
      tpu.wait_indirect_dma semaphore(%arg7 : memref<!tpu.dma_semaphore, #tpu.memory_space<semaphore_mem>>) src(%dma_wait3A_520 : memref<1000000x64xf32, #tpu.memory_space<hbm>>) dst(%dma_wait3A_514 : memref<50x64xf32, #tpu.memory_space<vmem>>)
      %dma_wait3A_521 = arith.constant 0 : i32
      %dma_wait3A_522 = arith.constant 0 : i32
      %dma_wait3A_523 = arith.constant 2 : i32
      %dma_wait3A_524 = arith.constant 0 : i32
      %dma_wait3A_525 = arith.constant 0 : i32
      %dma_wait3A_526 = tpu.memref_slice %arg6[%dma_wait3A_522, %dma_wait3A_523, %dma_wait3A_524, %dma_wait3A_525] : memref<4x8x50x64xf32, #tpu.memory_space<vmem>> -> memref<1x1x50x64xf32, #tpu.memory_space<vmem>>
      %dma_wait3A_527 = tpu.memref_squeeze %dma_wait3A_526 : memref<1x1x50x64xf32, #tpu.memory_space<vmem>> -> memref<50x64xf32, #tpu.memory_space<vmem>>
      %dma_wait3A_528 = arith.constant 0 : i32
      %dma_wait3A_529 = tpu.memref_slice %arg5[%dma_wait3A_521, %dma_wait3A_528] : memref<128x50xi32, #tpu.memory_space<vmem>> -> memref<1x50xi32, #tpu.memory_space<vmem>>
      %dma_wait3A_530 = tpu.memref_squeeze %dma_wait3A_529 : memref<1x50xi32, #tpu.memory_space<vmem>> -> memref<50xi32, #tpu.memory_space<vmem>>
      %dma_wait3A_531 = arith.constant 0 : i32
      %dma_wait3A_532 = arith.constant 0 : i32
      %dma_wait3A_533 = tpu.memref_slice %arg3[%dma_wait3A_531, %dma_wait3A_532] : memref<1000000x64xf32, #tpu.memory_space<hbm>> -> memref<1000000x64xf32, #tpu.memory_space<hbm>>
      tpu.wait_indirect_dma semaphore(%arg7 : memref<!tpu.dma_semaphore, #tpu.memory_space<semaphore_mem>>) src(%dma_wait3A_533 : memref<1000000x64xf32, #tpu.memory_space<hbm>>) dst(%dma_wait3A_527 : memref<50x64xf32, #tpu.memory_space<vmem>>)
      %dma_wait3A_534 = arith.constant 0 : i32
      %dma_wait3A_535 = arith.constant 0 : i32
      %dma_wait3A_536 = arith.constant 3 : i32
      %dma_wait3A_537 = arith.constant 0 : i32
      %dma_wait3A_538 = arith.constant 0 : i32
      %dma_wait3A_539 = tpu.memref_slice %arg6[%dma_wait3A_535, %dma_wait3A_536, %dma_wait3A_537, %dma_wait3A_538] : memref<4x8x50x64xf32, #tpu.memory_space<vmem>> -> memref<1x1x50x64xf32, #tpu.memory_space<vmem>>
      %dma_wait3A_540 = tpu.memref_squeeze %dma_wait3A_539 : memref<1x1x50x64xf32, #tpu.memory_space<vmem>> -> memref<50x64xf32, #tpu.memory_space<vmem>>
      %dma_wait3A_541 = arith.constant 0 : i32
      %dma_wait3A_542 = tpu.memref_slice %arg5[%dma_wait3A_534, %dma_wait3A_541] : memref<128x50xi32, #tpu.memory_space<vmem>> -> memref<1x50xi32, #tpu.memory_space<vmem>>
      %dma_wait3A_543 = tpu.memref_squeeze %dma_wait3A_542 : memref<1x50xi32, #tpu.memory_space<vmem>> -> memref<50xi32, #tpu.memory_space<vmem>>
      %dma_wait3A_544 = arith.constant 0 : i32
      %dma_wait3A_545 = arith.constant 0 : i32
      %dma_wait3A_546 = tpu.memref_slice %arg3[%dma_wait3A_544, %dma_wait3A_545] : memref<1000000x64xf32, #tpu.memory_space<hbm>> -> memref<1000000x64xf32, #tpu.memory_space<hbm>>
      tpu.wait_indirect_dma semaphore(%arg7 : memref<!tpu.dma_semaphore, #tpu.memory_space<semaphore_mem>>) src(%dma_wait3A_546 : memref<1000000x64xf32, #tpu.memory_space<hbm>>) dst(%dma_wait3A_540 : memref<50x64xf32, #tpu.memory_space<vmem>>)
      %dma_wait3A_547 = arith.constant 0 : i32
      %dma_wait3A_548 = arith.constant 0 : i32
      %dma_wait3A_549 = arith.constant 4 : i32
      %dma_wait3A_550 = arith.constant 0 : i32
      %dma_wait3A_551 = arith.constant 0 : i32
      %dma_wait3A_552 = tpu.memref_slice %arg6[%dma_wait3A_548, %dma_wait3A_549, %dma_wait3A_550, %dma_wait3A_551] : memref<4x8x50x64xf32, #tpu.memory_space<vmem>> -> memref<1x1x50x64xf32, #tpu.memory_space<vmem>>
      %dma_wait3A_553 = tpu.memref_squeeze %dma_wait3A_552 : memref<1x1x50x64xf32, #tpu.memory_space<vmem>> -> memref<50x64xf32, #tpu.memory_space<vmem>>
      %dma_wait3A_554 = arith.constant 0 : i32
      %dma_wait3A_555 = tpu.memref_slice %arg5[%dma_wait3A_547, %dma_wait3A_554] : memref<128x50xi32, #tpu.memory_space<vmem>> -> memref<1x50xi32, #tpu.memory_space<vmem>>
      %dma_wait3A_556 = tpu.memref_squeeze %dma_wait3A_555 : memref<1x50xi32, #tpu.memory_space<vmem>> -> memref<50xi32, #tpu.memory_space<vmem>>
      %dma_wait3A_557 = arith.constant 0 : i32
      %dma_wait3A_558 = arith.constant 0 : i32
      %dma_wait3A_559 = tpu.memref_slice %arg3[%dma_wait3A_557, %dma_wait3A_558] : memref<1000000x64xf32, #tpu.memory_space<hbm>> -> memref<1000000x64xf32, #tpu.memory_space<hbm>>
      tpu.wait_indirect_dma semaphore(%arg7 : memref<!tpu.dma_semaphore, #tpu.memory_space<semaphore_mem>>) src(%dma_wait3A_559 : memref<1000000x64xf32, #tpu.memory_space<hbm>>) dst(%dma_wait3A_553 : memref<50x64xf32, #tpu.memory_space<vmem>>)
      %dma_wait3A_560 = arith.constant 0 : i32
      %dma_wait3A_561 = arith.constant 0 : i32
      %dma_wait3A_562 = arith.constant 5 : i32
      %dma_wait3A_563 = arith.constant 0 : i32
      %dma_wait3A_564 = arith.constant 0 : i32
      %dma_wait3A_565 = tpu.memref_slice %arg6[%dma_wait3A_561, %dma_wait3A_562, %dma_wait3A_563, %dma_wait3A_564] : memref<4x8x50x64xf32, #tpu.memory_space<vmem>> -> memref<1x1x50x64xf32, #tpu.memory_space<vmem>>
      %dma_wait3A_566 = tpu.memref_squeeze %dma_wait3A_565 : memref<1x1x50x64xf32, #tpu.memory_space<vmem>> -> memref<50x64xf32, #tpu.memory_space<vmem>>
      %dma_wait3A_567 = arith.constant 0 : i32
      %dma_wait3A_568 = tpu.memref_slice %arg5[%dma_wait3A_560, %dma_wait3A_567] : memref<128x50xi32, #tpu.memory_space<vmem>> -> memref<1x50xi32, #tpu.memory_space<vmem>>
      %dma_wait3A_569 = tpu.memref_squeeze %dma_wait3A_568 : memref<1x50xi32, #tpu.memory_space<vmem>> -> memref<50xi32, #tpu.memory_space<vmem>>
      %dma_wait3A_570 = arith.constant 0 : i32
      %dma_wait3A_571 = arith.constant 0 : i32
      %dma_wait3A_572 = tpu.memref_slice %arg3[%dma_wait3A_570, %dma_wait3A_571] : memref<1000000x64xf32, #tpu.memory_space<hbm>> -> memref<1000000x64xf32, #tpu.memory_space<hbm>>
      tpu.wait_indirect_dma semaphore(%arg7 : memref<!tpu.dma_semaphore, #tpu.memory_space<semaphore_mem>>) src(%dma_wait3A_572 : memref<1000000x64xf32, #tpu.memory_space<hbm>>) dst(%dma_wait3A_566 : memref<50x64xf32, #tpu.memory_space<vmem>>)
      %dma_wait3A_573 = arith.constant 0 : i32
      %dma_wait3A_574 = arith.constant 0 : i32
      %dma_wait3A_575 = arith.constant 6 : i32
      %dma_wait3A_576 = arith.constant 0 : i32
      %dma_wait3A_577 = arith.constant 0 : i32
      %dma_wait3A_578 = tpu.memref_slice %arg6[%dma_wait3A_574, %dma_wait3A_575, %dma_wait3A_576, %dma_wait3A_577] : memref<4x8x50x64xf32, #tpu.memory_space<vmem>> -> memref<1x1x50x64xf32, #tpu.memory_space<vmem>>
      %dma_wait3A_579 = tpu.memref_squeeze %dma_wait3A_578 : memref<1x1x50x64xf32, #tpu.memory_space<vmem>> -> memref<50x64xf32, #tpu.memory_space<vmem>>
      %dma_wait3A_580 = arith.constant 0 : i32
      %dma_wait3A_581 = tpu.memref_slice %arg5[%dma_wait3A_573, %dma_wait3A_580] : memref<128x50xi32, #tpu.memory_space<vmem>> -> memref<1x50xi32, #tpu.memory_space<vmem>>
      %dma_wait3A_582 = tpu.memref_squeeze %dma_wait3A_581 : memref<1x50xi32, #tpu.memory_space<vmem>> -> memref<50xi32, #tpu.memory_space<vmem>>
      %dma_wait3A_583 = arith.constant 0 : i32
      %dma_wait3A_584 = arith.constant 0 : i32
      %dma_wait3A_585 = tpu.memref_slice %arg3[%dma_wait3A_583, %dma_wait3A_584] : memref<1000000x64xf32, #tpu.memory_space<hbm>> -> memref<1000000x64xf32, #tpu.memory_space<hbm>>
      tpu.wait_indirect_dma semaphore(%arg7 : memref<!tpu.dma_semaphore, #tpu.memory_space<semaphore_mem>>) src(%dma_wait3A_585 : memref<1000000x64xf32, #tpu.memory_space<hbm>>) dst(%dma_wait3A_579 : memref<50x64xf32, #tpu.memory_space<vmem>>)
      %dma_wait3A_586 = arith.constant 0 : i32
      %dma_wait3A_587 = arith.constant 0 : i32
      %dma_wait3A_588 = arith.constant 7 : i32
      %dma_wait3A_589 = arith.constant 0 : i32
      %dma_wait3A_590 = arith.constant 0 : i32
      %dma_wait3A_591 = tpu.memref_slice %arg6[%dma_wait3A_587, %dma_wait3A_588, %dma_wait3A_589, %dma_wait3A_590] : memref<4x8x50x64xf32, #tpu.memory_space<vmem>> -> memref<1x1x50x64xf32, #tpu.memory_space<vmem>>
      %dma_wait3A_592 = tpu.memref_squeeze %dma_wait3A_591 : memref<1x1x50x64xf32, #tpu.memory_space<vmem>> -> memref<50x64xf32, #tpu.memory_space<vmem>>
      %dma_wait3A_593 = arith.constant 0 : i32
      %dma_wait3A_594 = tpu.memref_slice %arg5[%dma_wait3A_586, %dma_wait3A_593] : memref<128x50xi32, #tpu.memory_space<vmem>> -> memref<1x50xi32, #tpu.memory_space<vmem>>
      %dma_wait3A_595 = tpu.memref_squeeze %dma_wait3A_594 : memref<1x50xi32, #tpu.memory_space<vmem>> -> memref<50xi32, #tpu.memory_space<vmem>>
      %dma_wait3A_596 = arith.constant 0 : i32
      %dma_wait3A_597 = arith.constant 0 : i32
      %dma_wait3A_598 = tpu.memref_slice %arg3[%dma_wait3A_596, %dma_wait3A_597] : memref<1000000x64xf32, #tpu.memory_space<hbm>> -> memref<1000000x64xf32, #tpu.memory_space<hbm>>
      tpu.wait_indirect_dma semaphore(%arg7 : memref<!tpu.dma_semaphore, #tpu.memory_space<semaphore_mem>>) src(%dma_wait3A_598 : memref<1000000x64xf32, #tpu.memory_space<hbm>>) dst(%dma_wait3A_592 : memref<50x64xf32, #tpu.memory_space<vmem>>)
      %mul3A_599 = arith.constant 8 : i32
      %mul3A_600 = arith.muli %add3A_494, %mul3A_599 : i32
      %add3A_601 = arith.addi %mul3A_2, %mul3A_600 : i32
      %dma_start3A_602 = arith.constant 0 : i32
      %dma_start3A_603 = arith.constant 0 : i32
      %dma_start3A_604 = arith.constant 0 : i32
      %dma_start3A_605 = arith.constant 0 : i32
      %dma_start3A_606 = tpu.memref_slice %arg6[%dma_start3A_602, %dma_start3A_603, %dma_start3A_604, %dma_start3A_605] : memref<4x8x50x64xf32, #tpu.memory_space<vmem>> -> memref<1x8x50x64xf32, #tpu.memory_space<vmem>>
      %dma_start3A_607 = tpu.memref_squeeze %dma_start3A_606 : memref<1x8x50x64xf32, #tpu.memory_space<vmem>> -> memref<8x50x64xf32, #tpu.memory_space<vmem>>
      %dma_start3A_608 = arith.constant 0 : i32
      %dma_start3A_609 = arith.constant 0 : i32
      %dma_start3A_610 = tpu.memref_slice %arg4[%add3A_601, %dma_start3A_608, %dma_start3A_609] : memref<4096x50x64xf32, #tpu.memory_space<hbm>> -> memref<8x50x64xf32, #tpu.memory_space<hbm>>
      %dma_start3A_611 = arith.constant 0 : i32
      %dma_start3A_612 = arith.constant 0 : i32
      %dma_start3A_613 = tpu.memref_slice %arg4[%add3A_601, %dma_start3A_611, %dma_start3A_612] : memref<4096x50x64xf32, #tpu.memory_space<hbm>> -> memref<8x50x64xf32, #tpu.memory_space<hbm>>
      %dma_start3A_614 = arith.constant 0 : i32
      %dma_start3A_615 = arith.constant 0 : i32
      %dma_start3A_616 = arith.constant 0 : i32
      %dma_start3A_617 = tpu.memref_slice %arg6[%dma_start3A_602, %dma_start3A_614, %dma_start3A_615, %dma_start3A_616] : memref<4x8x50x64xf32, #tpu.memory_space<vmem>> -> memref<1x8x50x64xf32, #tpu.memory_space<vmem>>
      %dma_start3A_618 = tpu.memref_squeeze %dma_start3A_617 : memref<1x8x50x64xf32, #tpu.memory_space<vmem>> -> memref<8x50x64xf32, #tpu.memory_space<vmem>>
      tpu.enqueue_dma source(%dma_start3A_618 : memref<8x50x64xf32, #tpu.memory_space<vmem>>) target(%dma_start3A_613 : memref<8x50x64xf32, #tpu.memory_space<hbm>>) target_semaphore(%arg11 : memref<!tpu.dma_semaphore, #tpu.memory_space<semaphore_mem>>)
      %add3A_619 = arith.constant 4 : i32
      %add3A_620 = arith.addi %add3A_494, %add3A_619 : i32
      %lt3A = arith.constant 16 : i32
      %lt3A_621 = arith.cmpi slt, %add3A_620, %lt3A : i32
      %convert_element_type3A = arith.extui %lt3A_621 : i1 to i32
      %cond3A = arith.constant 0 : i32
      %cond3A_622 = arith.cmpi ne, %convert_element_type3A, %cond3A : i32
      scf.if %cond3A_622 {
        %dma_wait3A_1028 = arith.constant 0 : i32
        %dma_wait3A_1029 = arith.constant 0 : i32
        %dma_wait3A_1030 = arith.constant 0 : i32
        %dma_wait3A_1031 = arith.constant 0 : i32
        %dma_wait3A_1032 = tpu.memref_slice %arg6[%dma_wait3A_1028, %dma_wait3A_1029, %dma_wait3A_1030, %dma_wait3A_1031] : memref<4x8x50x64xf32, #tpu.memory_space<vmem>> -> memref<1x8x50x64xf32, #tpu.memory_space<vmem>>
        %dma_wait3A_1033 = tpu.memref_squeeze %dma_wait3A_1032 : memref<1x8x50x64xf32, #tpu.memory_space<vmem>> -> memref<8x50x64xf32, #tpu.memory_space<vmem>>
        %dma_wait3A_1034 = arith.constant 0 : i32
        %dma_wait3A_1035 = arith.constant 0 : i32
        %dma_wait3A_1036 = tpu.memref_slice %arg4[%mul3A_2, %dma_wait3A_1034, %dma_wait3A_1035] : memref<4096x50x64xf32, #tpu.memory_space<hbm>> -> memref<8x50x64xf32, #tpu.memory_space<hbm>>
        %dma_wait3A_1037 = arith.constant 0 : i32
        %dma_wait3A_1038 = arith.constant 0 : i32
        %dma_wait3A_1039 = tpu.memref_slice %arg4[%mul3A_2, %dma_wait3A_1037, %dma_wait3A_1038] : memref<4096x50x64xf32, #tpu.memory_space<hbm>> -> memref<8x50x64xf32, #tpu.memory_space<hbm>>
        %dma_wait3A_1040 = arith.constant 0 : i32
        %dma_wait3A_1041 = arith.constant 0 : i32
        %dma_wait3A_1042 = arith.constant 0 : i32
        %dma_wait3A_1043 = tpu.memref_slice %arg6[%dma_wait3A_1028, %dma_wait3A_1040, %dma_wait3A_1041, %dma_wait3A_1042] : memref<4x8x50x64xf32, #tpu.memory_space<vmem>> -> memref<1x8x50x64xf32, #tpu.memory_space<vmem>>
        %dma_wait3A_1044 = tpu.memref_squeeze %dma_wait3A_1043 : memref<1x8x50x64xf32, #tpu.memory_space<vmem>> -> memref<8x50x64xf32, #tpu.memory_space<vmem>>
        tpu.wait_dma2 semaphore(%arg11 : memref<!tpu.dma_semaphore, #tpu.memory_space<semaphore_mem>>) src(%dma_wait3A_1044 : memref<8x50x64xf32, #tpu.memory_space<vmem>>) dst(%dma_wait3A_1039 : memref<8x50x64xf32, #tpu.memory_space<hbm>>)
        %add3A_1045 = arith.constant 4 : i32
        %add3A_1046 = arith.addi %add3A_494, %add3A_1045 : i32
        %mul3A_1047 = arith.constant 8 : i32
        %mul3A_1048 = arith.muli %add3A_1046, %mul3A_1047 : i32
        %add3A_1049 = arith.constant 0 : i32
        %add3A_1050 = arith.addi %mul3A_1048, %add3A_1049 : i32
        %dma_start3A_1051 = arith.constant 0 : i32
        %dma_start3A_1052 = arith.constant 0 : i32
        %dma_start3A_1053 = arith.constant 0 : i32
        %dma_start3A_1054 = arith.constant 0 : i32
        %dma_start3A_1055 = tpu.memref_slice %arg6[%dma_start3A_1051, %dma_start3A_1052, %dma_start3A_1053, %dma_start3A_1054] : memref<4x8x50x64xf32, #tpu.memory_space<vmem>> -> memref<1x1x50x64xf32, #tpu.memory_space<vmem>>
        %dma_start3A_1056 = tpu.memref_squeeze %dma_start3A_1055 : memref<1x1x50x64xf32, #tpu.memory_space<vmem>> -> memref<50x64xf32, #tpu.memory_space<vmem>>
        %dma_start3A_1057 = arith.constant 0 : i32
        %dma_start3A_1058 = tpu.memref_slice %arg5[%add3A_1050, %dma_start3A_1057] : memref<128x50xi32, #tpu.memory_space<vmem>> -> memref<1x50xi32, #tpu.memory_space<vmem>>
        %dma_start3A_1059 = tpu.memref_squeeze %dma_start3A_1058 : memref<1x50xi32, #tpu.memory_space<vmem>> -> memref<50xi32, #tpu.memory_space<vmem>>
        %dma_start3A_1060 = arith.constant 0 : i32
        %dma_start3A_1061 = arith.constant 0 : i32
        %dma_start3A_1062 = tpu.memref_slice %arg3[%dma_start3A_1060, %dma_start3A_1061] : memref<1000000x64xf32, #tpu.memory_space<hbm>> -> memref<1000000x64xf32, #tpu.memory_space<hbm>>
        tpu.enqueue_indirect_dma source(%dma_start3A_1062 : memref<1000000x64xf32, #tpu.memory_space<hbm>>) target(%dma_start3A_1056 : memref<50x64xf32, #tpu.memory_space<vmem>>) offsets(%dma_start3A_1059 : memref<50xi32, #tpu.memory_space<vmem>>) semaphore(%arg7 : memref<!tpu.dma_semaphore, #tpu.memory_space<semaphore_mem>>)
        %mul3A_1063 = arith.constant 8 : i32
        %mul3A_1064 = arith.muli %add3A_1046, %mul3A_1063 : i32
        %add3A_1065 = arith.constant 1 : i32
        %add3A_1066 = arith.addi %mul3A_1064, %add3A_1065 : i32
        %dma_start3A_1067 = arith.constant 0 : i32
        %dma_start3A_1068 = arith.constant 1 : i32
        %dma_start3A_1069 = arith.constant 0 : i32
        %dma_start3A_1070 = arith.constant 0 : i32
        %dma_start3A_1071 = tpu.memref_slice %arg6[%dma_start3A_1067, %dma_start3A_1068, %dma_start3A_1069, %dma_start3A_1070] : memref<4x8x50x64xf32, #tpu.memory_space<vmem>> -> memref<1x1x50x64xf32, #tpu.memory_space<vmem>>
        %dma_start3A_1072 = tpu.memref_squeeze %dma_start3A_1071 : memref<1x1x50x64xf32, #tpu.memory_space<vmem>> -> memref<50x64xf32, #tpu.memory_space<vmem>>
        %dma_start3A_1073 = arith.constant 0 : i32
        %dma_start3A_1074 = tpu.memref_slice %arg5[%add3A_1066, %dma_start3A_1073] : memref<128x50xi32, #tpu.memory_space<vmem>> -> memref<1x50xi32, #tpu.memory_space<vmem>>
        %dma_start3A_1075 = tpu.memref_squeeze %dma_start3A_1074 : memref<1x50xi32, #tpu.memory_space<vmem>> -> memref<50xi32, #tpu.memory_space<vmem>>
        %dma_start3A_1076 = arith.constant 0 : i32
        %dma_start3A_1077 = arith.constant 0 : i32
        %dma_start3A_1078 = tpu.memref_slice %arg3[%dma_start3A_1076, %dma_start3A_1077] : memref<1000000x64xf32, #tpu.memory_space<hbm>> -> memref<1000000x64xf32, #tpu.memory_space<hbm>>
        tpu.enqueue_indirect_dma source(%dma_start3A_1078 : memref<1000000x64xf32, #tpu.memory_space<hbm>>) target(%dma_start3A_1072 : memref<50x64xf32, #tpu.memory_space<vmem>>) offsets(%dma_start3A_1075 : memref<50xi32, #tpu.memory_space<vmem>>) semaphore(%arg7 : memref<!tpu.dma_semaphore, #tpu.memory_space<semaphore_mem>>)
        %mul3A_1079 = arith.constant 8 : i32
        %mul3A_1080 = arith.muli %add3A_1046, %mul3A_1079 : i32
        %add3A_1081 = arith.constant 2 : i32
        %add3A_1082 = arith.addi %mul3A_1080, %add3A_1081 : i32
        %dma_start3A_1083 = arith.constant 0 : i32
        %dma_start3A_1084 = arith.constant 2 : i32
        %dma_start3A_1085 = arith.constant 0 : i32
        %dma_start3A_1086 = arith.constant 0 : i32
        %dma_start3A_1087 = tpu.memref_slice %arg6[%dma_start3A_1083, %dma_start3A_1084, %dma_start3A_1085, %dma_start3A_1086] : memref<4x8x50x64xf32, #tpu.memory_space<vmem>> -> memref<1x1x50x64xf32, #tpu.memory_space<vmem>>
        %dma_start3A_1088 = tpu.memref_squeeze %dma_start3A_1087 : memref<1x1x50x64xf32, #tpu.memory_space<vmem>> -> memref<50x64xf32, #tpu.memory_space<vmem>>
        %dma_start3A_1089 = arith.constant 0 : i32
        %dma_start3A_1090 = tpu.memref_slice %arg5[%add3A_1082, %dma_start3A_1089] : memref<128x50xi32, #tpu.memory_space<vmem>> -> memref<1x50xi32, #tpu.memory_space<vmem>>
        %dma_start3A_1091 = tpu.memref_squeeze %dma_start3A_1090 : memref<1x50xi32, #tpu.memory_space<vmem>> -> memref<50xi32, #tpu.memory_space<vmem>>
        %dma_start3A_1092 = arith.constant 0 : i32
        %dma_start3A_1093 = arith.constant 0 : i32
        %dma_start3A_1094 = tpu.memref_slice %arg3[%dma_start3A_1092, %dma_start3A_1093] : memref<1000000x64xf32, #tpu.memory_space<hbm>> -> memref<1000000x64xf32, #tpu.memory_space<hbm>>
        tpu.enqueue_indirect_dma source(%dma_start3A_1094 : memref<1000000x64xf32, #tpu.memory_space<hbm>>) target(%dma_start3A_1088 : memref<50x64xf32, #tpu.memory_space<vmem>>) offsets(%dma_start3A_1091 : memref<50xi32, #tpu.memory_space<vmem>>) semaphore(%arg7 : memref<!tpu.dma_semaphore, #tpu.memory_space<semaphore_mem>>)
        %mul3A_1095 = arith.constant 8 : i32
        %mul3A_1096 = arith.muli %add3A_1046, %mul3A_1095 : i32
        %add3A_1097 = arith.constant 3 : i32
        %add3A_1098 = arith.addi %mul3A_1096, %add3A_1097 : i32
        %dma_start3A_1099 = arith.constant 0 : i32
        %dma_start3A_1100 = arith.constant 3 : i32
        %dma_start3A_1101 = arith.constant 0 : i32
        %dma_start3A_1102 = arith.constant 0 : i32
        %dma_start3A_1103 = tpu.memref_slice %arg6[%dma_start3A_1099, %dma_start3A_1100, %dma_start3A_1101, %dma_start3A_1102] : memref<4x8x50x64xf32, #tpu.memory_space<vmem>> -> memref<1x1x50x64xf32, #tpu.memory_space<vmem>>
        %dma_start3A_1104 = tpu.memref_squeeze %dma_start3A_1103 : memref<1x1x50x64xf32, #tpu.memory_space<vmem>> -> memref<50x64xf32, #tpu.memory_space<vmem>>
        %dma_start3A_1105 = arith.constant 0 : i32
        %dma_start3A_1106 = tpu.memref_slice %arg5[%add3A_1098, %dma_start3A_1105] : memref<128x50xi32, #tpu.memory_space<vmem>> -> memref<1x50xi32, #tpu.memory_space<vmem>>
        %dma_start3A_1107 = tpu.memref_squeeze %dma_start3A_1106 : memref<1x50xi32, #tpu.memory_space<vmem>> -> memref<50xi32, #tpu.memory_space<vmem>>
        %dma_start3A_1108 = arith.constant 0 : i32
        %dma_start3A_1109 = arith.constant 0 : i32
        %dma_start3A_1110 = tpu.memref_slice %arg3[%dma_start3A_1108, %dma_start3A_1109] : memref<1000000x64xf32, #tpu.memory_space<hbm>> -> memref<1000000x64xf32, #tpu.memory_space<hbm>>
        tpu.enqueue_indirect_dma source(%dma_start3A_1110 : memref<1000000x64xf32, #tpu.memory_space<hbm>>) target(%dma_start3A_1104 : memref<50x64xf32, #tpu.memory_space<vmem>>) offsets(%dma_start3A_1107 : memref<50xi32, #tpu.memory_space<vmem>>) semaphore(%arg7 : memref<!tpu.dma_semaphore, #tpu.memory_space<semaphore_mem>>)
        %mul3A_1111 = arith.constant 8 : i32
        %mul3A_1112 = arith.muli %add3A_1046, %mul3A_1111 : i32
        %add3A_1113 = arith.constant 4 : i32
        %add3A_1114 = arith.addi %mul3A_1112, %add3A_1113 : i32
        %dma_start3A_1115 = arith.constant 0 : i32
        %dma_start3A_1116 = arith.constant 4 : i32
        %dma_start3A_1117 = arith.constant 0 : i32
        %dma_start3A_1118 = arith.constant 0 : i32
        %dma_start3A_1119 = tpu.memref_slice %arg6[%dma_start3A_1115, %dma_start3A_1116, %dma_start3A_1117, %dma_start3A_1118] : memref<4x8x50x64xf32, #tpu.memory_space<vmem>> -> memref<1x1x50x64xf32, #tpu.memory_space<vmem>>
        %dma_start3A_1120 = tpu.memref_squeeze %dma_start3A_1119 : memref<1x1x50x64xf32, #tpu.memory_space<vmem>> -> memref<50x64xf32, #tpu.memory_space<vmem>>
        %dma_start3A_1121 = arith.constant 0 : i32
        %dma_start3A_1122 = tpu.memref_slice %arg5[%add3A_1114, %dma_start3A_1121] : memref<128x50xi32, #tpu.memory_space<vmem>> -> memref<1x50xi32, #tpu.memory_space<vmem>>
        %dma_start3A_1123 = tpu.memref_squeeze %dma_start3A_1122 : memref<1x50xi32, #tpu.memory_space<vmem>> -> memref<50xi32, #tpu.memory_space<vmem>>
        %dma_start3A_1124 = arith.constant 0 : i32
        %dma_start3A_1125 = arith.constant 0 : i32
        %dma_start3A_1126 = tpu.memref_slice %arg3[%dma_start3A_1124, %dma_start3A_1125] : memref<1000000x64xf32, #tpu.memory_space<hbm>> -> memref<1000000x64xf32, #tpu.memory_space<hbm>>
        tpu.enqueue_indirect_dma source(%dma_start3A_1126 : memref<1000000x64xf32, #tpu.memory_space<hbm>>) target(%dma_start3A_1120 : memref<50x64xf32, #tpu.memory_space<vmem>>) offsets(%dma_start3A_1123 : memref<50xi32, #tpu.memory_space<vmem>>) semaphore(%arg7 : memref<!tpu.dma_semaphore, #tpu.memory_space<semaphore_mem>>)
        %mul3A_1127 = arith.constant 8 : i32
        %mul3A_1128 = arith.muli %add3A_1046, %mul3A_1127 : i32
        %add3A_1129 = arith.constant 5 : i32
        %add3A_1130 = arith.addi %mul3A_1128, %add3A_1129 : i32
        %dma_start3A_1131 = arith.constant 0 : i32
        %dma_start3A_1132 = arith.constant 5 : i32
        %dma_start3A_1133 = arith.constant 0 : i32
        %dma_start3A_1134 = arith.constant 0 : i32
        %dma_start3A_1135 = tpu.memref_slice %arg6[%dma_start3A_1131, %dma_start3A_1132, %dma_start3A_1133, %dma_start3A_1134] : memref<4x8x50x64xf32, #tpu.memory_space<vmem>> -> memref<1x1x50x64xf32, #tpu.memory_space<vmem>>
        %dma_start3A_1136 = tpu.memref_squeeze %dma_start3A_1135 : memref<1x1x50x64xf32, #tpu.memory_space<vmem>> -> memref<50x64xf32, #tpu.memory_space<vmem>>
        %dma_start3A_1137 = arith.constant 0 : i32
        %dma_start3A_1138 = tpu.memref_slice %arg5[%add3A_1130, %dma_start3A_1137] : memref<128x50xi32, #tpu.memory_space<vmem>> -> memref<1x50xi32, #tpu.memory_space<vmem>>
        %dma_start3A_1139 = tpu.memref_squeeze %dma_start3A_1138 : memref<1x50xi32, #tpu.memory_space<vmem>> -> memref<50xi32, #tpu.memory_space<vmem>>
        %dma_start3A_1140 = arith.constant 0 : i32
        %dma_start3A_1141 = arith.constant 0 : i32
        %dma_start3A_1142 = tpu.memref_slice %arg3[%dma_start3A_1140, %dma_start3A_1141] : memref<1000000x64xf32, #tpu.memory_space<hbm>> -> memref<1000000x64xf32, #tpu.memory_space<hbm>>
        tpu.enqueue_indirect_dma source(%dma_start3A_1142 : memref<1000000x64xf32, #tpu.memory_space<hbm>>) target(%dma_start3A_1136 : memref<50x64xf32, #tpu.memory_space<vmem>>) offsets(%dma_start3A_1139 : memref<50xi32, #tpu.memory_space<vmem>>) semaphore(%arg7 : memref<!tpu.dma_semaphore, #tpu.memory_space<semaphore_mem>>)
        %mul3A_1143 = arith.constant 8 : i32
        %mul3A_1144 = arith.muli %add3A_1046, %mul3A_1143 : i32
        %add3A_1145 = arith.constant 6 : i32
        %add3A_1146 = arith.addi %mul3A_1144, %add3A_1145 : i32
        %dma_start3A_1147 = arith.constant 0 : i32
        %dma_start3A_1148 = arith.constant 6 : i32
        %dma_start3A_1149 = arith.constant 0 : i32
        %dma_start3A_1150 = arith.constant 0 : i32
        %dma_start3A_1151 = tpu.memref_slice %arg6[%dma_start3A_1147, %dma_start3A_1148, %dma_start3A_1149, %dma_start3A_1150] : memref<4x8x50x64xf32, #tpu.memory_space<vmem>> -> memref<1x1x50x64xf32, #tpu.memory_space<vmem>>
        %dma_start3A_1152 = tpu.memref_squeeze %dma_start3A_1151 : memref<1x1x50x64xf32, #tpu.memory_space<vmem>> -> memref<50x64xf32, #tpu.memory_space<vmem>>
        %dma_start3A_1153 = arith.constant 0 : i32
        %dma_start3A_1154 = tpu.memref_slice %arg5[%add3A_1146, %dma_start3A_1153] : memref<128x50xi32, #tpu.memory_space<vmem>> -> memref<1x50xi32, #tpu.memory_space<vmem>>
        %dma_start3A_1155 = tpu.memref_squeeze %dma_start3A_1154 : memref<1x50xi32, #tpu.memory_space<vmem>> -> memref<50xi32, #tpu.memory_space<vmem>>
        %dma_start3A_1156 = arith.constant 0 : i32
        %dma_start3A_1157 = arith.constant 0 : i32
        %dma_start3A_1158 = tpu.memref_slice %arg3[%dma_start3A_1156, %dma_start3A_1157] : memref<1000000x64xf32, #tpu.memory_space<hbm>> -> memref<1000000x64xf32, #tpu.memory_space<hbm>>
        tpu.enqueue_indirect_dma source(%dma_start3A_1158 : memref<1000000x64xf32, #tpu.memory_space<hbm>>) target(%dma_start3A_1152 : memref<50x64xf32, #tpu.memory_space<vmem>>) offsets(%dma_start3A_1155 : memref<50xi32, #tpu.memory_space<vmem>>) semaphore(%arg7 : memref<!tpu.dma_semaphore, #tpu.memory_space<semaphore_mem>>)
        %mul3A_1159 = arith.constant 8 : i32
        %mul3A_1160 = arith.muli %add3A_1046, %mul3A_1159 : i32
        %add3A_1161 = arith.constant 7 : i32
        %add3A_1162 = arith.addi %mul3A_1160, %add3A_1161 : i32
        %dma_start3A_1163 = arith.constant 0 : i32
        %dma_start3A_1164 = arith.constant 7 : i32
        %dma_start3A_1165 = arith.constant 0 : i32
        %dma_start3A_1166 = arith.constant 0 : i32
        %dma_start3A_1167 = tpu.memref_slice %arg6[%dma_start3A_1163, %dma_start3A_1164, %dma_start3A_1165, %dma_start3A_1166] : memref<4x8x50x64xf32, #tpu.memory_space<vmem>> -> memref<1x1x50x64xf32, #tpu.memory_space<vmem>>
        %dma_start3A_1168 = tpu.memref_squeeze %dma_start3A_1167 : memref<1x1x50x64xf32, #tpu.memory_space<vmem>> -> memref<50x64xf32, #tpu.memory_space<vmem>>
        %dma_start3A_1169 = arith.constant 0 : i32
        %dma_start3A_1170 = tpu.memref_slice %arg5[%add3A_1162, %dma_start3A_1169] : memref<128x50xi32, #tpu.memory_space<vmem>> -> memref<1x50xi32, #tpu.memory_space<vmem>>
        %dma_start3A_1171 = tpu.memref_squeeze %dma_start3A_1170 : memref<1x50xi32, #tpu.memory_space<vmem>> -> memref<50xi32, #tpu.memory_space<vmem>>
        %dma_start3A_1172 = arith.constant 0 : i32
        %dma_start3A_1173 = arith.constant 0 : i32
        %dma_start3A_1174 = tpu.memref_slice %arg3[%dma_start3A_1172, %dma_start3A_1173] : memref<1000000x64xf32, #tpu.memory_space<hbm>> -> memref<1000000x64xf32, #tpu.memory_space<hbm>>
        tpu.enqueue_indirect_dma source(%dma_start3A_1174 : memref<1000000x64xf32, #tpu.memory_space<hbm>>) target(%dma_start3A_1168 : memref<50x64xf32, #tpu.memory_space<vmem>>) offsets(%dma_start3A_1171 : memref<50xi32, #tpu.memory_space<vmem>>) semaphore(%arg7 : memref<!tpu.dma_semaphore, #tpu.memory_space<semaphore_mem>>)
      } else {
      }
      %mul3A_623 = arith.constant 4 : i32
      %mul3A_624 = arith.muli %scan3A_490, %mul3A_623 : i32
      %add3A_625 = arith.constant 1 : i32
      %add3A_626 = arith.addi %mul3A_624, %add3A_625 : i32
      %dma_wait3A_627 = arith.constant 0 : i32
      %dma_wait3A_628 = arith.constant 1 : i32
      %dma_wait3A_629 = arith.constant 0 : i32
      %dma_wait3A_630 = arith.constant 0 : i32
      %dma_wait3A_631 = arith.constant 0 : i32
      %dma_wait3A_632 = tpu.memref_slice %arg6[%dma_wait3A_628, %dma_wait3A_629, %dma_wait3A_630, %dma_wait3A_631] : memref<4x8x50x64xf32, #tpu.memory_space<vmem>> -> memref<1x1x50x64xf32, #tpu.memory_space<vmem>>
      %dma_wait3A_633 = tpu.memref_squeeze %dma_wait3A_632 : memref<1x1x50x64xf32, #tpu.memory_space<vmem>> -> memref<50x64xf32, #tpu.memory_space<vmem>>
      %dma_wait3A_634 = arith.constant 0 : i32
      %dma_wait3A_635 = tpu.memref_slice %arg5[%dma_wait3A_627, %dma_wait3A_634] : memref<128x50xi32, #tpu.memory_space<vmem>> -> memref<1x50xi32, #tpu.memory_space<vmem>>
      %dma_wait3A_636 = tpu.memref_squeeze %dma_wait3A_635 : memref<1x50xi32, #tpu.memory_space<vmem>> -> memref<50xi32, #tpu.memory_space<vmem>>
      %dma_wait3A_637 = arith.constant 0 : i32
      %dma_wait3A_638 = arith.constant 0 : i32
      %dma_wait3A_639 = tpu.memref_slice %arg3[%dma_wait3A_637, %dma_wait3A_638] : memref<1000000x64xf32, #tpu.memory_space<hbm>> -> memref<1000000x64xf32, #tpu.memory_space<hbm>>
      tpu.wait_indirect_dma semaphore(%arg8 : memref<!tpu.dma_semaphore, #tpu.memory_space<semaphore_mem>>) src(%dma_wait3A_639 : memref<1000000x64xf32, #tpu.memory_space<hbm>>) dst(%dma_wait3A_633 : memref<50x64xf32, #tpu.memory_space<vmem>>)
      %dma_wait3A_640 = arith.constant 0 : i32
      %dma_wait3A_641 = arith.constant 1 : i32
      %dma_wait3A_642 = arith.constant 1 : i32
      %dma_wait3A_643 = arith.constant 0 : i32
      %dma_wait3A_644 = arith.constant 0 : i32
      %dma_wait3A_645 = tpu.memref_slice %arg6[%dma_wait3A_641, %dma_wait3A_642, %dma_wait3A_643, %dma_wait3A_644] : memref<4x8x50x64xf32, #tpu.memory_space<vmem>> -> memref<1x1x50x64xf32, #tpu.memory_space<vmem>>
      %dma_wait3A_646 = tpu.memref_squeeze %dma_wait3A_645 : memref<1x1x50x64xf32, #tpu.memory_space<vmem>> -> memref<50x64xf32, #tpu.memory_space<vmem>>
      %dma_wait3A_647 = arith.constant 0 : i32
      %dma_wait3A_648 = tpu.memref_slice %arg5[%dma_wait3A_640, %dma_wait3A_647] : memref<128x50xi32, #tpu.memory_space<vmem>> -> memref<1x50xi32, #tpu.memory_space<vmem>>
      %dma_wait3A_649 = tpu.memref_squeeze %dma_wait3A_648 : memref<1x50xi32, #tpu.memory_space<vmem>> -> memref<50xi32, #tpu.memory_space<vmem>>
      %dma_wait3A_650 = arith.constant 0 : i32
      %dma_wait3A_651 = arith.constant 0 : i32
      %dma_wait3A_652 = tpu.memref_slice %arg3[%dma_wait3A_650, %dma_wait3A_651] : memref<1000000x64xf32, #tpu.memory_space<hbm>> -> memref<1000000x64xf32, #tpu.memory_space<hbm>>
      tpu.wait_indirect_dma semaphore(%arg8 : memref<!tpu.dma_semaphore, #tpu.memory_space<semaphore_mem>>) src(%dma_wait3A_652 : memref<1000000x64xf32, #tpu.memory_space<hbm>>) dst(%dma_wait3A_646 : memref<50x64xf32, #tpu.memory_space<vmem>>)
      %dma_wait3A_653 = arith.constant 0 : i32
      %dma_wait3A_654 = arith.constant 1 : i32
      %dma_wait3A_655 = arith.constant 2 : i32
      %dma_wait3A_656 = arith.constant 0 : i32
      %dma_wait3A_657 = arith.constant 0 : i32
      %dma_wait3A_658 = tpu.memref_slice %arg6[%dma_wait3A_654, %dma_wait3A_655, %dma_wait3A_656, %dma_wait3A_657] : memref<4x8x50x64xf32, #tpu.memory_space<vmem>> -> memref<1x1x50x64xf32, #tpu.memory_space<vmem>>
      %dma_wait3A_659 = tpu.memref_squeeze %dma_wait3A_658 : memref<1x1x50x64xf32, #tpu.memory_space<vmem>> -> memref<50x64xf32, #tpu.memory_space<vmem>>
      %dma_wait3A_660 = arith.constant 0 : i32
      %dma_wait3A_661 = tpu.memref_slice %arg5[%dma_wait3A_653, %dma_wait3A_660] : memref<128x50xi32, #tpu.memory_space<vmem>> -> memref<1x50xi32, #tpu.memory_space<vmem>>
      %dma_wait3A_662 = tpu.memref_squeeze %dma_wait3A_661 : memref<1x50xi32, #tpu.memory_space<vmem>> -> memref<50xi32, #tpu.memory_space<vmem>>
      %dma_wait3A_663 = arith.constant 0 : i32
      %dma_wait3A_664 = arith.constant 0 : i32
      %dma_wait3A_665 = tpu.memref_slice %arg3[%dma_wait3A_663, %dma_wait3A_664] : memref<1000000x64xf32, #tpu.memory_space<hbm>> -> memref<1000000x64xf32, #tpu.memory_space<hbm>>
      tpu.wait_indirect_dma semaphore(%arg8 : memref<!tpu.dma_semaphore, #tpu.memory_space<semaphore_mem>>) src(%dma_wait3A_665 : memref<1000000x64xf32, #tpu.memory_space<hbm>>) dst(%dma_wait3A_659 : memref<50x64xf32, #tpu.memory_space<vmem>>)
      %dma_wait3A_666 = arith.constant 0 : i32
      %dma_wait3A_667 = arith.constant 1 : i32
      %dma_wait3A_668 = arith.constant 3 : i32
      %dma_wait3A_669 = arith.constant 0 : i32
      %dma_wait3A_670 = arith.constant 0 : i32
      %dma_wait3A_671 = tpu.memref_slice %arg6[%dma_wait3A_667, %dma_wait3A_668, %dma_wait3A_669, %dma_wait3A_670] : memref<4x8x50x64xf32, #tpu.memory_space<vmem>> -> memref<1x1x50x64xf32, #tpu.memory_space<vmem>>
      %dma_wait3A_672 = tpu.memref_squeeze %dma_wait3A_671 : memref<1x1x50x64xf32, #tpu.memory_space<vmem>> -> memref<50x64xf32, #tpu.memory_space<vmem>>
      %dma_wait3A_673 = arith.constant 0 : i32
      %dma_wait3A_674 = tpu.memref_slice %arg5[%dma_wait3A_666, %dma_wait3A_673] : memref<128x50xi32, #tpu.memory_space<vmem>> -> memref<1x50xi32, #tpu.memory_space<vmem>>
      %dma_wait3A_675 = tpu.memref_squeeze %dma_wait3A_674 : memref<1x50xi32, #tpu.memory_space<vmem>> -> memref<50xi32, #tpu.memory_space<vmem>>
      %dma_wait3A_676 = arith.constant 0 : i32
      %dma_wait3A_677 = arith.constant 0 : i32
      %dma_wait3A_678 = tpu.memref_slice %arg3[%dma_wait3A_676, %dma_wait3A_677] : memref<1000000x64xf32, #tpu.memory_space<hbm>> -> memref<1000000x64xf32, #tpu.memory_space<hbm>>
      tpu.wait_indirect_dma semaphore(%arg8 : memref<!tpu.dma_semaphore, #tpu.memory_space<semaphore_mem>>) src(%dma_wait3A_678 : memref<1000000x64xf32, #tpu.memory_space<hbm>>) dst(%dma_wait3A_672 : memref<50x64xf32, #tpu.memory_space<vmem>>)
      %dma_wait3A_679 = arith.constant 0 : i32
      %dma_wait3A_680 = arith.constant 1 : i32
      %dma_wait3A_681 = arith.constant 4 : i32
      %dma_wait3A_682 = arith.constant 0 : i32
      %dma_wait3A_683 = arith.constant 0 : i32
      %dma_wait3A_684 = tpu.memref_slice %arg6[%dma_wait3A_680, %dma_wait3A_681, %dma_wait3A_682, %dma_wait3A_683] : memref<4x8x50x64xf32, #tpu.memory_space<vmem>> -> memref<1x1x50x64xf32, #tpu.memory_space<vmem>>
      %dma_wait3A_685 = tpu.memref_squeeze %dma_wait3A_684 : memref<1x1x50x64xf32, #tpu.memory_space<vmem>> -> memref<50x64xf32, #tpu.memory_space<vmem>>
      %dma_wait3A_686 = arith.constant 0 : i32
      %dma_wait3A_687 = tpu.memref_slice %arg5[%dma_wait3A_679, %dma_wait3A_686] : memref<128x50xi32, #tpu.memory_space<vmem>> -> memref<1x50xi32, #tpu.memory_space<vmem>>
      %dma_wait3A_688 = tpu.memref_squeeze %dma_wait3A_687 : memref<1x50xi32, #tpu.memory_space<vmem>> -> memref<50xi32, #tpu.memory_space<vmem>>
      %dma_wait3A_689 = arith.constant 0 : i32
      %dma_wait3A_690 = arith.constant 0 : i32
      %dma_wait3A_691 = tpu.memref_slice %arg3[%dma_wait3A_689, %dma_wait3A_690] : memref<1000000x64xf32, #tpu.memory_space<hbm>> -> memref<1000000x64xf32, #tpu.memory_space<hbm>>
      tpu.wait_indirect_dma semaphore(%arg8 : memref<!tpu.dma_semaphore, #tpu.memory_space<semaphore_mem>>) src(%dma_wait3A_691 : memref<1000000x64xf32, #tpu.memory_space<hbm>>) dst(%dma_wait3A_685 : memref<50x64xf32, #tpu.memory_space<vmem>>)
      %dma_wait3A_692 = arith.constant 0 : i32
      %dma_wait3A_693 = arith.constant 1 : i32
      %dma_wait3A_694 = arith.constant 5 : i32
      %dma_wait3A_695 = arith.constant 0 : i32
      %dma_wait3A_696 = arith.constant 0 : i32
      %dma_wait3A_697 = tpu.memref_slice %arg6[%dma_wait3A_693, %dma_wait3A_694, %dma_wait3A_695, %dma_wait3A_696] : memref<4x8x50x64xf32, #tpu.memory_space<vmem>> -> memref<1x1x50x64xf32, #tpu.memory_space<vmem>>
      %dma_wait3A_698 = tpu.memref_squeeze %dma_wait3A_697 : memref<1x1x50x64xf32, #tpu.memory_space<vmem>> -> memref<50x64xf32, #tpu.memory_space<vmem>>
      %dma_wait3A_699 = arith.constant 0 : i32
      %dma_wait3A_700 = tpu.memref_slice %arg5[%dma_wait3A_692, %dma_wait3A_699] : memref<128x50xi32, #tpu.memory_space<vmem>> -> memref<1x50xi32, #tpu.memory_space<vmem>>
      %dma_wait3A_701 = tpu.memref_squeeze %dma_wait3A_700 : memref<1x50xi32, #tpu.memory_space<vmem>> -> memref<50xi32, #tpu.memory_space<vmem>>
      %dma_wait3A_702 = arith.constant 0 : i32
      %dma_wait3A_703 = arith.constant 0 : i32
      %dma_wait3A_704 = tpu.memref_slice %arg3[%dma_wait3A_702, %dma_wait3A_703] : memref<1000000x64xf32, #tpu.memory_space<hbm>> -> memref<1000000x64xf32, #tpu.memory_space<hbm>>
      tpu.wait_indirect_dma semaphore(%arg8 : memref<!tpu.dma_semaphore, #tpu.memory_space<semaphore_mem>>) src(%dma_wait3A_704 : memref<1000000x64xf32, #tpu.memory_space<hbm>>) dst(%dma_wait3A_698 : memref<50x64xf32, #tpu.memory_space<vmem>>)
      %dma_wait3A_705 = arith.constant 0 : i32
      %dma_wait3A_706 = arith.constant 1 : i32
      %dma_wait3A_707 = arith.constant 6 : i32
      %dma_wait3A_708 = arith.constant 0 : i32
      %dma_wait3A_709 = arith.constant 0 : i32
      %dma_wait3A_710 = tpu.memref_slice %arg6[%dma_wait3A_706, %dma_wait3A_707, %dma_wait3A_708, %dma_wait3A_709] : memref<4x8x50x64xf32, #tpu.memory_space<vmem>> -> memref<1x1x50x64xf32, #tpu.memory_space<vmem>>
      %dma_wait3A_711 = tpu.memref_squeeze %dma_wait3A_710 : memref<1x1x50x64xf32, #tpu.memory_space<vmem>> -> memref<50x64xf32, #tpu.memory_space<vmem>>
      %dma_wait3A_712 = arith.constant 0 : i32
      %dma_wait3A_713 = tpu.memref_slice %arg5[%dma_wait3A_705, %dma_wait3A_712] : memref<128x50xi32, #tpu.memory_space<vmem>> -> memref<1x50xi32, #tpu.memory_space<vmem>>
      %dma_wait3A_714 = tpu.memref_squeeze %dma_wait3A_713 : memref<1x50xi32, #tpu.memory_space<vmem>> -> memref<50xi32, #tpu.memory_space<vmem>>
      %dma_wait3A_715 = arith.constant 0 : i32
      %dma_wait3A_716 = arith.constant 0 : i32
      %dma_wait3A_717 = tpu.memref_slice %arg3[%dma_wait3A_715, %dma_wait3A_716] : memref<1000000x64xf32, #tpu.memory_space<hbm>> -> memref<1000000x64xf32, #tpu.memory_space<hbm>>
      tpu.wait_indirect_dma semaphore(%arg8 : memref<!tpu.dma_semaphore, #tpu.memory_space<semaphore_mem>>) src(%dma_wait3A_717 : memref<1000000x64xf32, #tpu.memory_space<hbm>>) dst(%dma_wait3A_711 : memref<50x64xf32, #tpu.memory_space<vmem>>)
      %dma_wait3A_718 = arith.constant 0 : i32
      %dma_wait3A_719 = arith.constant 1 : i32
      %dma_wait3A_720 = arith.constant 7 : i32
      %dma_wait3A_721 = arith.constant 0 : i32
      %dma_wait3A_722 = arith.constant 0 : i32
      %dma_wait3A_723 = tpu.memref_slice %arg6[%dma_wait3A_719, %dma_wait3A_720, %dma_wait3A_721, %dma_wait3A_722] : memref<4x8x50x64xf32, #tpu.memory_space<vmem>> -> memref<1x1x50x64xf32, #tpu.memory_space<vmem>>
      %dma_wait3A_724 = tpu.memref_squeeze %dma_wait3A_723 : memref<1x1x50x64xf32, #tpu.memory_space<vmem>> -> memref<50x64xf32, #tpu.memory_space<vmem>>
      %dma_wait3A_725 = arith.constant 0 : i32
      %dma_wait3A_726 = tpu.memref_slice %arg5[%dma_wait3A_718, %dma_wait3A_725] : memref<128x50xi32, #tpu.memory_space<vmem>> -> memref<1x50xi32, #tpu.memory_space<vmem>>
      %dma_wait3A_727 = tpu.memref_squeeze %dma_wait3A_726 : memref<1x50xi32, #tpu.memory_space<vmem>> -> memref<50xi32, #tpu.memory_space<vmem>>
      %dma_wait3A_728 = arith.constant 0 : i32
      %dma_wait3A_729 = arith.constant 0 : i32
      %dma_wait3A_730 = tpu.memref_slice %arg3[%dma_wait3A_728, %dma_wait3A_729] : memref<1000000x64xf32, #tpu.memory_space<hbm>> -> memref<1000000x64xf32, #tpu.memory_space<hbm>>
      tpu.wait_indirect_dma semaphore(%arg8 : memref<!tpu.dma_semaphore, #tpu.memory_space<semaphore_mem>>) src(%dma_wait3A_730 : memref<1000000x64xf32, #tpu.memory_space<hbm>>) dst(%dma_wait3A_724 : memref<50x64xf32, #tpu.memory_space<vmem>>)
      %mul3A_731 = arith.constant 8 : i32
      %mul3A_732 = arith.muli %add3A_626, %mul3A_731 : i32
      %add3A_733 = arith.addi %mul3A_2, %mul3A_732 : i32
      %dma_start3A_734 = arith.constant 1 : i32
      %dma_start3A_735 = arith.constant 0 : i32
      %dma_start3A_736 = arith.constant 0 : i32
      %dma_start3A_737 = arith.constant 0 : i32
      %dma_start3A_738 = tpu.memref_slice %arg6[%dma_start3A_734, %dma_start3A_735, %dma_start3A_736, %dma_start3A_737] : memref<4x8x50x64xf32, #tpu.memory_space<vmem>> -> memref<1x8x50x64xf32, #tpu.memory_space<vmem>>
      %dma_start3A_739 = tpu.memref_squeeze %dma_start3A_738 : memref<1x8x50x64xf32, #tpu.memory_space<vmem>> -> memref<8x50x64xf32, #tpu.memory_space<vmem>>
      %dma_start3A_740 = arith.constant 0 : i32
      %dma_start3A_741 = arith.constant 0 : i32
      %dma_start3A_742 = tpu.memref_slice %arg4[%add3A_733, %dma_start3A_740, %dma_start3A_741] : memref<4096x50x64xf32, #tpu.memory_space<hbm>> -> memref<8x50x64xf32, #tpu.memory_space<hbm>>
      %dma_start3A_743 = arith.constant 0 : i32
      %dma_start3A_744 = arith.constant 0 : i32
      %dma_start3A_745 = tpu.memref_slice %arg4[%add3A_733, %dma_start3A_743, %dma_start3A_744] : memref<4096x50x64xf32, #tpu.memory_space<hbm>> -> memref<8x50x64xf32, #tpu.memory_space<hbm>>
      %dma_start3A_746 = arith.constant 0 : i32
      %dma_start3A_747 = arith.constant 0 : i32
      %dma_start3A_748 = arith.constant 0 : i32
      %dma_start3A_749 = tpu.memref_slice %arg6[%dma_start3A_734, %dma_start3A_746, %dma_start3A_747, %dma_start3A_748] : memref<4x8x50x64xf32, #tpu.memory_space<vmem>> -> memref<1x8x50x64xf32, #tpu.memory_space<vmem>>
      %dma_start3A_750 = tpu.memref_squeeze %dma_start3A_749 : memref<1x8x50x64xf32, #tpu.memory_space<vmem>> -> memref<8x50x64xf32, #tpu.memory_space<vmem>>
      tpu.enqueue_dma source(%dma_start3A_750 : memref<8x50x64xf32, #tpu.memory_space<vmem>>) target(%dma_start3A_745 : memref<8x50x64xf32, #tpu.memory_space<hbm>>) target_semaphore(%arg12 : memref<!tpu.dma_semaphore, #tpu.memory_space<semaphore_mem>>)
      %add3A_751 = arith.constant 4 : i32
      %add3A_752 = arith.addi %add3A_626, %add3A_751 : i32
      %lt3A_753 = arith.constant 16 : i32
      %lt3A_754 = arith.cmpi slt, %add3A_752, %lt3A_753 : i32
      %convert_element_type3A_755 = arith.extui %lt3A_754 : i1 to i32
      %cond3A_756 = arith.constant 0 : i32
      %cond3A_757 = arith.cmpi ne, %convert_element_type3A_755, %cond3A_756 : i32
      scf.if %cond3A_757 {
        %dma_wait3A_1028 = arith.constant 1 : i32
        %dma_wait3A_1029 = arith.constant 0 : i32
        %dma_wait3A_1030 = arith.constant 0 : i32
        %dma_wait3A_1031 = arith.constant 0 : i32
        %dma_wait3A_1032 = tpu.memref_slice %arg6[%dma_wait3A_1028, %dma_wait3A_1029, %dma_wait3A_1030, %dma_wait3A_1031] : memref<4x8x50x64xf32, #tpu.memory_space<vmem>> -> memref<1x8x50x64xf32, #tpu.memory_space<vmem>>
        %dma_wait3A_1033 = tpu.memref_squeeze %dma_wait3A_1032 : memref<1x8x50x64xf32, #tpu.memory_space<vmem>> -> memref<8x50x64xf32, #tpu.memory_space<vmem>>
        %dma_wait3A_1034 = arith.constant 0 : i32
        %dma_wait3A_1035 = arith.constant 0 : i32
        %dma_wait3A_1036 = tpu.memref_slice %arg4[%mul3A_2, %dma_wait3A_1034, %dma_wait3A_1035] : memref<4096x50x64xf32, #tpu.memory_space<hbm>> -> memref<8x50x64xf32, #tpu.memory_space<hbm>>
        %dma_wait3A_1037 = arith.constant 0 : i32
        %dma_wait3A_1038 = arith.constant 0 : i32
        %dma_wait3A_1039 = tpu.memref_slice %arg4[%mul3A_2, %dma_wait3A_1037, %dma_wait3A_1038] : memref<4096x50x64xf32, #tpu.memory_space<hbm>> -> memref<8x50x64xf32, #tpu.memory_space<hbm>>
        %dma_wait3A_1040 = arith.constant 0 : i32
        %dma_wait3A_1041 = arith.constant 0 : i32
        %dma_wait3A_1042 = arith.constant 0 : i32
        %dma_wait3A_1043 = tpu.memref_slice %arg6[%dma_wait3A_1028, %dma_wait3A_1040, %dma_wait3A_1041, %dma_wait3A_1042] : memref<4x8x50x64xf32, #tpu.memory_space<vmem>> -> memref<1x8x50x64xf32, #tpu.memory_space<vmem>>
        %dma_wait3A_1044 = tpu.memref_squeeze %dma_wait3A_1043 : memref<1x8x50x64xf32, #tpu.memory_space<vmem>> -> memref<8x50x64xf32, #tpu.memory_space<vmem>>
        tpu.wait_dma2 semaphore(%arg12 : memref<!tpu.dma_semaphore, #tpu.memory_space<semaphore_mem>>) src(%dma_wait3A_1044 : memref<8x50x64xf32, #tpu.memory_space<vmem>>) dst(%dma_wait3A_1039 : memref<8x50x64xf32, #tpu.memory_space<hbm>>)
        %add3A_1045 = arith.constant 4 : i32
        %add3A_1046 = arith.addi %add3A_626, %add3A_1045 : i32
        %mul3A_1047 = arith.constant 8 : i32
        %mul3A_1048 = arith.muli %add3A_1046, %mul3A_1047 : i32
        %add3A_1049 = arith.constant 0 : i32
        %add3A_1050 = arith.addi %mul3A_1048, %add3A_1049 : i32
        %dma_start3A_1051 = arith.constant 1 : i32
        %dma_start3A_1052 = arith.constant 0 : i32
        %dma_start3A_1053 = arith.constant 0 : i32
        %dma_start3A_1054 = arith.constant 0 : i32
        %dma_start3A_1055 = tpu.memref_slice %arg6[%dma_start3A_1051, %dma_start3A_1052, %dma_start3A_1053, %dma_start3A_1054] : memref<4x8x50x64xf32, #tpu.memory_space<vmem>> -> memref<1x1x50x64xf32, #tpu.memory_space<vmem>>
        %dma_start3A_1056 = tpu.memref_squeeze %dma_start3A_1055 : memref<1x1x50x64xf32, #tpu.memory_space<vmem>> -> memref<50x64xf32, #tpu.memory_space<vmem>>
        %dma_start3A_1057 = arith.constant 0 : i32
        %dma_start3A_1058 = tpu.memref_slice %arg5[%add3A_1050, %dma_start3A_1057] : memref<128x50xi32, #tpu.memory_space<vmem>> -> memref<1x50xi32, #tpu.memory_space<vmem>>
        %dma_start3A_1059 = tpu.memref_squeeze %dma_start3A_1058 : memref<1x50xi32, #tpu.memory_space<vmem>> -> memref<50xi32, #tpu.memory_space<vmem>>
        %dma_start3A_1060 = arith.constant 0 : i32
        %dma_start3A_1061 = arith.constant 0 : i32
        %dma_start3A_1062 = tpu.memref_slice %arg3[%dma_start3A_1060, %dma_start3A_1061] : memref<1000000x64xf32, #tpu.memory_space<hbm>> -> memref<1000000x64xf32, #tpu.memory_space<hbm>>
        tpu.enqueue_indirect_dma source(%dma_start3A_1062 : memref<1000000x64xf32, #tpu.memory_space<hbm>>) target(%dma_start3A_1056 : memref<50x64xf32, #tpu.memory_space<vmem>>) offsets(%dma_start3A_1059 : memref<50xi32, #tpu.memory_space<vmem>>) semaphore(%arg8 : memref<!tpu.dma_semaphore, #tpu.memory_space<semaphore_mem>>)
        %mul3A_1063 = arith.constant 8 : i32
        %mul3A_1064 = arith.muli %add3A_1046, %mul3A_1063 : i32
        %add3A_1065 = arith.constant 1 : i32
        %add3A_1066 = arith.addi %mul3A_1064, %add3A_1065 : i32
        %dma_start3A_1067 = arith.constant 1 : i32
        %dma_start3A_1068 = arith.constant 1 : i32
        %dma_start3A_1069 = arith.constant 0 : i32
        %dma_start3A_1070 = arith.constant 0 : i32
        %dma_start3A_1071 = tpu.memref_slice %arg6[%dma_start3A_1067, %dma_start3A_1068, %dma_start3A_1069, %dma_start3A_1070] : memref<4x8x50x64xf32, #tpu.memory_space<vmem>> -> memref<1x1x50x64xf32, #tpu.memory_space<vmem>>
        %dma_start3A_1072 = tpu.memref_squeeze %dma_start3A_1071 : memref<1x1x50x64xf32, #tpu.memory_space<vmem>> -> memref<50x64xf32, #tpu.memory_space<vmem>>
        %dma_start3A_1073 = arith.constant 0 : i32
        %dma_start3A_1074 = tpu.memref_slice %arg5[%add3A_1066, %dma_start3A_1073] : memref<128x50xi32, #tpu.memory_space<vmem>> -> memref<1x50xi32, #tpu.memory_space<vmem>>
        %dma_start3A_1075 = tpu.memref_squeeze %dma_start3A_1074 : memref<1x50xi32, #tpu.memory_space<vmem>> -> memref<50xi32, #tpu.memory_space<vmem>>
        %dma_start3A_1076 = arith.constant 0 : i32
        %dma_start3A_1077 = arith.constant 0 : i32
        %dma_start3A_1078 = tpu.memref_slice %arg3[%dma_start3A_1076, %dma_start3A_1077] : memref<1000000x64xf32, #tpu.memory_space<hbm>> -> memref<1000000x64xf32, #tpu.memory_space<hbm>>
        tpu.enqueue_indirect_dma source(%dma_start3A_1078 : memref<1000000x64xf32, #tpu.memory_space<hbm>>) target(%dma_start3A_1072 : memref<50x64xf32, #tpu.memory_space<vmem>>) offsets(%dma_start3A_1075 : memref<50xi32, #tpu.memory_space<vmem>>) semaphore(%arg8 : memref<!tpu.dma_semaphore, #tpu.memory_space<semaphore_mem>>)
        %mul3A_1079 = arith.constant 8 : i32
        %mul3A_1080 = arith.muli %add3A_1046, %mul3A_1079 : i32
        %add3A_1081 = arith.constant 2 : i32
        %add3A_1082 = arith.addi %mul3A_1080, %add3A_1081 : i32
        %dma_start3A_1083 = arith.constant 1 : i32
        %dma_start3A_1084 = arith.constant 2 : i32
        %dma_start3A_1085 = arith.constant 0 : i32
        %dma_start3A_1086 = arith.constant 0 : i32
        %dma_start3A_1087 = tpu.memref_slice %arg6[%dma_start3A_1083, %dma_start3A_1084, %dma_start3A_1085, %dma_start3A_1086] : memref<4x8x50x64xf32, #tpu.memory_space<vmem>> -> memref<1x1x50x64xf32, #tpu.memory_space<vmem>>
        %dma_start3A_1088 = tpu.memref_squeeze %dma_start3A_1087 : memref<1x1x50x64xf32, #tpu.memory_space<vmem>> -> memref<50x64xf32, #tpu.memory_space<vmem>>
        %dma_start3A_1089 = arith.constant 0 : i32
        %dma_start3A_1090 = tpu.memref_slice %arg5[%add3A_1082, %dma_start3A_1089] : memref<128x50xi32, #tpu.memory_space<vmem>> -> memref<1x50xi32, #tpu.memory_space<vmem>>
        %dma_start3A_1091 = tpu.memref_squeeze %dma_start3A_1090 : memref<1x50xi32, #tpu.memory_space<vmem>> -> memref<50xi32, #tpu.memory_space<vmem>>
        %dma_start3A_1092 = arith.constant 0 : i32
        %dma_start3A_1093 = arith.constant 0 : i32
        %dma_start3A_1094 = tpu.memref_slice %arg3[%dma_start3A_1092, %dma_start3A_1093] : memref<1000000x64xf32, #tpu.memory_space<hbm>> -> memref<1000000x64xf32, #tpu.memory_space<hbm>>
        tpu.enqueue_indirect_dma source(%dma_start3A_1094 : memref<1000000x64xf32, #tpu.memory_space<hbm>>) target(%dma_start3A_1088 : memref<50x64xf32, #tpu.memory_space<vmem>>) offsets(%dma_start3A_1091 : memref<50xi32, #tpu.memory_space<vmem>>) semaphore(%arg8 : memref<!tpu.dma_semaphore, #tpu.memory_space<semaphore_mem>>)
        %mul3A_1095 = arith.constant 8 : i32
        %mul3A_1096 = arith.muli %add3A_1046, %mul3A_1095 : i32
        %add3A_1097 = arith.constant 3 : i32
        %add3A_1098 = arith.addi %mul3A_1096, %add3A_1097 : i32
        %dma_start3A_1099 = arith.constant 1 : i32
        %dma_start3A_1100 = arith.constant 3 : i32
        %dma_start3A_1101 = arith.constant 0 : i32
        %dma_start3A_1102 = arith.constant 0 : i32
        %dma_start3A_1103 = tpu.memref_slice %arg6[%dma_start3A_1099, %dma_start3A_1100, %dma_start3A_1101, %dma_start3A_1102] : memref<4x8x50x64xf32, #tpu.memory_space<vmem>> -> memref<1x1x50x64xf32, #tpu.memory_space<vmem>>
        %dma_start3A_1104 = tpu.memref_squeeze %dma_start3A_1103 : memref<1x1x50x64xf32, #tpu.memory_space<vmem>> -> memref<50x64xf32, #tpu.memory_space<vmem>>
        %dma_start3A_1105 = arith.constant 0 : i32
        %dma_start3A_1106 = tpu.memref_slice %arg5[%add3A_1098, %dma_start3A_1105] : memref<128x50xi32, #tpu.memory_space<vmem>> -> memref<1x50xi32, #tpu.memory_space<vmem>>
        %dma_start3A_1107 = tpu.memref_squeeze %dma_start3A_1106 : memref<1x50xi32, #tpu.memory_space<vmem>> -> memref<50xi32, #tpu.memory_space<vmem>>
        %dma_start3A_1108 = arith.constant 0 : i32
        %dma_start3A_1109 = arith.constant 0 : i32
        %dma_start3A_1110 = tpu.memref_slice %arg3[%dma_start3A_1108, %dma_start3A_1109] : memref<1000000x64xf32, #tpu.memory_space<hbm>> -> memref<1000000x64xf32, #tpu.memory_space<hbm>>
        tpu.enqueue_indirect_dma source(%dma_start3A_1110 : memref<1000000x64xf32, #tpu.memory_space<hbm>>) target(%dma_start3A_1104 : memref<50x64xf32, #tpu.memory_space<vmem>>) offsets(%dma_start3A_1107 : memref<50xi32, #tpu.memory_space<vmem>>) semaphore(%arg8 : memref<!tpu.dma_semaphore, #tpu.memory_space<semaphore_mem>>)
        %mul3A_1111 = arith.constant 8 : i32
        %mul3A_1112 = arith.muli %add3A_1046, %mul3A_1111 : i32
        %add3A_1113 = arith.constant 4 : i32
        %add3A_1114 = arith.addi %mul3A_1112, %add3A_1113 : i32
        %dma_start3A_1115 = arith.constant 1 : i32
        %dma_start3A_1116 = arith.constant 4 : i32
        %dma_start3A_1117 = arith.constant 0 : i32
        %dma_start3A_1118 = arith.constant 0 : i32
        %dma_start3A_1119 = tpu.memref_slice %arg6[%dma_start3A_1115, %dma_start3A_1116, %dma_start3A_1117, %dma_start3A_1118] : memref<4x8x50x64xf32, #tpu.memory_space<vmem>> -> memref<1x1x50x64xf32, #tpu.memory_space<vmem>>
        %dma_start3A_1120 = tpu.memref_squeeze %dma_start3A_1119 : memref<1x1x50x64xf32, #tpu.memory_space<vmem>> -> memref<50x64xf32, #tpu.memory_space<vmem>>
        %dma_start3A_1121 = arith.constant 0 : i32
        %dma_start3A_1122 = tpu.memref_slice %arg5[%add3A_1114, %dma_start3A_1121] : memref<128x50xi32, #tpu.memory_space<vmem>> -> memref<1x50xi32, #tpu.memory_space<vmem>>
        %dma_start3A_1123 = tpu.memref_squeeze %dma_start3A_1122 : memref<1x50xi32, #tpu.memory_space<vmem>> -> memref<50xi32, #tpu.memory_space<vmem>>
        %dma_start3A_1124 = arith.constant 0 : i32
        %dma_start3A_1125 = arith.constant 0 : i32
        %dma_start3A_1126 = tpu.memref_slice %arg3[%dma_start3A_1124, %dma_start3A_1125] : memref<1000000x64xf32, #tpu.memory_space<hbm>> -> memref<1000000x64xf32, #tpu.memory_space<hbm>>
        tpu.enqueue_indirect_dma source(%dma_start3A_1126 : memref<1000000x64xf32, #tpu.memory_space<hbm>>) target(%dma_start3A_1120 : memref<50x64xf32, #tpu.memory_space<vmem>>) offsets(%dma_start3A_1123 : memref<50xi32, #tpu.memory_space<vmem>>) semaphore(%arg8 : memref<!tpu.dma_semaphore, #tpu.memory_space<semaphore_mem>>)
        %mul3A_1127 = arith.constant 8 : i32
        %mul3A_1128 = arith.muli %add3A_1046, %mul3A_1127 : i32
        %add3A_1129 = arith.constant 5 : i32
        %add3A_1130 = arith.addi %mul3A_1128, %add3A_1129 : i32
        %dma_start3A_1131 = arith.constant 1 : i32
        %dma_start3A_1132 = arith.constant 5 : i32
        %dma_start3A_1133 = arith.constant 0 : i32
        %dma_start3A_1134 = arith.constant 0 : i32
        %dma_start3A_1135 = tpu.memref_slice %arg6[%dma_start3A_1131, %dma_start3A_1132, %dma_start3A_1133, %dma_start3A_1134] : memref<4x8x50x64xf32, #tpu.memory_space<vmem>> -> memref<1x1x50x64xf32, #tpu.memory_space<vmem>>
        %dma_start3A_1136 = tpu.memref_squeeze %dma_start3A_1135 : memref<1x1x50x64xf32, #tpu.memory_space<vmem>> -> memref<50x64xf32, #tpu.memory_space<vmem>>
        %dma_start3A_1137 = arith.constant 0 : i32
        %dma_start3A_1138 = tpu.memref_slice %arg5[%add3A_1130, %dma_start3A_1137] : memref<128x50xi32, #tpu.memory_space<vmem>> -> memref<1x50xi32, #tpu.memory_space<vmem>>
        %dma_start3A_1139 = tpu.memref_squeeze %dma_start3A_1138 : memref<1x50xi32, #tpu.memory_space<vmem>> -> memref<50xi32, #tpu.memory_space<vmem>>
        %dma_start3A_1140 = arith.constant 0 : i32
        %dma_start3A_1141 = arith.constant 0 : i32
        %dma_start3A_1142 = tpu.memref_slice %arg3[%dma_start3A_1140, %dma_start3A_1141] : memref<1000000x64xf32, #tpu.memory_space<hbm>> -> memref<1000000x64xf32, #tpu.memory_space<hbm>>
        tpu.enqueue_indirect_dma source(%dma_start3A_1142 : memref<1000000x64xf32, #tpu.memory_space<hbm>>) target(%dma_start3A_1136 : memref<50x64xf32, #tpu.memory_space<vmem>>) offsets(%dma_start3A_1139 : memref<50xi32, #tpu.memory_space<vmem>>) semaphore(%arg8 : memref<!tpu.dma_semaphore, #tpu.memory_space<semaphore_mem>>)
        %mul3A_1143 = arith.constant 8 : i32
        %mul3A_1144 = arith.muli %add3A_1046, %mul3A_1143 : i32
        %add3A_1145 = arith.constant 6 : i32
        %add3A_1146 = arith.addi %mul3A_1144, %add3A_1145 : i32
        %dma_start3A_1147 = arith.constant 1 : i32
        %dma_start3A_1148 = arith.constant 6 : i32
        %dma_start3A_1149 = arith.constant 0 : i32
        %dma_start3A_1150 = arith.constant 0 : i32
        %dma_start3A_1151 = tpu.memref_slice %arg6[%dma_start3A_1147, %dma_start3A_1148, %dma_start3A_1149, %dma_start3A_1150] : memref<4x8x50x64xf32, #tpu.memory_space<vmem>> -> memref<1x1x50x64xf32, #tpu.memory_space<vmem>>
        %dma_start3A_1152 = tpu.memref_squeeze %dma_start3A_1151 : memref<1x1x50x64xf32, #tpu.memory_space<vmem>> -> memref<50x64xf32, #tpu.memory_space<vmem>>
        %dma_start3A_1153 = arith.constant 0 : i32
        %dma_start3A_1154 = tpu.memref_slice %arg5[%add3A_1146, %dma_start3A_1153] : memref<128x50xi32, #tpu.memory_space<vmem>> -> memref<1x50xi32, #tpu.memory_space<vmem>>
        %dma_start3A_1155 = tpu.memref_squeeze %dma_start3A_1154 : memref<1x50xi32, #tpu.memory_space<vmem>> -> memref<50xi32, #tpu.memory_space<vmem>>
        %dma_start3A_1156 = arith.constant 0 : i32
        %dma_start3A_1157 = arith.constant 0 : i32
        %dma_start3A_1158 = tpu.memref_slice %arg3[%dma_start3A_1156, %dma_start3A_1157] : memref<1000000x64xf32, #tpu.memory_space<hbm>> -> memref<1000000x64xf32, #tpu.memory_space<hbm>>
        tpu.enqueue_indirect_dma source(%dma_start3A_1158 : memref<1000000x64xf32, #tpu.memory_space<hbm>>) target(%dma_start3A_1152 : memref<50x64xf32, #tpu.memory_space<vmem>>) offsets(%dma_start3A_1155 : memref<50xi32, #tpu.memory_space<vmem>>) semaphore(%arg8 : memref<!tpu.dma_semaphore, #tpu.memory_space<semaphore_mem>>)
        %mul3A_1159 = arith.constant 8 : i32
        %mul3A_1160 = arith.muli %add3A_1046, %mul3A_1159 : i32
        %add3A_1161 = arith.constant 7 : i32
        %add3A_1162 = arith.addi %mul3A_1160, %add3A_1161 : i32
        %dma_start3A_1163 = arith.constant 1 : i32
        %dma_start3A_1164 = arith.constant 7 : i32
        %dma_start3A_1165 = arith.constant 0 : i32
        %dma_start3A_1166 = arith.constant 0 : i32
        %dma_start3A_1167 = tpu.memref_slice %arg6[%dma_start3A_1163, %dma_start3A_1164, %dma_start3A_1165, %dma_start3A_1166] : memref<4x8x50x64xf32, #tpu.memory_space<vmem>> -> memref<1x1x50x64xf32, #tpu.memory_space<vmem>>
        %dma_start3A_1168 = tpu.memref_squeeze %dma_start3A_1167 : memref<1x1x50x64xf32, #tpu.memory_space<vmem>> -> memref<50x64xf32, #tpu.memory_space<vmem>>
        %dma_start3A_1169 = arith.constant 0 : i32
        %dma_start3A_1170 = tpu.memref_slice %arg5[%add3A_1162, %dma_start3A_1169] : memref<128x50xi32, #tpu.memory_space<vmem>> -> memref<1x50xi32, #tpu.memory_space<vmem>>
        %dma_start3A_1171 = tpu.memref_squeeze %dma_start3A_1170 : memref<1x50xi32, #tpu.memory_space<vmem>> -> memref<50xi32, #tpu.memory_space<vmem>>
        %dma_start3A_1172 = arith.constant 0 : i32
        %dma_start3A_1173 = arith.constant 0 : i32
        %dma_start3A_1174 = tpu.memref_slice %arg3[%dma_start3A_1172, %dma_start3A_1173] : memref<1000000x64xf32, #tpu.memory_space<hbm>> -> memref<1000000x64xf32, #tpu.memory_space<hbm>>
        tpu.enqueue_indirect_dma source(%dma_start3A_1174 : memref<1000000x64xf32, #tpu.memory_space<hbm>>) target(%dma_start3A_1168 : memref<50x64xf32, #tpu.memory_space<vmem>>) offsets(%dma_start3A_1171 : memref<50xi32, #tpu.memory_space<vmem>>) semaphore(%arg8 : memref<!tpu.dma_semaphore, #tpu.memory_space<semaphore_mem>>)
      } else {
      }
      %mul3A_758 = arith.constant 4 : i32
      %mul3A_759 = arith.muli %scan3A_490, %mul3A_758 : i32
      %add3A_760 = arith.constant 2 : i32
      %add3A_761 = arith.addi %mul3A_759, %add3A_760 : i32
      %dma_wait3A_762 = arith.constant 0 : i32
      %dma_wait3A_763 = arith.constant 2 : i32
      %dma_wait3A_764 = arith.constant 0 : i32
      %dma_wait3A_765 = arith.constant 0 : i32
      %dma_wait3A_766 = arith.constant 0 : i32
      %dma_wait3A_767 = tpu.memref_slice %arg6[%dma_wait3A_763, %dma_wait3A_764, %dma_wait3A_765, %dma_wait3A_766] : memref<4x8x50x64xf32, #tpu.memory_space<vmem>> -> memref<1x1x50x64xf32, #tpu.memory_space<vmem>>
      %dma_wait3A_768 = tpu.memref_squeeze %dma_wait3A_767 : memref<1x1x50x64xf32, #tpu.memory_space<vmem>> -> memref<50x64xf32, #tpu.memory_space<vmem>>
      %dma_wait3A_769 = arith.constant 0 : i32
      %dma_wait3A_770 = tpu.memref_slice %arg5[%dma_wait3A_762, %dma_wait3A_769] : memref<128x50xi32, #tpu.memory_space<vmem>> -> memref<1x50xi32, #tpu.memory_space<vmem>>
      %dma_wait3A_771 = tpu.memref_squeeze %dma_wait3A_770 : memref<1x50xi32, #tpu.memory_space<vmem>> -> memref<50xi32, #tpu.memory_space<vmem>>
      %dma_wait3A_772 = arith.constant 0 : i32
      %dma_wait3A_773 = arith.constant 0 : i32
      %dma_wait3A_774 = tpu.memref_slice %arg3[%dma_wait3A_772, %dma_wait3A_773] : memref<1000000x64xf32, #tpu.memory_space<hbm>> -> memref<1000000x64xf32, #tpu.memory_space<hbm>>
      tpu.wait_indirect_dma semaphore(%arg9 : memref<!tpu.dma_semaphore, #tpu.memory_space<semaphore_mem>>) src(%dma_wait3A_774 : memref<1000000x64xf32, #tpu.memory_space<hbm>>) dst(%dma_wait3A_768 : memref<50x64xf32, #tpu.memory_space<vmem>>)
      %dma_wait3A_775 = arith.constant 0 : i32
      %dma_wait3A_776 = arith.constant 2 : i32
      %dma_wait3A_777 = arith.constant 1 : i32
      %dma_wait3A_778 = arith.constant 0 : i32
      %dma_wait3A_779 = arith.constant 0 : i32
      %dma_wait3A_780 = tpu.memref_slice %arg6[%dma_wait3A_776, %dma_wait3A_777, %dma_wait3A_778, %dma_wait3A_779] : memref<4x8x50x64xf32, #tpu.memory_space<vmem>> -> memref<1x1x50x64xf32, #tpu.memory_space<vmem>>
      %dma_wait3A_781 = tpu.memref_squeeze %dma_wait3A_780 : memref<1x1x50x64xf32, #tpu.memory_space<vmem>> -> memref<50x64xf32, #tpu.memory_space<vmem>>
      %dma_wait3A_782 = arith.constant 0 : i32
      %dma_wait3A_783 = tpu.memref_slice %arg5[%dma_wait3A_775, %dma_wait3A_782] : memref<128x50xi32, #tpu.memory_space<vmem>> -> memref<1x50xi32, #tpu.memory_space<vmem>>
      %dma_wait3A_784 = tpu.memref_squeeze %dma_wait3A_783 : memref<1x50xi32, #tpu.memory_space<vmem>> -> memref<50xi32, #tpu.memory_space<vmem>>
      %dma_wait3A_785 = arith.constant 0 : i32
      %dma_wait3A_786 = arith.constant 0 : i32
      %dma_wait3A_787 = tpu.memref_slice %arg3[%dma_wait3A_785, %dma_wait3A_786] : memref<1000000x64xf32, #tpu.memory_space<hbm>> -> memref<1000000x64xf32, #tpu.memory_space<hbm>>
      tpu.wait_indirect_dma semaphore(%arg9 : memref<!tpu.dma_semaphore, #tpu.memory_space<semaphore_mem>>) src(%dma_wait3A_787 : memref<1000000x64xf32, #tpu.memory_space<hbm>>) dst(%dma_wait3A_781 : memref<50x64xf32, #tpu.memory_space<vmem>>)
      %dma_wait3A_788 = arith.constant 0 : i32
      %dma_wait3A_789 = arith.constant 2 : i32
      %dma_wait3A_790 = arith.constant 2 : i32
      %dma_wait3A_791 = arith.constant 0 : i32
      %dma_wait3A_792 = arith.constant 0 : i32
      %dma_wait3A_793 = tpu.memref_slice %arg6[%dma_wait3A_789, %dma_wait3A_790, %dma_wait3A_791, %dma_wait3A_792] : memref<4x8x50x64xf32, #tpu.memory_space<vmem>> -> memref<1x1x50x64xf32, #tpu.memory_space<vmem>>
      %dma_wait3A_794 = tpu.memref_squeeze %dma_wait3A_793 : memref<1x1x50x64xf32, #tpu.memory_space<vmem>> -> memref<50x64xf32, #tpu.memory_space<vmem>>
      %dma_wait3A_795 = arith.constant 0 : i32
      %dma_wait3A_796 = tpu.memref_slice %arg5[%dma_wait3A_788, %dma_wait3A_795] : memref<128x50xi32, #tpu.memory_space<vmem>> -> memref<1x50xi32, #tpu.memory_space<vmem>>
      %dma_wait3A_797 = tpu.memref_squeeze %dma_wait3A_796 : memref<1x50xi32, #tpu.memory_space<vmem>> -> memref<50xi32, #tpu.memory_space<vmem>>
      %dma_wait3A_798 = arith.constant 0 : i32
      %dma_wait3A_799 = arith.constant 0 : i32
      %dma_wait3A_800 = tpu.memref_slice %arg3[%dma_wait3A_798, %dma_wait3A_799] : memref<1000000x64xf32, #tpu.memory_space<hbm>> -> memref<1000000x64xf32, #tpu.memory_space<hbm>>
      tpu.wait_indirect_dma semaphore(%arg9 : memref<!tpu.dma_semaphore, #tpu.memory_space<semaphore_mem>>) src(%dma_wait3A_800 : memref<1000000x64xf32, #tpu.memory_space<hbm>>) dst(%dma_wait3A_794 : memref<50x64xf32, #tpu.memory_space<vmem>>)
      %dma_wait3A_801 = arith.constant 0 : i32
      %dma_wait3A_802 = arith.constant 2 : i32
      %dma_wait3A_803 = arith.constant 3 : i32
      %dma_wait3A_804 = arith.constant 0 : i32
      %dma_wait3A_805 = arith.constant 0 : i32
      %dma_wait3A_806 = tpu.memref_slice %arg6[%dma_wait3A_802, %dma_wait3A_803, %dma_wait3A_804, %dma_wait3A_805] : memref<4x8x50x64xf32, #tpu.memory_space<vmem>> -> memref<1x1x50x64xf32, #tpu.memory_space<vmem>>
      %dma_wait3A_807 = tpu.memref_squeeze %dma_wait3A_806 : memref<1x1x50x64xf32, #tpu.memory_space<vmem>> -> memref<50x64xf32, #tpu.memory_space<vmem>>
      %dma_wait3A_808 = arith.constant 0 : i32
      %dma_wait3A_809 = tpu.memref_slice %arg5[%dma_wait3A_801, %dma_wait3A_808] : memref<128x50xi32, #tpu.memory_space<vmem>> -> memref<1x50xi32, #tpu.memory_space<vmem>>
      %dma_wait3A_810 = tpu.memref_squeeze %dma_wait3A_809 : memref<1x50xi32, #tpu.memory_space<vmem>> -> memref<50xi32, #tpu.memory_space<vmem>>
      %dma_wait3A_811 = arith.constant 0 : i32
      %dma_wait3A_812 = arith.constant 0 : i32
      %dma_wait3A_813 = tpu.memref_slice %arg3[%dma_wait3A_811, %dma_wait3A_812] : memref<1000000x64xf32, #tpu.memory_space<hbm>> -> memref<1000000x64xf32, #tpu.memory_space<hbm>>
      tpu.wait_indirect_dma semaphore(%arg9 : memref<!tpu.dma_semaphore, #tpu.memory_space<semaphore_mem>>) src(%dma_wait3A_813 : memref<1000000x64xf32, #tpu.memory_space<hbm>>) dst(%dma_wait3A_807 : memref<50x64xf32, #tpu.memory_space<vmem>>)
      %dma_wait3A_814 = arith.constant 0 : i32
      %dma_wait3A_815 = arith.constant 2 : i32
      %dma_wait3A_816 = arith.constant 4 : i32
      %dma_wait3A_817 = arith.constant 0 : i32
      %dma_wait3A_818 = arith.constant 0 : i32
      %dma_wait3A_819 = tpu.memref_slice %arg6[%dma_wait3A_815, %dma_wait3A_816, %dma_wait3A_817, %dma_wait3A_818] : memref<4x8x50x64xf32, #tpu.memory_space<vmem>> -> memref<1x1x50x64xf32, #tpu.memory_space<vmem>>
      %dma_wait3A_820 = tpu.memref_squeeze %dma_wait3A_819 : memref<1x1x50x64xf32, #tpu.memory_space<vmem>> -> memref<50x64xf32, #tpu.memory_space<vmem>>
      %dma_wait3A_821 = arith.constant 0 : i32
      %dma_wait3A_822 = tpu.memref_slice %arg5[%dma_wait3A_814, %dma_wait3A_821] : memref<128x50xi32, #tpu.memory_space<vmem>> -> memref<1x50xi32, #tpu.memory_space<vmem>>
      %dma_wait3A_823 = tpu.memref_squeeze %dma_wait3A_822 : memref<1x50xi32, #tpu.memory_space<vmem>> -> memref<50xi32, #tpu.memory_space<vmem>>
      %dma_wait3A_824 = arith.constant 0 : i32
      %dma_wait3A_825 = arith.constant 0 : i32
      %dma_wait3A_826 = tpu.memref_slice %arg3[%dma_wait3A_824, %dma_wait3A_825] : memref<1000000x64xf32, #tpu.memory_space<hbm>> -> memref<1000000x64xf32, #tpu.memory_space<hbm>>
      tpu.wait_indirect_dma semaphore(%arg9 : memref<!tpu.dma_semaphore, #tpu.memory_space<semaphore_mem>>) src(%dma_wait3A_826 : memref<1000000x64xf32, #tpu.memory_space<hbm>>) dst(%dma_wait3A_820 : memref<50x64xf32, #tpu.memory_space<vmem>>)
      %dma_wait3A_827 = arith.constant 0 : i32
      %dma_wait3A_828 = arith.constant 2 : i32
      %dma_wait3A_829 = arith.constant 5 : i32
      %dma_wait3A_830 = arith.constant 0 : i32
      %dma_wait3A_831 = arith.constant 0 : i32
      %dma_wait3A_832 = tpu.memref_slice %arg6[%dma_wait3A_828, %dma_wait3A_829, %dma_wait3A_830, %dma_wait3A_831] : memref<4x8x50x64xf32, #tpu.memory_space<vmem>> -> memref<1x1x50x64xf32, #tpu.memory_space<vmem>>
      %dma_wait3A_833 = tpu.memref_squeeze %dma_wait3A_832 : memref<1x1x50x64xf32, #tpu.memory_space<vmem>> -> memref<50x64xf32, #tpu.memory_space<vmem>>
      %dma_wait3A_834 = arith.constant 0 : i32
      %dma_wait3A_835 = tpu.memref_slice %arg5[%dma_wait3A_827, %dma_wait3A_834] : memref<128x50xi32, #tpu.memory_space<vmem>> -> memref<1x50xi32, #tpu.memory_space<vmem>>
      %dma_wait3A_836 = tpu.memref_squeeze %dma_wait3A_835 : memref<1x50xi32, #tpu.memory_space<vmem>> -> memref<50xi32, #tpu.memory_space<vmem>>
      %dma_wait3A_837 = arith.constant 0 : i32
      %dma_wait3A_838 = arith.constant 0 : i32
      %dma_wait3A_839 = tpu.memref_slice %arg3[%dma_wait3A_837, %dma_wait3A_838] : memref<1000000x64xf32, #tpu.memory_space<hbm>> -> memref<1000000x64xf32, #tpu.memory_space<hbm>>
      tpu.wait_indirect_dma semaphore(%arg9 : memref<!tpu.dma_semaphore, #tpu.memory_space<semaphore_mem>>) src(%dma_wait3A_839 : memref<1000000x64xf32, #tpu.memory_space<hbm>>) dst(%dma_wait3A_833 : memref<50x64xf32, #tpu.memory_space<vmem>>)
      %dma_wait3A_840 = arith.constant 0 : i32
      %dma_wait3A_841 = arith.constant 2 : i32
      %dma_wait3A_842 = arith.constant 6 : i32
      %dma_wait3A_843 = arith.constant 0 : i32
      %dma_wait3A_844 = arith.constant 0 : i32
      %dma_wait3A_845 = tpu.memref_slice %arg6[%dma_wait3A_841, %dma_wait3A_842, %dma_wait3A_843, %dma_wait3A_844] : memref<4x8x50x64xf32, #tpu.memory_space<vmem>> -> memref<1x1x50x64xf32, #tpu.memory_space<vmem>>
      %dma_wait3A_846 = tpu.memref_squeeze %dma_wait3A_845 : memref<1x1x50x64xf32, #tpu.memory_space<vmem>> -> memref<50x64xf32, #tpu.memory_space<vmem>>
      %dma_wait3A_847 = arith.constant 0 : i32
      %dma_wait3A_848 = tpu.memref_slice %arg5[%dma_wait3A_840, %dma_wait3A_847] : memref<128x50xi32, #tpu.memory_space<vmem>> -> memref<1x50xi32, #tpu.memory_space<vmem>>
      %dma_wait3A_849 = tpu.memref_squeeze %dma_wait3A_848 : memref<1x50xi32, #tpu.memory_space<vmem>> -> memref<50xi32, #tpu.memory_space<vmem>>
      %dma_wait3A_850 = arith.constant 0 : i32
      %dma_wait3A_851 = arith.constant 0 : i32
      %dma_wait3A_852 = tpu.memref_slice %arg3[%dma_wait3A_850, %dma_wait3A_851] : memref<1000000x64xf32, #tpu.memory_space<hbm>> -> memref<1000000x64xf32, #tpu.memory_space<hbm>>
      tpu.wait_indirect_dma semaphore(%arg9 : memref<!tpu.dma_semaphore, #tpu.memory_space<semaphore_mem>>) src(%dma_wait3A_852 : memref<1000000x64xf32, #tpu.memory_space<hbm>>) dst(%dma_wait3A_846 : memref<50x64xf32, #tpu.memory_space<vmem>>)
      %dma_wait3A_853 = arith.constant 0 : i32
      %dma_wait3A_854 = arith.constant 2 : i32
      %dma_wait3A_855 = arith.constant 7 : i32
      %dma_wait3A_856 = arith.constant 0 : i32
      %dma_wait3A_857 = arith.constant 0 : i32
      %dma_wait3A_858 = tpu.memref_slice %arg6[%dma_wait3A_854, %dma_wait3A_855, %dma_wait3A_856, %dma_wait3A_857] : memref<4x8x50x64xf32, #tpu.memory_space<vmem>> -> memref<1x1x50x64xf32, #tpu.memory_space<vmem>>
      %dma_wait3A_859 = tpu.memref_squeeze %dma_wait3A_858 : memref<1x1x50x64xf32, #tpu.memory_space<vmem>> -> memref<50x64xf32, #tpu.memory_space<vmem>>
      %dma_wait3A_860 = arith.constant 0 : i32
      %dma_wait3A_861 = tpu.memref_slice %arg5[%dma_wait3A_853, %dma_wait3A_860] : memref<128x50xi32, #tpu.memory_space<vmem>> -> memref<1x50xi32, #tpu.memory_space<vmem>>
      %dma_wait3A_862 = tpu.memref_squeeze %dma_wait3A_861 : memref<1x50xi32, #tpu.memory_space<vmem>> -> memref<50xi32, #tpu.memory_space<vmem>>
      %dma_wait3A_863 = arith.constant 0 : i32
      %dma_wait3A_864 = arith.constant 0 : i32
      %dma_wait3A_865 = tpu.memref_slice %arg3[%dma_wait3A_863, %dma_wait3A_864] : memref<1000000x64xf32, #tpu.memory_space<hbm>> -> memref<1000000x64xf32, #tpu.memory_space<hbm>>
      tpu.wait_indirect_dma semaphore(%arg9 : memref<!tpu.dma_semaphore, #tpu.memory_space<semaphore_mem>>) src(%dma_wait3A_865 : memref<1000000x64xf32, #tpu.memory_space<hbm>>) dst(%dma_wait3A_859 : memref<50x64xf32, #tpu.memory_space<vmem>>)
      %mul3A_866 = arith.constant 8 : i32
      %mul3A_867 = arith.muli %add3A_761, %mul3A_866 : i32
      %add3A_868 = arith.addi %mul3A_2, %mul3A_867 : i32
      %dma_start3A_869 = arith.constant 2 : i32
      %dma_start3A_870 = arith.constant 0 : i32
      %dma_start3A_871 = arith.constant 0 : i32
      %dma_start3A_872 = arith.constant 0 : i32
      %dma_start3A_873 = tpu.memref_slice %arg6[%dma_start3A_869, %dma_start3A_870, %dma_start3A_871, %dma_start3A_872] : memref<4x8x50x64xf32, #tpu.memory_space<vmem>> -> memref<1x8x50x64xf32, #tpu.memory_space<vmem>>
      %dma_start3A_874 = tpu.memref_squeeze %dma_start3A_873 : memref<1x8x50x64xf32, #tpu.memory_space<vmem>> -> memref<8x50x64xf32, #tpu.memory_space<vmem>>
      %dma_start3A_875 = arith.constant 0 : i32
      %dma_start3A_876 = arith.constant 0 : i32
      %dma_start3A_877 = tpu.memref_slice %arg4[%add3A_868, %dma_start3A_875, %dma_start3A_876] : memref<4096x50x64xf32, #tpu.memory_space<hbm>> -> memref<8x50x64xf32, #tpu.memory_space<hbm>>
      %dma_start3A_878 = arith.constant 0 : i32
      %dma_start3A_879 = arith.constant 0 : i32
      %dma_start3A_880 = tpu.memref_slice %arg4[%add3A_868, %dma_start3A_878, %dma_start3A_879] : memref<4096x50x64xf32, #tpu.memory_space<hbm>> -> memref<8x50x64xf32, #tpu.memory_space<hbm>>
      %dma_start3A_881 = arith.constant 0 : i32
      %dma_start3A_882 = arith.constant 0 : i32
      %dma_start3A_883 = arith.constant 0 : i32
      %dma_start3A_884 = tpu.memref_slice %arg6[%dma_start3A_869, %dma_start3A_881, %dma_start3A_882, %dma_start3A_883] : memref<4x8x50x64xf32, #tpu.memory_space<vmem>> -> memref<1x8x50x64xf32, #tpu.memory_space<vmem>>
      %dma_start3A_885 = tpu.memref_squeeze %dma_start3A_884 : memref<1x8x50x64xf32, #tpu.memory_space<vmem>> -> memref<8x50x64xf32, #tpu.memory_space<vmem>>
      tpu.enqueue_dma source(%dma_start3A_885 : memref<8x50x64xf32, #tpu.memory_space<vmem>>) target(%dma_start3A_880 : memref<8x50x64xf32, #tpu.memory_space<hbm>>) target_semaphore(%arg13 : memref<!tpu.dma_semaphore, #tpu.memory_space<semaphore_mem>>)
      %add3A_886 = arith.constant 4 : i32
      %add3A_887 = arith.addi %add3A_761, %add3A_886 : i32
      %lt3A_888 = arith.constant 16 : i32
      %lt3A_889 = arith.cmpi slt, %add3A_887, %lt3A_888 : i32
      %convert_element_type3A_890 = arith.extui %lt3A_889 : i1 to i32
      %cond3A_891 = arith.constant 0 : i32
      %cond3A_892 = arith.cmpi ne, %convert_element_type3A_890, %cond3A_891 : i32
      scf.if %cond3A_892 {
        %dma_wait3A_1028 = arith.constant 2 : i32
        %dma_wait3A_1029 = arith.constant 0 : i32
        %dma_wait3A_1030 = arith.constant 0 : i32
        %dma_wait3A_1031 = arith.constant 0 : i32
        %dma_wait3A_1032 = tpu.memref_slice %arg6[%dma_wait3A_1028, %dma_wait3A_1029, %dma_wait3A_1030, %dma_wait3A_1031] : memref<4x8x50x64xf32, #tpu.memory_space<vmem>> -> memref<1x8x50x64xf32, #tpu.memory_space<vmem>>
        %dma_wait3A_1033 = tpu.memref_squeeze %dma_wait3A_1032 : memref<1x8x50x64xf32, #tpu.memory_space<vmem>> -> memref<8x50x64xf32, #tpu.memory_space<vmem>>
        %dma_wait3A_1034 = arith.constant 0 : i32
        %dma_wait3A_1035 = arith.constant 0 : i32
        %dma_wait3A_1036 = tpu.memref_slice %arg4[%mul3A_2, %dma_wait3A_1034, %dma_wait3A_1035] : memref<4096x50x64xf32, #tpu.memory_space<hbm>> -> memref<8x50x64xf32, #tpu.memory_space<hbm>>
        %dma_wait3A_1037 = arith.constant 0 : i32
        %dma_wait3A_1038 = arith.constant 0 : i32
        %dma_wait3A_1039 = tpu.memref_slice %arg4[%mul3A_2, %dma_wait3A_1037, %dma_wait3A_1038] : memref<4096x50x64xf32, #tpu.memory_space<hbm>> -> memref<8x50x64xf32, #tpu.memory_space<hbm>>
        %dma_wait3A_1040 = arith.constant 0 : i32
        %dma_wait3A_1041 = arith.constant 0 : i32
        %dma_wait3A_1042 = arith.constant 0 : i32
        %dma_wait3A_1043 = tpu.memref_slice %arg6[%dma_wait3A_1028, %dma_wait3A_1040, %dma_wait3A_1041, %dma_wait3A_1042] : memref<4x8x50x64xf32, #tpu.memory_space<vmem>> -> memref<1x8x50x64xf32, #tpu.memory_space<vmem>>
        %dma_wait3A_1044 = tpu.memref_squeeze %dma_wait3A_1043 : memref<1x8x50x64xf32, #tpu.memory_space<vmem>> -> memref<8x50x64xf32, #tpu.memory_space<vmem>>
        tpu.wait_dma2 semaphore(%arg13 : memref<!tpu.dma_semaphore, #tpu.memory_space<semaphore_mem>>) src(%dma_wait3A_1044 : memref<8x50x64xf32, #tpu.memory_space<vmem>>) dst(%dma_wait3A_1039 : memref<8x50x64xf32, #tpu.memory_space<hbm>>)
        %add3A_1045 = arith.constant 4 : i32
        %add3A_1046 = arith.addi %add3A_761, %add3A_1045 : i32
        %mul3A_1047 = arith.constant 8 : i32
        %mul3A_1048 = arith.muli %add3A_1046, %mul3A_1047 : i32
        %add3A_1049 = arith.constant 0 : i32
        %add3A_1050 = arith.addi %mul3A_1048, %add3A_1049 : i32
        %dma_start3A_1051 = arith.constant 2 : i32
        %dma_start3A_1052 = arith.constant 0 : i32
        %dma_start3A_1053 = arith.constant 0 : i32
        %dma_start3A_1054 = arith.constant 0 : i32
        %dma_start3A_1055 = tpu.memref_slice %arg6[%dma_start3A_1051, %dma_start3A_1052, %dma_start3A_1053, %dma_start3A_1054] : memref<4x8x50x64xf32, #tpu.memory_space<vmem>> -> memref<1x1x50x64xf32, #tpu.memory_space<vmem>>
        %dma_start3A_1056 = tpu.memref_squeeze %dma_start3A_1055 : memref<1x1x50x64xf32, #tpu.memory_space<vmem>> -> memref<50x64xf32, #tpu.memory_space<vmem>>
        %dma_start3A_1057 = arith.constant 0 : i32
        %dma_start3A_1058 = tpu.memref_slice %arg5[%add3A_1050, %dma_start3A_1057] : memref<128x50xi32, #tpu.memory_space<vmem>> -> memref<1x50xi32, #tpu.memory_space<vmem>>
        %dma_start3A_1059 = tpu.memref_squeeze %dma_start3A_1058 : memref<1x50xi32, #tpu.memory_space<vmem>> -> memref<50xi32, #tpu.memory_space<vmem>>
        %dma_start3A_1060 = arith.constant 0 : i32
        %dma_start3A_1061 = arith.constant 0 : i32
        %dma_start3A_1062 = tpu.memref_slice %arg3[%dma_start3A_1060, %dma_start3A_1061] : memref<1000000x64xf32, #tpu.memory_space<hbm>> -> memref<1000000x64xf32, #tpu.memory_space<hbm>>
        tpu.enqueue_indirect_dma source(%dma_start3A_1062 : memref<1000000x64xf32, #tpu.memory_space<hbm>>) target(%dma_start3A_1056 : memref<50x64xf32, #tpu.memory_space<vmem>>) offsets(%dma_start3A_1059 : memref<50xi32, #tpu.memory_space<vmem>>) semaphore(%arg9 : memref<!tpu.dma_semaphore, #tpu.memory_space<semaphore_mem>>)
        %mul3A_1063 = arith.constant 8 : i32
        %mul3A_1064 = arith.muli %add3A_1046, %mul3A_1063 : i32
        %add3A_1065 = arith.constant 1 : i32
        %add3A_1066 = arith.addi %mul3A_1064, %add3A_1065 : i32
        %dma_start3A_1067 = arith.constant 2 : i32
        %dma_start3A_1068 = arith.constant 1 : i32
        %dma_start3A_1069 = arith.constant 0 : i32
        %dma_start3A_1070 = arith.constant 0 : i32
        %dma_start3A_1071 = tpu.memref_slice %arg6[%dma_start3A_1067, %dma_start3A_1068, %dma_start3A_1069, %dma_start3A_1070] : memref<4x8x50x64xf32, #tpu.memory_space<vmem>> -> memref<1x1x50x64xf32, #tpu.memory_space<vmem>>
        %dma_start3A_1072 = tpu.memref_squeeze %dma_start3A_1071 : memref<1x1x50x64xf32, #tpu.memory_space<vmem>> -> memref<50x64xf32, #tpu.memory_space<vmem>>
        %dma_start3A_1073 = arith.constant 0 : i32
        %dma_start3A_1074 = tpu.memref_slice %arg5[%add3A_1066, %dma_start3A_1073] : memref<128x50xi32, #tpu.memory_space<vmem>> -> memref<1x50xi32, #tpu.memory_space<vmem>>
        %dma_start3A_1075 = tpu.memref_squeeze %dma_start3A_1074 : memref<1x50xi32, #tpu.memory_space<vmem>> -> memref<50xi32, #tpu.memory_space<vmem>>
        %dma_start3A_1076 = arith.constant 0 : i32
        %dma_start3A_1077 = arith.constant 0 : i32
        %dma_start3A_1078 = tpu.memref_slice %arg3[%dma_start3A_1076, %dma_start3A_1077] : memref<1000000x64xf32, #tpu.memory_space<hbm>> -> memref<1000000x64xf32, #tpu.memory_space<hbm>>
        tpu.enqueue_indirect_dma source(%dma_start3A_1078 : memref<1000000x64xf32, #tpu.memory_space<hbm>>) target(%dma_start3A_1072 : memref<50x64xf32, #tpu.memory_space<vmem>>) offsets(%dma_start3A_1075 : memref<50xi32, #tpu.memory_space<vmem>>) semaphore(%arg9 : memref<!tpu.dma_semaphore, #tpu.memory_space<semaphore_mem>>)
        %mul3A_1079 = arith.constant 8 : i32
        %mul3A_1080 = arith.muli %add3A_1046, %mul3A_1079 : i32
        %add3A_1081 = arith.constant 2 : i32
        %add3A_1082 = arith.addi %mul3A_1080, %add3A_1081 : i32
        %dma_start3A_1083 = arith.constant 2 : i32
        %dma_start3A_1084 = arith.constant 2 : i32
        %dma_start3A_1085 = arith.constant 0 : i32
        %dma_start3A_1086 = arith.constant 0 : i32
        %dma_start3A_1087 = tpu.memref_slice %arg6[%dma_start3A_1083, %dma_start3A_1084, %dma_start3A_1085, %dma_start3A_1086] : memref<4x8x50x64xf32, #tpu.memory_space<vmem>> -> memref<1x1x50x64xf32, #tpu.memory_space<vmem>>
        %dma_start3A_1088 = tpu.memref_squeeze %dma_start3A_1087 : memref<1x1x50x64xf32, #tpu.memory_space<vmem>> -> memref<50x64xf32, #tpu.memory_space<vmem>>
        %dma_start3A_1089 = arith.constant 0 : i32
        %dma_start3A_1090 = tpu.memref_slice %arg5[%add3A_1082, %dma_start3A_1089] : memref<128x50xi32, #tpu.memory_space<vmem>> -> memref<1x50xi32, #tpu.memory_space<vmem>>
        %dma_start3A_1091 = tpu.memref_squeeze %dma_start3A_1090 : memref<1x50xi32, #tpu.memory_space<vmem>> -> memref<50xi32, #tpu.memory_space<vmem>>
        %dma_start3A_1092 = arith.constant 0 : i32
        %dma_start3A_1093 = arith.constant 0 : i32
        %dma_start3A_1094 = tpu.memref_slice %arg3[%dma_start3A_1092, %dma_start3A_1093] : memref<1000000x64xf32, #tpu.memory_space<hbm>> -> memref<1000000x64xf32, #tpu.memory_space<hbm>>
        tpu.enqueue_indirect_dma source(%dma_start3A_1094 : memref<1000000x64xf32, #tpu.memory_space<hbm>>) target(%dma_start3A_1088 : memref<50x64xf32, #tpu.memory_space<vmem>>) offsets(%dma_start3A_1091 : memref<50xi32, #tpu.memory_space<vmem>>) semaphore(%arg9 : memref<!tpu.dma_semaphore, #tpu.memory_space<semaphore_mem>>)
        %mul3A_1095 = arith.constant 8 : i32
        %mul3A_1096 = arith.muli %add3A_1046, %mul3A_1095 : i32
        %add3A_1097 = arith.constant 3 : i32
        %add3A_1098 = arith.addi %mul3A_1096, %add3A_1097 : i32
        %dma_start3A_1099 = arith.constant 2 : i32
        %dma_start3A_1100 = arith.constant 3 : i32
        %dma_start3A_1101 = arith.constant 0 : i32
        %dma_start3A_1102 = arith.constant 0 : i32
        %dma_start3A_1103 = tpu.memref_slice %arg6[%dma_start3A_1099, %dma_start3A_1100, %dma_start3A_1101, %dma_start3A_1102] : memref<4x8x50x64xf32, #tpu.memory_space<vmem>> -> memref<1x1x50x64xf32, #tpu.memory_space<vmem>>
        %dma_start3A_1104 = tpu.memref_squeeze %dma_start3A_1103 : memref<1x1x50x64xf32, #tpu.memory_space<vmem>> -> memref<50x64xf32, #tpu.memory_space<vmem>>
        %dma_start3A_1105 = arith.constant 0 : i32
        %dma_start3A_1106 = tpu.memref_slice %arg5[%add3A_1098, %dma_start3A_1105] : memref<128x50xi32, #tpu.memory_space<vmem>> -> memref<1x50xi32, #tpu.memory_space<vmem>>
        %dma_start3A_1107 = tpu.memref_squeeze %dma_start3A_1106 : memref<1x50xi32, #tpu.memory_space<vmem>> -> memref<50xi32, #tpu.memory_space<vmem>>
        %dma_start3A_1108 = arith.constant 0 : i32
        %dma_start3A_1109 = arith.constant 0 : i32
        %dma_start3A_1110 = tpu.memref_slice %arg3[%dma_start3A_1108, %dma_start3A_1109] : memref<1000000x64xf32, #tpu.memory_space<hbm>> -> memref<1000000x64xf32, #tpu.memory_space<hbm>>
        tpu.enqueue_indirect_dma source(%dma_start3A_1110 : memref<1000000x64xf32, #tpu.memory_space<hbm>>) target(%dma_start3A_1104 : memref<50x64xf32, #tpu.memory_space<vmem>>) offsets(%dma_start3A_1107 : memref<50xi32, #tpu.memory_space<vmem>>) semaphore(%arg9 : memref<!tpu.dma_semaphore, #tpu.memory_space<semaphore_mem>>)
        %mul3A_1111 = arith.constant 8 : i32
        %mul3A_1112 = arith.muli %add3A_1046, %mul3A_1111 : i32
        %add3A_1113 = arith.constant 4 : i32
        %add3A_1114 = arith.addi %mul3A_1112, %add3A_1113 : i32
        %dma_start3A_1115 = arith.constant 2 : i32
        %dma_start3A_1116 = arith.constant 4 : i32
        %dma_start3A_1117 = arith.constant 0 : i32
        %dma_start3A_1118 = arith.constant 0 : i32
        %dma_start3A_1119 = tpu.memref_slice %arg6[%dma_start3A_1115, %dma_start3A_1116, %dma_start3A_1117, %dma_start3A_1118] : memref<4x8x50x64xf32, #tpu.memory_space<vmem>> -> memref<1x1x50x64xf32, #tpu.memory_space<vmem>>
        %dma_start3A_1120 = tpu.memref_squeeze %dma_start3A_1119 : memref<1x1x50x64xf32, #tpu.memory_space<vmem>> -> memref<50x64xf32, #tpu.memory_space<vmem>>
        %dma_start3A_1121 = arith.constant 0 : i32
        %dma_start3A_1122 = tpu.memref_slice %arg5[%add3A_1114, %dma_start3A_1121] : memref<128x50xi32, #tpu.memory_space<vmem>> -> memref<1x50xi32, #tpu.memory_space<vmem>>
        %dma_start3A_1123 = tpu.memref_squeeze %dma_start3A_1122 : memref<1x50xi32, #tpu.memory_space<vmem>> -> memref<50xi32, #tpu.memory_space<vmem>>
        %dma_start3A_1124 = arith.constant 0 : i32
        %dma_start3A_1125 = arith.constant 0 : i32
        %dma_start3A_1126 = tpu.memref_slice %arg3[%dma_start3A_1124, %dma_start3A_1125] : memref<1000000x64xf32, #tpu.memory_space<hbm>> -> memref<1000000x64xf32, #tpu.memory_space<hbm>>
        tpu.enqueue_indirect_dma source(%dma_start3A_1126 : memref<1000000x64xf32, #tpu.memory_space<hbm>>) target(%dma_start3A_1120 : memref<50x64xf32, #tpu.memory_space<vmem>>) offsets(%dma_start3A_1123 : memref<50xi32, #tpu.memory_space<vmem>>) semaphore(%arg9 : memref<!tpu.dma_semaphore, #tpu.memory_space<semaphore_mem>>)
        %mul3A_1127 = arith.constant 8 : i32
        %mul3A_1128 = arith.muli %add3A_1046, %mul3A_1127 : i32
        %add3A_1129 = arith.constant 5 : i32
        %add3A_1130 = arith.addi %mul3A_1128, %add3A_1129 : i32
        %dma_start3A_1131 = arith.constant 2 : i32
        %dma_start3A_1132 = arith.constant 5 : i32
        %dma_start3A_1133 = arith.constant 0 : i32
        %dma_start3A_1134 = arith.constant 0 : i32
        %dma_start3A_1135 = tpu.memref_slice %arg6[%dma_start3A_1131, %dma_start3A_1132, %dma_start3A_1133, %dma_start3A_1134] : memref<4x8x50x64xf32, #tpu.memory_space<vmem>> -> memref<1x1x50x64xf32, #tpu.memory_space<vmem>>
        %dma_start3A_1136 = tpu.memref_squeeze %dma_start3A_1135 : memref<1x1x50x64xf32, #tpu.memory_space<vmem>> -> memref<50x64xf32, #tpu.memory_space<vmem>>
        %dma_start3A_1137 = arith.constant 0 : i32
        %dma_start3A_1138 = tpu.memref_slice %arg5[%add3A_1130, %dma_start3A_1137] : memref<128x50xi32, #tpu.memory_space<vmem>> -> memref<1x50xi32, #tpu.memory_space<vmem>>
        %dma_start3A_1139 = tpu.memref_squeeze %dma_start3A_1138 : memref<1x50xi32, #tpu.memory_space<vmem>> -> memref<50xi32, #tpu.memory_space<vmem>>
        %dma_start3A_1140 = arith.constant 0 : i32
        %dma_start3A_1141 = arith.constant 0 : i32
        %dma_start3A_1142 = tpu.memref_slice %arg3[%dma_start3A_1140, %dma_start3A_1141] : memref<1000000x64xf32, #tpu.memory_space<hbm>> -> memref<1000000x64xf32, #tpu.memory_space<hbm>>
        tpu.enqueue_indirect_dma source(%dma_start3A_1142 : memref<1000000x64xf32, #tpu.memory_space<hbm>>) target(%dma_start3A_1136 : memref<50x64xf32, #tpu.memory_space<vmem>>) offsets(%dma_start3A_1139 : memref<50xi32, #tpu.memory_space<vmem>>) semaphore(%arg9 : memref<!tpu.dma_semaphore, #tpu.memory_space<semaphore_mem>>)
        %mul3A_1143 = arith.constant 8 : i32
        %mul3A_1144 = arith.muli %add3A_1046, %mul3A_1143 : i32
        %add3A_1145 = arith.constant 6 : i32
        %add3A_1146 = arith.addi %mul3A_1144, %add3A_1145 : i32
        %dma_start3A_1147 = arith.constant 2 : i32
        %dma_start3A_1148 = arith.constant 6 : i32
        %dma_start3A_1149 = arith.constant 0 : i32
        %dma_start3A_1150 = arith.constant 0 : i32
        %dma_start3A_1151 = tpu.memref_slice %arg6[%dma_start3A_1147, %dma_start3A_1148, %dma_start3A_1149, %dma_start3A_1150] : memref<4x8x50x64xf32, #tpu.memory_space<vmem>> -> memref<1x1x50x64xf32, #tpu.memory_space<vmem>>
        %dma_start3A_1152 = tpu.memref_squeeze %dma_start3A_1151 : memref<1x1x50x64xf32, #tpu.memory_space<vmem>> -> memref<50x64xf32, #tpu.memory_space<vmem>>
        %dma_start3A_1153 = arith.constant 0 : i32
        %dma_start3A_1154 = tpu.memref_slice %arg5[%add3A_1146, %dma_start3A_1153] : memref<128x50xi32, #tpu.memory_space<vmem>> -> memref<1x50xi32, #tpu.memory_space<vmem>>
        %dma_start3A_1155 = tpu.memref_squeeze %dma_start3A_1154 : memref<1x50xi32, #tpu.memory_space<vmem>> -> memref<50xi32, #tpu.memory_space<vmem>>
        %dma_start3A_1156 = arith.constant 0 : i32
        %dma_start3A_1157 = arith.constant 0 : i32
        %dma_start3A_1158 = tpu.memref_slice %arg3[%dma_start3A_1156, %dma_start3A_1157] : memref<1000000x64xf32, #tpu.memory_space<hbm>> -> memref<1000000x64xf32, #tpu.memory_space<hbm>>
        tpu.enqueue_indirect_dma source(%dma_start3A_1158 : memref<1000000x64xf32, #tpu.memory_space<hbm>>) target(%dma_start3A_1152 : memref<50x64xf32, #tpu.memory_space<vmem>>) offsets(%dma_start3A_1155 : memref<50xi32, #tpu.memory_space<vmem>>) semaphore(%arg9 : memref<!tpu.dma_semaphore, #tpu.memory_space<semaphore_mem>>)
        %mul3A_1159 = arith.constant 8 : i32
        %mul3A_1160 = arith.muli %add3A_1046, %mul3A_1159 : i32
        %add3A_1161 = arith.constant 7 : i32
        %add3A_1162 = arith.addi %mul3A_1160, %add3A_1161 : i32
        %dma_start3A_1163 = arith.constant 2 : i32
        %dma_start3A_1164 = arith.constant 7 : i32
        %dma_start3A_1165 = arith.constant 0 : i32
        %dma_start3A_1166 = arith.constant 0 : i32
        %dma_start3A_1167 = tpu.memref_slice %arg6[%dma_start3A_1163, %dma_start3A_1164, %dma_start3A_1165, %dma_start3A_1166] : memref<4x8x50x64xf32, #tpu.memory_space<vmem>> -> memref<1x1x50x64xf32, #tpu.memory_space<vmem>>
        %dma_start3A_1168 = tpu.memref_squeeze %dma_start3A_1167 : memref<1x1x50x64xf32, #tpu.memory_space<vmem>> -> memref<50x64xf32, #tpu.memory_space<vmem>>
        %dma_start3A_1169 = arith.constant 0 : i32
        %dma_start3A_1170 = tpu.memref_slice %arg5[%add3A_1162, %dma_start3A_1169] : memref<128x50xi32, #tpu.memory_space<vmem>> -> memref<1x50xi32, #tpu.memory_space<vmem>>
        %dma_start3A_1171 = tpu.memref_squeeze %dma_start3A_1170 : memref<1x50xi32, #tpu.memory_space<vmem>> -> memref<50xi32, #tpu.memory_space<vmem>>
        %dma_start3A_1172 = arith.constant 0 : i32
        %dma_start3A_1173 = arith.constant 0 : i32
        %dma_start3A_1174 = tpu.memref_slice %arg3[%dma_start3A_1172, %dma_start3A_1173] : memref<1000000x64xf32, #tpu.memory_space<hbm>> -> memref<1000000x64xf32, #tpu.memory_space<hbm>>
        tpu.enqueue_indirect_dma source(%dma_start3A_1174 : memref<1000000x64xf32, #tpu.memory_space<hbm>>) target(%dma_start3A_1168 : memref<50x64xf32, #tpu.memory_space<vmem>>) offsets(%dma_start3A_1171 : memref<50xi32, #tpu.memory_space<vmem>>) semaphore(%arg9 : memref<!tpu.dma_semaphore, #tpu.memory_space<semaphore_mem>>)
      } else {
      }
      %mul3A_893 = arith.constant 4 : i32
      %mul3A_894 = arith.muli %scan3A_490, %mul3A_893 : i32
      %add3A_895 = arith.constant 3 : i32
      %add3A_896 = arith.addi %mul3A_894, %add3A_895 : i32
      %dma_wait3A_897 = arith.constant 0 : i32
      %dma_wait3A_898 = arith.constant 3 : i32
      %dma_wait3A_899 = arith.constant 0 : i32
      %dma_wait3A_900 = arith.constant 0 : i32
      %dma_wait3A_901 = arith.constant 0 : i32
      %dma_wait3A_902 = tpu.memref_slice %arg6[%dma_wait3A_898, %dma_wait3A_899, %dma_wait3A_900, %dma_wait3A_901] : memref<4x8x50x64xf32, #tpu.memory_space<vmem>> -> memref<1x1x50x64xf32, #tpu.memory_space<vmem>>
      %dma_wait3A_903 = tpu.memref_squeeze %dma_wait3A_902 : memref<1x1x50x64xf32, #tpu.memory_space<vmem>> -> memref<50x64xf32, #tpu.memory_space<vmem>>
      %dma_wait3A_904 = arith.constant 0 : i32
      %dma_wait3A_905 = tpu.memref_slice %arg5[%dma_wait3A_897, %dma_wait3A_904] : memref<128x50xi32, #tpu.memory_space<vmem>> -> memref<1x50xi32, #tpu.memory_space<vmem>>
      %dma_wait3A_906 = tpu.memref_squeeze %dma_wait3A_905 : memref<1x50xi32, #tpu.memory_space<vmem>> -> memref<50xi32, #tpu.memory_space<vmem>>
      %dma_wait3A_907 = arith.constant 0 : i32
      %dma_wait3A_908 = arith.constant 0 : i32
      %dma_wait3A_909 = tpu.memref_slice %arg3[%dma_wait3A_907, %dma_wait3A_908] : memref<1000000x64xf32, #tpu.memory_space<hbm>> -> memref<1000000x64xf32, #tpu.memory_space<hbm>>
      tpu.wait_indirect_dma semaphore(%arg10 : memref<!tpu.dma_semaphore, #tpu.memory_space<semaphore_mem>>) src(%dma_wait3A_909 : memref<1000000x64xf32, #tpu.memory_space<hbm>>) dst(%dma_wait3A_903 : memref<50x64xf32, #tpu.memory_space<vmem>>)
      %dma_wait3A_910 = arith.constant 0 : i32
      %dma_wait3A_911 = arith.constant 3 : i32
      %dma_wait3A_912 = arith.constant 1 : i32
      %dma_wait3A_913 = arith.constant 0 : i32
      %dma_wait3A_914 = arith.constant 0 : i32
      %dma_wait3A_915 = tpu.memref_slice %arg6[%dma_wait3A_911, %dma_wait3A_912, %dma_wait3A_913, %dma_wait3A_914] : memref<4x8x50x64xf32, #tpu.memory_space<vmem>> -> memref<1x1x50x64xf32, #tpu.memory_space<vmem>>
      %dma_wait3A_916 = tpu.memref_squeeze %dma_wait3A_915 : memref<1x1x50x64xf32, #tpu.memory_space<vmem>> -> memref<50x64xf32, #tpu.memory_space<vmem>>
      %dma_wait3A_917 = arith.constant 0 : i32
      %dma_wait3A_918 = tpu.memref_slice %arg5[%dma_wait3A_910, %dma_wait3A_917] : memref<128x50xi32, #tpu.memory_space<vmem>> -> memref<1x50xi32, #tpu.memory_space<vmem>>
      %dma_wait3A_919 = tpu.memref_squeeze %dma_wait3A_918 : memref<1x50xi32, #tpu.memory_space<vmem>> -> memref<50xi32, #tpu.memory_space<vmem>>
      %dma_wait3A_920 = arith.constant 0 : i32
      %dma_wait3A_921 = arith.constant 0 : i32
      %dma_wait3A_922 = tpu.memref_slice %arg3[%dma_wait3A_920, %dma_wait3A_921] : memref<1000000x64xf32, #tpu.memory_space<hbm>> -> memref<1000000x64xf32, #tpu.memory_space<hbm>>
      tpu.wait_indirect_dma semaphore(%arg10 : memref<!tpu.dma_semaphore, #tpu.memory_space<semaphore_mem>>) src(%dma_wait3A_922 : memref<1000000x64xf32, #tpu.memory_space<hbm>>) dst(%dma_wait3A_916 : memref<50x64xf32, #tpu.memory_space<vmem>>)
      %dma_wait3A_923 = arith.constant 0 : i32
      %dma_wait3A_924 = arith.constant 3 : i32
      %dma_wait3A_925 = arith.constant 2 : i32
      %dma_wait3A_926 = arith.constant 0 : i32
      %dma_wait3A_927 = arith.constant 0 : i32
      %dma_wait3A_928 = tpu.memref_slice %arg6[%dma_wait3A_924, %dma_wait3A_925, %dma_wait3A_926, %dma_wait3A_927] : memref<4x8x50x64xf32, #tpu.memory_space<vmem>> -> memref<1x1x50x64xf32, #tpu.memory_space<vmem>>
      %dma_wait3A_929 = tpu.memref_squeeze %dma_wait3A_928 : memref<1x1x50x64xf32, #tpu.memory_space<vmem>> -> memref<50x64xf32, #tpu.memory_space<vmem>>
      %dma_wait3A_930 = arith.constant 0 : i32
      %dma_wait3A_931 = tpu.memref_slice %arg5[%dma_wait3A_923, %dma_wait3A_930] : memref<128x50xi32, #tpu.memory_space<vmem>> -> memref<1x50xi32, #tpu.memory_space<vmem>>
      %dma_wait3A_932 = tpu.memref_squeeze %dma_wait3A_931 : memref<1x50xi32, #tpu.memory_space<vmem>> -> memref<50xi32, #tpu.memory_space<vmem>>
      %dma_wait3A_933 = arith.constant 0 : i32
      %dma_wait3A_934 = arith.constant 0 : i32
      %dma_wait3A_935 = tpu.memref_slice %arg3[%dma_wait3A_933, %dma_wait3A_934] : memref<1000000x64xf32, #tpu.memory_space<hbm>> -> memref<1000000x64xf32, #tpu.memory_space<hbm>>
      tpu.wait_indirect_dma semaphore(%arg10 : memref<!tpu.dma_semaphore, #tpu.memory_space<semaphore_mem>>) src(%dma_wait3A_935 : memref<1000000x64xf32, #tpu.memory_space<hbm>>) dst(%dma_wait3A_929 : memref<50x64xf32, #tpu.memory_space<vmem>>)
      %dma_wait3A_936 = arith.constant 0 : i32
      %dma_wait3A_937 = arith.constant 3 : i32
      %dma_wait3A_938 = arith.constant 3 : i32
      %dma_wait3A_939 = arith.constant 0 : i32
      %dma_wait3A_940 = arith.constant 0 : i32
      %dma_wait3A_941 = tpu.memref_slice %arg6[%dma_wait3A_937, %dma_wait3A_938, %dma_wait3A_939, %dma_wait3A_940] : memref<4x8x50x64xf32, #tpu.memory_space<vmem>> -> memref<1x1x50x64xf32, #tpu.memory_space<vmem>>
      %dma_wait3A_942 = tpu.memref_squeeze %dma_wait3A_941 : memref<1x1x50x64xf32, #tpu.memory_space<vmem>> -> memref<50x64xf32, #tpu.memory_space<vmem>>
      %dma_wait3A_943 = arith.constant 0 : i32
      %dma_wait3A_944 = tpu.memref_slice %arg5[%dma_wait3A_936, %dma_wait3A_943] : memref<128x50xi32, #tpu.memory_space<vmem>> -> memref<1x50xi32, #tpu.memory_space<vmem>>
      %dma_wait3A_945 = tpu.memref_squeeze %dma_wait3A_944 : memref<1x50xi32, #tpu.memory_space<vmem>> -> memref<50xi32, #tpu.memory_space<vmem>>
      %dma_wait3A_946 = arith.constant 0 : i32
      %dma_wait3A_947 = arith.constant 0 : i32
      %dma_wait3A_948 = tpu.memref_slice %arg3[%dma_wait3A_946, %dma_wait3A_947] : memref<1000000x64xf32, #tpu.memory_space<hbm>> -> memref<1000000x64xf32, #tpu.memory_space<hbm>>
      tpu.wait_indirect_dma semaphore(%arg10 : memref<!tpu.dma_semaphore, #tpu.memory_space<semaphore_mem>>) src(%dma_wait3A_948 : memref<1000000x64xf32, #tpu.memory_space<hbm>>) dst(%dma_wait3A_942 : memref<50x64xf32, #tpu.memory_space<vmem>>)
      %dma_wait3A_949 = arith.constant 0 : i32
      %dma_wait3A_950 = arith.constant 3 : i32
      %dma_wait3A_951 = arith.constant 4 : i32
      %dma_wait3A_952 = arith.constant 0 : i32
      %dma_wait3A_953 = arith.constant 0 : i32
      %dma_wait3A_954 = tpu.memref_slice %arg6[%dma_wait3A_950, %dma_wait3A_951, %dma_wait3A_952, %dma_wait3A_953] : memref<4x8x50x64xf32, #tpu.memory_space<vmem>> -> memref<1x1x50x64xf32, #tpu.memory_space<vmem>>
      %dma_wait3A_955 = tpu.memref_squeeze %dma_wait3A_954 : memref<1x1x50x64xf32, #tpu.memory_space<vmem>> -> memref<50x64xf32, #tpu.memory_space<vmem>>
      %dma_wait3A_956 = arith.constant 0 : i32
      %dma_wait3A_957 = tpu.memref_slice %arg5[%dma_wait3A_949, %dma_wait3A_956] : memref<128x50xi32, #tpu.memory_space<vmem>> -> memref<1x50xi32, #tpu.memory_space<vmem>>
      %dma_wait3A_958 = tpu.memref_squeeze %dma_wait3A_957 : memref<1x50xi32, #tpu.memory_space<vmem>> -> memref<50xi32, #tpu.memory_space<vmem>>
      %dma_wait3A_959 = arith.constant 0 : i32
      %dma_wait3A_960 = arith.constant 0 : i32
      %dma_wait3A_961 = tpu.memref_slice %arg3[%dma_wait3A_959, %dma_wait3A_960] : memref<1000000x64xf32, #tpu.memory_space<hbm>> -> memref<1000000x64xf32, #tpu.memory_space<hbm>>
      tpu.wait_indirect_dma semaphore(%arg10 : memref<!tpu.dma_semaphore, #tpu.memory_space<semaphore_mem>>) src(%dma_wait3A_961 : memref<1000000x64xf32, #tpu.memory_space<hbm>>) dst(%dma_wait3A_955 : memref<50x64xf32, #tpu.memory_space<vmem>>)
      %dma_wait3A_962 = arith.constant 0 : i32
      %dma_wait3A_963 = arith.constant 3 : i32
      %dma_wait3A_964 = arith.constant 5 : i32
      %dma_wait3A_965 = arith.constant 0 : i32
      %dma_wait3A_966 = arith.constant 0 : i32
      %dma_wait3A_967 = tpu.memref_slice %arg6[%dma_wait3A_963, %dma_wait3A_964, %dma_wait3A_965, %dma_wait3A_966] : memref<4x8x50x64xf32, #tpu.memory_space<vmem>> -> memref<1x1x50x64xf32, #tpu.memory_space<vmem>>
      %dma_wait3A_968 = tpu.memref_squeeze %dma_wait3A_967 : memref<1x1x50x64xf32, #tpu.memory_space<vmem>> -> memref<50x64xf32, #tpu.memory_space<vmem>>
      %dma_wait3A_969 = arith.constant 0 : i32
      %dma_wait3A_970 = tpu.memref_slice %arg5[%dma_wait3A_962, %dma_wait3A_969] : memref<128x50xi32, #tpu.memory_space<vmem>> -> memref<1x50xi32, #tpu.memory_space<vmem>>
      %dma_wait3A_971 = tpu.memref_squeeze %dma_wait3A_970 : memref<1x50xi32, #tpu.memory_space<vmem>> -> memref<50xi32, #tpu.memory_space<vmem>>
      %dma_wait3A_972 = arith.constant 0 : i32
      %dma_wait3A_973 = arith.constant 0 : i32
      %dma_wait3A_974 = tpu.memref_slice %arg3[%dma_wait3A_972, %dma_wait3A_973] : memref<1000000x64xf32, #tpu.memory_space<hbm>> -> memref<1000000x64xf32, #tpu.memory_space<hbm>>
      tpu.wait_indirect_dma semaphore(%arg10 : memref<!tpu.dma_semaphore, #tpu.memory_space<semaphore_mem>>) src(%dma_wait3A_974 : memref<1000000x64xf32, #tpu.memory_space<hbm>>) dst(%dma_wait3A_968 : memref<50x64xf32, #tpu.memory_space<vmem>>)
      %dma_wait3A_975 = arith.constant 0 : i32
      %dma_wait3A_976 = arith.constant 3 : i32
      %dma_wait3A_977 = arith.constant 6 : i32
      %dma_wait3A_978 = arith.constant 0 : i32
      %dma_wait3A_979 = arith.constant 0 : i32
      %dma_wait3A_980 = tpu.memref_slice %arg6[%dma_wait3A_976, %dma_wait3A_977, %dma_wait3A_978, %dma_wait3A_979] : memref<4x8x50x64xf32, #tpu.memory_space<vmem>> -> memref<1x1x50x64xf32, #tpu.memory_space<vmem>>
      %dma_wait3A_981 = tpu.memref_squeeze %dma_wait3A_980 : memref<1x1x50x64xf32, #tpu.memory_space<vmem>> -> memref<50x64xf32, #tpu.memory_space<vmem>>
      %dma_wait3A_982 = arith.constant 0 : i32
      %dma_wait3A_983 = tpu.memref_slice %arg5[%dma_wait3A_975, %dma_wait3A_982] : memref<128x50xi32, #tpu.memory_space<vmem>> -> memref<1x50xi32, #tpu.memory_space<vmem>>
      %dma_wait3A_984 = tpu.memref_squeeze %dma_wait3A_983 : memref<1x50xi32, #tpu.memory_space<vmem>> -> memref<50xi32, #tpu.memory_space<vmem>>
      %dma_wait3A_985 = arith.constant 0 : i32
      %dma_wait3A_986 = arith.constant 0 : i32
      %dma_wait3A_987 = tpu.memref_slice %arg3[%dma_wait3A_985, %dma_wait3A_986] : memref<1000000x64xf32, #tpu.memory_space<hbm>> -> memref<1000000x64xf32, #tpu.memory_space<hbm>>
      tpu.wait_indirect_dma semaphore(%arg10 : memref<!tpu.dma_semaphore, #tpu.memory_space<semaphore_mem>>) src(%dma_wait3A_987 : memref<1000000x64xf32, #tpu.memory_space<hbm>>) dst(%dma_wait3A_981 : memref<50x64xf32, #tpu.memory_space<vmem>>)
      %dma_wait3A_988 = arith.constant 0 : i32
      %dma_wait3A_989 = arith.constant 3 : i32
      %dma_wait3A_990 = arith.constant 7 : i32
      %dma_wait3A_991 = arith.constant 0 : i32
      %dma_wait3A_992 = arith.constant 0 : i32
      %dma_wait3A_993 = tpu.memref_slice %arg6[%dma_wait3A_989, %dma_wait3A_990, %dma_wait3A_991, %dma_wait3A_992] : memref<4x8x50x64xf32, #tpu.memory_space<vmem>> -> memref<1x1x50x64xf32, #tpu.memory_space<vmem>>
      %dma_wait3A_994 = tpu.memref_squeeze %dma_wait3A_993 : memref<1x1x50x64xf32, #tpu.memory_space<vmem>> -> memref<50x64xf32, #tpu.memory_space<vmem>>
      %dma_wait3A_995 = arith.constant 0 : i32
      %dma_wait3A_996 = tpu.memref_slice %arg5[%dma_wait3A_988, %dma_wait3A_995] : memref<128x50xi32, #tpu.memory_space<vmem>> -> memref<1x50xi32, #tpu.memory_space<vmem>>
      %dma_wait3A_997 = tpu.memref_squeeze %dma_wait3A_996 : memref<1x50xi32, #tpu.memory_space<vmem>> -> memref<50xi32, #tpu.memory_space<vmem>>
      %dma_wait3A_998 = arith.constant 0 : i32
      %dma_wait3A_999 = arith.constant 0 : i32
      %dma_wait3A_1000 = tpu.memref_slice %arg3[%dma_wait3A_998, %dma_wait3A_999] : memref<1000000x64xf32, #tpu.memory_space<hbm>> -> memref<1000000x64xf32, #tpu.memory_space<hbm>>
      tpu.wait_indirect_dma semaphore(%arg10 : memref<!tpu.dma_semaphore, #tpu.memory_space<semaphore_mem>>) src(%dma_wait3A_1000 : memref<1000000x64xf32, #tpu.memory_space<hbm>>) dst(%dma_wait3A_994 : memref<50x64xf32, #tpu.memory_space<vmem>>)
      %mul3A_1001 = arith.constant 8 : i32
      %mul3A_1002 = arith.muli %add3A_896, %mul3A_1001 : i32
      %add3A_1003 = arith.addi %mul3A_2, %mul3A_1002 : i32
      %dma_start3A_1004 = arith.constant 3 : i32
      %dma_start3A_1005 = arith.constant 0 : i32
      %dma_start3A_1006 = arith.constant 0 : i32
      %dma_start3A_1007 = arith.constant 0 : i32
      %dma_start3A_1008 = tpu.memref_slice %arg6[%dma_start3A_1004, %dma_start3A_1005, %dma_start3A_1006, %dma_start3A_1007] : memref<4x8x50x64xf32, #tpu.memory_space<vmem>> -> memref<1x8x50x64xf32, #tpu.memory_space<vmem>>
      %dma_start3A_1009 = tpu.memref_squeeze %dma_start3A_1008 : memref<1x8x50x64xf32, #tpu.memory_space<vmem>> -> memref<8x50x64xf32, #tpu.memory_space<vmem>>
      %dma_start3A_1010 = arith.constant 0 : i32
      %dma_start3A_1011 = arith.constant 0 : i32
      %dma_start3A_1012 = tpu.memref_slice %arg4[%add3A_1003, %dma_start3A_1010, %dma_start3A_1011] : memref<4096x50x64xf32, #tpu.memory_space<hbm>> -> memref<8x50x64xf32, #tpu.memory_space<hbm>>
      %dma_start3A_1013 = arith.constant 0 : i32
      %dma_start3A_1014 = arith.constant 0 : i32
      %dma_start3A_1015 = tpu.memref_slice %arg4[%add3A_1003, %dma_start3A_1013, %dma_start3A_1014] : memref<4096x50x64xf32, #tpu.memory_space<hbm>> -> memref<8x50x64xf32, #tpu.memory_space<hbm>>
      %dma_start3A_1016 = arith.constant 0 : i32
      %dma_start3A_1017 = arith.constant 0 : i32
      %dma_start3A_1018 = arith.constant 0 : i32
      %dma_start3A_1019 = tpu.memref_slice %arg6[%dma_start3A_1004, %dma_start3A_1016, %dma_start3A_1017, %dma_start3A_1018] : memref<4x8x50x64xf32, #tpu.memory_space<vmem>> -> memref<1x8x50x64xf32, #tpu.memory_space<vmem>>
      %dma_start3A_1020 = tpu.memref_squeeze %dma_start3A_1019 : memref<1x8x50x64xf32, #tpu.memory_space<vmem>> -> memref<8x50x64xf32, #tpu.memory_space<vmem>>
      tpu.enqueue_dma source(%dma_start3A_1020 : memref<8x50x64xf32, #tpu.memory_space<vmem>>) target(%dma_start3A_1015 : memref<8x50x64xf32, #tpu.memory_space<hbm>>) target_semaphore(%arg14 : memref<!tpu.dma_semaphore, #tpu.memory_space<semaphore_mem>>)
      %add3A_1021 = arith.constant 4 : i32
      %add3A_1022 = arith.addi %add3A_896, %add3A_1021 : i32
      %lt3A_1023 = arith.constant 16 : i32
      %lt3A_1024 = arith.cmpi slt, %add3A_1022, %lt3A_1023 : i32
      %convert_element_type3A_1025 = arith.extui %lt3A_1024 : i1 to i32
      %cond3A_1026 = arith.constant 0 : i32
      %cond3A_1027 = arith.cmpi ne, %convert_element_type3A_1025, %cond3A_1026 : i32
      scf.if %cond3A_1027 {
        %dma_wait3A_1028 = arith.constant 3 : i32
        %dma_wait3A_1029 = arith.constant 0 : i32
        %dma_wait3A_1030 = arith.constant 0 : i32
        %dma_wait3A_1031 = arith.constant 0 : i32
        %dma_wait3A_1032 = tpu.memref_slice %arg6[%dma_wait3A_1028, %dma_wait3A_1029, %dma_wait3A_1030, %dma_wait3A_1031] : memref<4x8x50x64xf32, #tpu.memory_space<vmem>> -> memref<1x8x50x64xf32, #tpu.memory_space<vmem>>
        %dma_wait3A_1033 = tpu.memref_squeeze %dma_wait3A_1032 : memref<1x8x50x64xf32, #tpu.memory_space<vmem>> -> memref<8x50x64xf32, #tpu.memory_space<vmem>>
        %dma_wait3A_1034 = arith.constant 0 : i32
        %dma_wait3A_1035 = arith.constant 0 : i32
        %dma_wait3A_1036 = tpu.memref_slice %arg4[%mul3A_2, %dma_wait3A_1034, %dma_wait3A_1035] : memref<4096x50x64xf32, #tpu.memory_space<hbm>> -> memref<8x50x64xf32, #tpu.memory_space<hbm>>
        %dma_wait3A_1037 = arith.constant 0 : i32
        %dma_wait3A_1038 = arith.constant 0 : i32
        %dma_wait3A_1039 = tpu.memref_slice %arg4[%mul3A_2, %dma_wait3A_1037, %dma_wait3A_1038] : memref<4096x50x64xf32, #tpu.memory_space<hbm>> -> memref<8x50x64xf32, #tpu.memory_space<hbm>>
        %dma_wait3A_1040 = arith.constant 0 : i32
        %dma_wait3A_1041 = arith.constant 0 : i32
        %dma_wait3A_1042 = arith.constant 0 : i32
        %dma_wait3A_1043 = tpu.memref_slice %arg6[%dma_wait3A_1028, %dma_wait3A_1040, %dma_wait3A_1041, %dma_wait3A_1042] : memref<4x8x50x64xf32, #tpu.memory_space<vmem>> -> memref<1x8x50x64xf32, #tpu.memory_space<vmem>>
        %dma_wait3A_1044 = tpu.memref_squeeze %dma_wait3A_1043 : memref<1x8x50x64xf32, #tpu.memory_space<vmem>> -> memref<8x50x64xf32, #tpu.memory_space<vmem>>
        tpu.wait_dma2 semaphore(%arg14 : memref<!tpu.dma_semaphore, #tpu.memory_space<semaphore_mem>>) src(%dma_wait3A_1044 : memref<8x50x64xf32, #tpu.memory_space<vmem>>) dst(%dma_wait3A_1039 : memref<8x50x64xf32, #tpu.memory_space<hbm>>)
        %add3A_1045 = arith.constant 4 : i32
        %add3A_1046 = arith.addi %add3A_896, %add3A_1045 : i32
        %mul3A_1047 = arith.constant 8 : i32
        %mul3A_1048 = arith.muli %add3A_1046, %mul3A_1047 : i32
        %add3A_1049 = arith.constant 0 : i32
        %add3A_1050 = arith.addi %mul3A_1048, %add3A_1049 : i32
        %dma_start3A_1051 = arith.constant 3 : i32
        %dma_start3A_1052 = arith.constant 0 : i32
        %dma_start3A_1053 = arith.constant 0 : i32
        %dma_start3A_1054 = arith.constant 0 : i32
        %dma_start3A_1055 = tpu.memref_slice %arg6[%dma_start3A_1051, %dma_start3A_1052, %dma_start3A_1053, %dma_start3A_1054] : memref<4x8x50x64xf32, #tpu.memory_space<vmem>> -> memref<1x1x50x64xf32, #tpu.memory_space<vmem>>
        %dma_start3A_1056 = tpu.memref_squeeze %dma_start3A_1055 : memref<1x1x50x64xf32, #tpu.memory_space<vmem>> -> memref<50x64xf32, #tpu.memory_space<vmem>>
        %dma_start3A_1057 = arith.constant 0 : i32
        %dma_start3A_1058 = tpu.memref_slice %arg5[%add3A_1050, %dma_start3A_1057] : memref<128x50xi32, #tpu.memory_space<vmem>> -> memref<1x50xi32, #tpu.memory_space<vmem>>
        %dma_start3A_1059 = tpu.memref_squeeze %dma_start3A_1058 : memref<1x50xi32, #tpu.memory_space<vmem>> -> memref<50xi32, #tpu.memory_space<vmem>>
        %dma_start3A_1060 = arith.constant 0 : i32
        %dma_start3A_1061 = arith.constant 0 : i32
        %dma_start3A_1062 = tpu.memref_slice %arg3[%dma_start3A_1060, %dma_start3A_1061] : memref<1000000x64xf32, #tpu.memory_space<hbm>> -> memref<1000000x64xf32, #tpu.memory_space<hbm>>
        tpu.enqueue_indirect_dma source(%dma_start3A_1062 : memref<1000000x64xf32, #tpu.memory_space<hbm>>) target(%dma_start3A_1056 : memref<50x64xf32, #tpu.memory_space<vmem>>) offsets(%dma_start3A_1059 : memref<50xi32, #tpu.memory_space<vmem>>) semaphore(%arg10 : memref<!tpu.dma_semaphore, #tpu.memory_space<semaphore_mem>>)
        %mul3A_1063 = arith.constant 8 : i32
        %mul3A_1064 = arith.muli %add3A_1046, %mul3A_1063 : i32
        %add3A_1065 = arith.constant 1 : i32
        %add3A_1066 = arith.addi %mul3A_1064, %add3A_1065 : i32
        %dma_start3A_1067 = arith.constant 3 : i32
        %dma_start3A_1068 = arith.constant 1 : i32
        %dma_start3A_1069 = arith.constant 0 : i32
        %dma_start3A_1070 = arith.constant 0 : i32
        %dma_start3A_1071 = tpu.memref_slice %arg6[%dma_start3A_1067, %dma_start3A_1068, %dma_start3A_1069, %dma_start3A_1070] : memref<4x8x50x64xf32, #tpu.memory_space<vmem>> -> memref<1x1x50x64xf32, #tpu.memory_space<vmem>>
        %dma_start3A_1072 = tpu.memref_squeeze %dma_start3A_1071 : memref<1x1x50x64xf32, #tpu.memory_space<vmem>> -> memref<50x64xf32, #tpu.memory_space<vmem>>
        %dma_start3A_1073 = arith.constant 0 : i32
        %dma_start3A_1074 = tpu.memref_slice %arg5[%add3A_1066, %dma_start3A_1073] : memref<128x50xi32, #tpu.memory_space<vmem>> -> memref<1x50xi32, #tpu.memory_space<vmem>>
        %dma_start3A_1075 = tpu.memref_squeeze %dma_start3A_1074 : memref<1x50xi32, #tpu.memory_space<vmem>> -> memref<50xi32, #tpu.memory_space<vmem>>
        %dma_start3A_1076 = arith.constant 0 : i32
        %dma_start3A_1077 = arith.constant 0 : i32
        %dma_start3A_1078 = tpu.memref_slice %arg3[%dma_start3A_1076, %dma_start3A_1077] : memref<1000000x64xf32, #tpu.memory_space<hbm>> -> memref<1000000x64xf32, #tpu.memory_space<hbm>>
        tpu.enqueue_indirect_dma source(%dma_start3A_1078 : memref<1000000x64xf32, #tpu.memory_space<hbm>>) target(%dma_start3A_1072 : memref<50x64xf32, #tpu.memory_space<vmem>>) offsets(%dma_start3A_1075 : memref<50xi32, #tpu.memory_space<vmem>>) semaphore(%arg10 : memref<!tpu.dma_semaphore, #tpu.memory_space<semaphore_mem>>)
        %mul3A_1079 = arith.constant 8 : i32
        %mul3A_1080 = arith.muli %add3A_1046, %mul3A_1079 : i32
        %add3A_1081 = arith.constant 2 : i32
        %add3A_1082 = arith.addi %mul3A_1080, %add3A_1081 : i32
        %dma_start3A_1083 = arith.constant 3 : i32
        %dma_start3A_1084 = arith.constant 2 : i32
        %dma_start3A_1085 = arith.constant 0 : i32
        %dma_start3A_1086 = arith.constant 0 : i32
        %dma_start3A_1087 = tpu.memref_slice %arg6[%dma_start3A_1083, %dma_start3A_1084, %dma_start3A_1085, %dma_start3A_1086] : memref<4x8x50x64xf32, #tpu.memory_space<vmem>> -> memref<1x1x50x64xf32, #tpu.memory_space<vmem>>
        %dma_start3A_1088 = tpu.memref_squeeze %dma_start3A_1087 : memref<1x1x50x64xf32, #tpu.memory_space<vmem>> -> memref<50x64xf32, #tpu.memory_space<vmem>>
        %dma_start3A_1089 = arith.constant 0 : i32
        %dma_start3A_1090 = tpu.memref_slice %arg5[%add3A_1082, %dma_start3A_1089] : memref<128x50xi32, #tpu.memory_space<vmem>> -> memref<1x50xi32, #tpu.memory_space<vmem>>
        %dma_start3A_1091 = tpu.memref_squeeze %dma_start3A_1090 : memref<1x50xi32, #tpu.memory_space<vmem>> -> memref<50xi32, #tpu.memory_space<vmem>>
        %dma_start3A_1092 = arith.constant 0 : i32
        %dma_start3A_1093 = arith.constant 0 : i32
        %dma_start3A_1094 = tpu.memref_slice %arg3[%dma_start3A_1092, %dma_start3A_1093] : memref<1000000x64xf32, #tpu.memory_space<hbm>> -> memref<1000000x64xf32, #tpu.memory_space<hbm>>
        tpu.enqueue_indirect_dma source(%dma_start3A_1094 : memref<1000000x64xf32, #tpu.memory_space<hbm>>) target(%dma_start3A_1088 : memref<50x64xf32, #tpu.memory_space<vmem>>) offsets(%dma_start3A_1091 : memref<50xi32, #tpu.memory_space<vmem>>) semaphore(%arg10 : memref<!tpu.dma_semaphore, #tpu.memory_space<semaphore_mem>>)
        %mul3A_1095 = arith.constant 8 : i32
        %mul3A_1096 = arith.muli %add3A_1046, %mul3A_1095 : i32
        %add3A_1097 = arith.constant 3 : i32
        %add3A_1098 = arith.addi %mul3A_1096, %add3A_1097 : i32
        %dma_start3A_1099 = arith.constant 3 : i32
        %dma_start3A_1100 = arith.constant 3 : i32
        %dma_start3A_1101 = arith.constant 0 : i32
        %dma_start3A_1102 = arith.constant 0 : i32
        %dma_start3A_1103 = tpu.memref_slice %arg6[%dma_start3A_1099, %dma_start3A_1100, %dma_start3A_1101, %dma_start3A_1102] : memref<4x8x50x64xf32, #tpu.memory_space<vmem>> -> memref<1x1x50x64xf32, #tpu.memory_space<vmem>>
        %dma_start3A_1104 = tpu.memref_squeeze %dma_start3A_1103 : memref<1x1x50x64xf32, #tpu.memory_space<vmem>> -> memref<50x64xf32, #tpu.memory_space<vmem>>
        %dma_start3A_1105 = arith.constant 0 : i32
        %dma_start3A_1106 = tpu.memref_slice %arg5[%add3A_1098, %dma_start3A_1105] : memref<128x50xi32, #tpu.memory_space<vmem>> -> memref<1x50xi32, #tpu.memory_space<vmem>>
        %dma_start3A_1107 = tpu.memref_squeeze %dma_start3A_1106 : memref<1x50xi32, #tpu.memory_space<vmem>> -> memref<50xi32, #tpu.memory_space<vmem>>
        %dma_start3A_1108 = arith.constant 0 : i32
        %dma_start3A_1109 = arith.constant 0 : i32
        %dma_start3A_1110 = tpu.memref_slice %arg3[%dma_start3A_1108, %dma_start3A_1109] : memref<1000000x64xf32, #tpu.memory_space<hbm>> -> memref<1000000x64xf32, #tpu.memory_space<hbm>>
        tpu.enqueue_indirect_dma source(%dma_start3A_1110 : memref<1000000x64xf32, #tpu.memory_space<hbm>>) target(%dma_start3A_1104 : memref<50x64xf32, #tpu.memory_space<vmem>>) offsets(%dma_start3A_1107 : memref<50xi32, #tpu.memory_space<vmem>>) semaphore(%arg10 : memref<!tpu.dma_semaphore, #tpu.memory_space<semaphore_mem>>)
        %mul3A_1111 = arith.constant 8 : i32
        %mul3A_1112 = arith.muli %add3A_1046, %mul3A_1111 : i32
        %add3A_1113 = arith.constant 4 : i32
        %add3A_1114 = arith.addi %mul3A_1112, %add3A_1113 : i32
        %dma_start3A_1115 = arith.constant 3 : i32
        %dma_start3A_1116 = arith.constant 4 : i32
        %dma_start3A_1117 = arith.constant 0 : i32
        %dma_start3A_1118 = arith.constant 0 : i32
        %dma_start3A_1119 = tpu.memref_slice %arg6[%dma_start3A_1115, %dma_start3A_1116, %dma_start3A_1117, %dma_start3A_1118] : memref<4x8x50x64xf32, #tpu.memory_space<vmem>> -> memref<1x1x50x64xf32, #tpu.memory_space<vmem>>
        %dma_start3A_1120 = tpu.memref_squeeze %dma_start3A_1119 : memref<1x1x50x64xf32, #tpu.memory_space<vmem>> -> memref<50x64xf32, #tpu.memory_space<vmem>>
        %dma_start3A_1121 = arith.constant 0 : i32
        %dma_start3A_1122 = tpu.memref_slice %arg5[%add3A_1114, %dma_start3A_1121] : memref<128x50xi32, #tpu.memory_space<vmem>> -> memref<1x50xi32, #tpu.memory_space<vmem>>
        %dma_start3A_1123 = tpu.memref_squeeze %dma_start3A_1122 : memref<1x50xi32, #tpu.memory_space<vmem>> -> memref<50xi32, #tpu.memory_space<vmem>>
        %dma_start3A_1124 = arith.constant 0 : i32
        %dma_start3A_1125 = arith.constant 0 : i32
        %dma_start3A_1126 = tpu.memref_slice %arg3[%dma_start3A_1124, %dma_start3A_1125] : memref<1000000x64xf32, #tpu.memory_space<hbm>> -> memref<1000000x64xf32, #tpu.memory_space<hbm>>
        tpu.enqueue_indirect_dma source(%dma_start3A_1126 : memref<1000000x64xf32, #tpu.memory_space<hbm>>) target(%dma_start3A_1120 : memref<50x64xf32, #tpu.memory_space<vmem>>) offsets(%dma_start3A_1123 : memref<50xi32, #tpu.memory_space<vmem>>) semaphore(%arg10 : memref<!tpu.dma_semaphore, #tpu.memory_space<semaphore_mem>>)
        %mul3A_1127 = arith.constant 8 : i32
        %mul3A_1128 = arith.muli %add3A_1046, %mul3A_1127 : i32
        %add3A_1129 = arith.constant 5 : i32
        %add3A_1130 = arith.addi %mul3A_1128, %add3A_1129 : i32
        %dma_start3A_1131 = arith.constant 3 : i32
        %dma_start3A_1132 = arith.constant 5 : i32
        %dma_start3A_1133 = arith.constant 0 : i32
        %dma_start3A_1134 = arith.constant 0 : i32
        %dma_start3A_1135 = tpu.memref_slice %arg6[%dma_start3A_1131, %dma_start3A_1132, %dma_start3A_1133, %dma_start3A_1134] : memref<4x8x50x64xf32, #tpu.memory_space<vmem>> -> memref<1x1x50x64xf32, #tpu.memory_space<vmem>>
        %dma_start3A_1136 = tpu.memref_squeeze %dma_start3A_1135 : memref<1x1x50x64xf32, #tpu.memory_space<vmem>> -> memref<50x64xf32, #tpu.memory_space<vmem>>
        %dma_start3A_1137 = arith.constant 0 : i32
        %dma_start3A_1138 = tpu.memref_slice %arg5[%add3A_1130, %dma_start3A_1137] : memref<128x50xi32, #tpu.memory_space<vmem>> -> memref<1x50xi32, #tpu.memory_space<vmem>>
        %dma_start3A_1139 = tpu.memref_squeeze %dma_start3A_1138 : memref<1x50xi32, #tpu.memory_space<vmem>> -> memref<50xi32, #tpu.memory_space<vmem>>
        %dma_start3A_1140 = arith.constant 0 : i32
        %dma_start3A_1141 = arith.constant 0 : i32
        %dma_start3A_1142 = tpu.memref_slice %arg3[%dma_start3A_1140, %dma_start3A_1141] : memref<1000000x64xf32, #tpu.memory_space<hbm>> -> memref<1000000x64xf32, #tpu.memory_space<hbm>>
        tpu.enqueue_indirect_dma source(%dma_start3A_1142 : memref<1000000x64xf32, #tpu.memory_space<hbm>>) target(%dma_start3A_1136 : memref<50x64xf32, #tpu.memory_space<vmem>>) offsets(%dma_start3A_1139 : memref<50xi32, #tpu.memory_space<vmem>>) semaphore(%arg10 : memref<!tpu.dma_semaphore, #tpu.memory_space<semaphore_mem>>)
        %mul3A_1143 = arith.constant 8 : i32
        %mul3A_1144 = arith.muli %add3A_1046, %mul3A_1143 : i32
        %add3A_1145 = arith.constant 6 : i32
        %add3A_1146 = arith.addi %mul3A_1144, %add3A_1145 : i32
        %dma_start3A_1147 = arith.constant 3 : i32
        %dma_start3A_1148 = arith.constant 6 : i32
        %dma_start3A_1149 = arith.constant 0 : i32
        %dma_start3A_1150 = arith.constant 0 : i32
        %dma_start3A_1151 = tpu.memref_slice %arg6[%dma_start3A_1147, %dma_start3A_1148, %dma_start3A_1149, %dma_start3A_1150] : memref<4x8x50x64xf32, #tpu.memory_space<vmem>> -> memref<1x1x50x64xf32, #tpu.memory_space<vmem>>
        %dma_start3A_1152 = tpu.memref_squeeze %dma_start3A_1151 : memref<1x1x50x64xf32, #tpu.memory_space<vmem>> -> memref<50x64xf32, #tpu.memory_space<vmem>>
        %dma_start3A_1153 = arith.constant 0 : i32
        %dma_start3A_1154 = tpu.memref_slice %arg5[%add3A_1146, %dma_start3A_1153] : memref<128x50xi32, #tpu.memory_space<vmem>> -> memref<1x50xi32, #tpu.memory_space<vmem>>
        %dma_start3A_1155 = tpu.memref_squeeze %dma_start3A_1154 : memref<1x50xi32, #tpu.memory_space<vmem>> -> memref<50xi32, #tpu.memory_space<vmem>>
        %dma_start3A_1156 = arith.constant 0 : i32
        %dma_start3A_1157 = arith.constant 0 : i32
        %dma_start3A_1158 = tpu.memref_slice %arg3[%dma_start3A_1156, %dma_start3A_1157] : memref<1000000x64xf32, #tpu.memory_space<hbm>> -> memref<1000000x64xf32, #tpu.memory_space<hbm>>
        tpu.enqueue_indirect_dma source(%dma_start3A_1158 : memref<1000000x64xf32, #tpu.memory_space<hbm>>) target(%dma_start3A_1152 : memref<50x64xf32, #tpu.memory_space<vmem>>) offsets(%dma_start3A_1155 : memref<50xi32, #tpu.memory_space<vmem>>) semaphore(%arg10 : memref<!tpu.dma_semaphore, #tpu.memory_space<semaphore_mem>>)
        %mul3A_1159 = arith.constant 8 : i32
        %mul3A_1160 = arith.muli %add3A_1046, %mul3A_1159 : i32
        %add3A_1161 = arith.constant 7 : i32
        %add3A_1162 = arith.addi %mul3A_1160, %add3A_1161 : i32
        %dma_start3A_1163 = arith.constant 3 : i32
        %dma_start3A_1164 = arith.constant 7 : i32
        %dma_start3A_1165 = arith.constant 0 : i32
        %dma_start3A_1166 = arith.constant 0 : i32
        %dma_start3A_1167 = tpu.memref_slice %arg6[%dma_start3A_1163, %dma_start3A_1164, %dma_start3A_1165, %dma_start3A_1166] : memref<4x8x50x64xf32, #tpu.memory_space<vmem>> -> memref<1x1x50x64xf32, #tpu.memory_space<vmem>>
        %dma_start3A_1168 = tpu.memref_squeeze %dma_start3A_1167 : memref<1x1x50x64xf32, #tpu.memory_space<vmem>> -> memref<50x64xf32, #tpu.memory_space<vmem>>
        %dma_start3A_1169 = arith.constant 0 : i32
        %dma_start3A_1170 = tpu.memref_slice %arg5[%add3A_1162, %dma_start3A_1169] : memref<128x50xi32, #tpu.memory_space<vmem>> -> memref<1x50xi32, #tpu.memory_space<vmem>>
        %dma_start3A_1171 = tpu.memref_squeeze %dma_start3A_1170 : memref<1x50xi32, #tpu.memory_space<vmem>> -> memref<50xi32, #tpu.memory_space<vmem>>
        %dma_start3A_1172 = arith.constant 0 : i32
        %dma_start3A_1173 = arith.constant 0 : i32
        %dma_start3A_1174 = tpu.memref_slice %arg3[%dma_start3A_1172, %dma_start3A_1173] : memref<1000000x64xf32, #tpu.memory_space<hbm>> -> memref<1000000x64xf32, #tpu.memory_space<hbm>>
        tpu.enqueue_indirect_dma source(%dma_start3A_1174 : memref<1000000x64xf32, #tpu.memory_space<hbm>>) target(%dma_start3A_1168 : memref<50x64xf32, #tpu.memory_space<vmem>>) offsets(%dma_start3A_1171 : memref<50xi32, #tpu.memory_space<vmem>>) semaphore(%arg10 : memref<!tpu.dma_semaphore, #tpu.memory_space<semaphore_mem>>)
      } else {
      }
    }
    %scan3A_422 = arith.constant 4 : i32
    %dma_wait3A = arith.constant 0 : i32
    %dma_wait3A_423 = arith.constant 0 : i32
    %dma_wait3A_424 = arith.constant 0 : i32
    %dma_wait3A_425 = arith.constant 0 : i32
    %dma_wait3A_426 = tpu.memref_slice %arg6[%dma_wait3A, %dma_wait3A_423, %dma_wait3A_424, %dma_wait3A_425] : memref<4x8x50x64xf32, #tpu.memory_space<vmem>> -> memref<1x8x50x64xf32, #tpu.memory_space<vmem>>
    %dma_wait3A_427 = tpu.memref_squeeze %dma_wait3A_426 : memref<1x8x50x64xf32, #tpu.memory_space<vmem>> -> memref<8x50x64xf32, #tpu.memory_space<vmem>>
    %dma_wait3A_428 = arith.constant 0 : i32
    %dma_wait3A_429 = arith.constant 0 : i32
    %dma_wait3A_430 = tpu.memref_slice %arg4[%mul3A_2, %dma_wait3A_428, %dma_wait3A_429] : memref<4096x50x64xf32, #tpu.memory_space<hbm>> -> memref<8x50x64xf32, #tpu.memory_space<hbm>>
    %dma_wait3A_431 = arith.constant 0 : i32
    %dma_wait3A_432 = arith.constant 0 : i32
    %dma_wait3A_433 = tpu.memref_slice %arg4[%mul3A_2, %dma_wait3A_431, %dma_wait3A_432] : memref<4096x50x64xf32, #tpu.memory_space<hbm>> -> memref<8x50x64xf32, #tpu.memory_space<hbm>>
    %dma_wait3A_434 = arith.constant 0 : i32
    %dma_wait3A_435 = arith.constant 0 : i32
    %dma_wait3A_436 = arith.constant 0 : i32
    %dma_wait3A_437 = tpu.memref_slice %arg6[%dma_wait3A, %dma_wait3A_434, %dma_wait3A_435, %dma_wait3A_436] : memref<4x8x50x64xf32, #tpu.memory_space<vmem>> -> memref<1x8x50x64xf32, #tpu.memory_space<vmem>>
    %dma_wait3A_438 = tpu.memref_squeeze %dma_wait3A_437 : memref<1x8x50x64xf32, #tpu.memory_space<vmem>> -> memref<8x50x64xf32, #tpu.memory_space<vmem>>
    tpu.wait_dma2 semaphore(%arg11 : memref<!tpu.dma_semaphore, #tpu.memory_space<semaphore_mem>>) src(%dma_wait3A_438 : memref<8x50x64xf32, #tpu.memory_space<vmem>>) dst(%dma_wait3A_433 : memref<8x50x64xf32, #tpu.memory_space<hbm>>)
    %dma_wait3A_439 = arith.constant 1 : i32
    %dma_wait3A_440 = arith.constant 0 : i32
    %dma_wait3A_441 = arith.constant 0 : i32
    %dma_wait3A_442 = arith.constant 0 : i32
    %dma_wait3A_443 = tpu.memref_slice %arg6[%dma_wait3A_439, %dma_wait3A_440, %dma_wait3A_441, %dma_wait3A_442] : memref<4x8x50x64xf32, #tpu.memory_space<vmem>> -> memref<1x8x50x64xf32, #tpu.memory_space<vmem>>
    %dma_wait3A_444 = tpu.memref_squeeze %dma_wait3A_443 : memref<1x8x50x64xf32, #tpu.memory_space<vmem>> -> memref<8x50x64xf32, #tpu.memory_space<vmem>>
    %dma_wait3A_445 = arith.constant 0 : i32
    %dma_wait3A_446 = arith.constant 0 : i32
    %dma_wait3A_447 = tpu.memref_slice %arg4[%mul3A_2, %dma_wait3A_445, %dma_wait3A_446] : memref<4096x50x64xf32, #tpu.memory_space<hbm>> -> memref<8x50x64xf32, #tpu.memory_space<hbm>>
    %dma_wait3A_448 = arith.constant 0 : i32
    %dma_wait3A_449 = arith.constant 0 : i32
    %dma_wait3A_450 = tpu.memref_slice %arg4[%mul3A_2, %dma_wait3A_448, %dma_wait3A_449] : memref<4096x50x64xf32, #tpu.memory_space<hbm>> -> memref<8x50x64xf32, #tpu.memory_space<hbm>>
    %dma_wait3A_451 = arith.constant 0 : i32
    %dma_wait3A_452 = arith.constant 0 : i32
    %dma_wait3A_453 = arith.constant 0 : i32
    %dma_wait3A_454 = tpu.memref_slice %arg6[%dma_wait3A_439, %dma_wait3A_451, %dma_wait3A_452, %dma_wait3A_453] : memref<4x8x50x64xf32, #tpu.memory_space<vmem>> -> memref<1x8x50x64xf32, #tpu.memory_space<vmem>>
    %dma_wait3A_455 = tpu.memref_squeeze %dma_wait3A_454 : memref<1x8x50x64xf32, #tpu.memory_space<vmem>> -> memref<8x50x64xf32, #tpu.memory_space<vmem>>
    tpu.wait_dma2 semaphore(%arg12 : memref<!tpu.dma_semaphore, #tpu.memory_space<semaphore_mem>>) src(%dma_wait3A_455 : memref<8x50x64xf32, #tpu.memory_space<vmem>>) dst(%dma_wait3A_450 : memref<8x50x64xf32, #tpu.memory_space<hbm>>)
    %dma_wait3A_456 = arith.constant 2 : i32
    %dma_wait3A_457 = arith.constant 0 : i32
    %dma_wait3A_458 = arith.constant 0 : i32
    %dma_wait3A_459 = arith.constant 0 : i32
    %dma_wait3A_460 = tpu.memref_slice %arg6[%dma_wait3A_456, %dma_wait3A_457, %dma_wait3A_458, %dma_wait3A_459] : memref<4x8x50x64xf32, #tpu.memory_space<vmem>> -> memref<1x8x50x64xf32, #tpu.memory_space<vmem>>
    %dma_wait3A_461 = tpu.memref_squeeze %dma_wait3A_460 : memref<1x8x50x64xf32, #tpu.memory_space<vmem>> -> memref<8x50x64xf32, #tpu.memory_space<vmem>>
    %dma_wait3A_462 = arith.constant 0 : i32
    %dma_wait3A_463 = arith.constant 0 : i32
    %dma_wait3A_464 = tpu.memref_slice %arg4[%mul3A_2, %dma_wait3A_462, %dma_wait3A_463] : memref<4096x50x64xf32, #tpu.memory_space<hbm>> -> memref<8x50x64xf32, #tpu.memory_space<hbm>>
    %dma_wait3A_465 = arith.constant 0 : i32
    %dma_wait3A_466 = arith.constant 0 : i32
    %dma_wait3A_467 = tpu.memref_slice %arg4[%mul3A_2, %dma_wait3A_465, %dma_wait3A_466] : memref<4096x50x64xf32, #tpu.memory_space<hbm>> -> memref<8x50x64xf32, #tpu.memory_space<hbm>>
    %dma_wait3A_468 = arith.constant 0 : i32
    %dma_wait3A_469 = arith.constant 0 : i32
    %dma_wait3A_470 = arith.constant 0 : i32
    %dma_wait3A_471 = tpu.memref_slice %arg6[%dma_wait3A_456, %dma_wait3A_468, %dma_wait3A_469, %dma_wait3A_470] : memref<4x8x50x64xf32, #tpu.memory_space<vmem>> -> memref<1x8x50x64xf32, #tpu.memory_space<vmem>>
    %dma_wait3A_472 = tpu.memref_squeeze %dma_wait3A_471 : memref<1x8x50x64xf32, #tpu.memory_space<vmem>> -> memref<8x50x64xf32, #tpu.memory_space<vmem>>
    tpu.wait_dma2 semaphore(%arg13 : memref<!tpu.dma_semaphore, #tpu.memory_space<semaphore_mem>>) src(%dma_wait3A_472 : memref<8x50x64xf32, #tpu.memory_space<vmem>>) dst(%dma_wait3A_467 : memref<8x50x64xf32, #tpu.memory_space<hbm>>)
    %dma_wait3A_473 = arith.constant 3 : i32
    %dma_wait3A_474 = arith.constant 0 : i32
    %dma_wait3A_475 = arith.constant 0 : i32
    %dma_wait3A_476 = arith.constant 0 : i32
    %dma_wait3A_477 = tpu.memref_slice %arg6[%dma_wait3A_473, %dma_wait3A_474, %dma_wait3A_475, %dma_wait3A_476] : memref<4x8x50x64xf32, #tpu.memory_space<vmem>> -> memref<1x8x50x64xf32, #tpu.memory_space<vmem>>
    %dma_wait3A_478 = tpu.memref_squeeze %dma_wait3A_477 : memref<1x8x50x64xf32, #tpu.memory_space<vmem>> -> memref<8x50x64xf32, #tpu.memory_space<vmem>>
    %dma_wait3A_479 = arith.constant 0 : i32
    %dma_wait3A_480 = arith.constant 0 : i32
    %dma_wait3A_481 = tpu.memref_slice %arg4[%mul3A_2, %dma_wait3A_479, %dma_wait3A_480] : memref<4096x50x64xf32, #tpu.memory_space<hbm>> -> memref<8x50x64xf32, #tpu.memory_space<hbm>>
    %dma_wait3A_482 = arith.constant 0 : i32
    %dma_wait3A_483 = arith.constant 0 : i32
    %dma_wait3A_484 = tpu.memref_slice %arg4[%mul3A_2, %dma_wait3A_482, %dma_wait3A_483] : memref<4096x50x64xf32, #tpu.memory_space<hbm>> -> memref<8x50x64xf32, #tpu.memory_space<hbm>>
    %dma_wait3A_485 = arith.constant 0 : i32
    %dma_wait3A_486 = arith.constant 0 : i32
    %dma_wait3A_487 = arith.constant 0 : i32
    %dma_wait3A_488 = tpu.memref_slice %arg6[%dma_wait3A_473, %dma_wait3A_485, %dma_wait3A_486, %dma_wait3A_487] : memref<4x8x50x64xf32, #tpu.memory_space<vmem>> -> memref<1x8x50x64xf32, #tpu.memory_space<vmem>>
    %dma_wait3A_489 = tpu.memref_squeeze %dma_wait3A_488 : memref<1x8x50x64xf32, #tpu.memory_space<vmem>> -> memref<8x50x64xf32, #tpu.memory_space<vmem>>
    tpu.wait_dma2 semaphore(%arg14 : memref<!tpu.dma_semaphore, #tpu.memory_space<semaphore_mem>>) src(%dma_wait3A_489 : memref<8x50x64xf32, #tpu.memory_space<vmem>>) dst(%dma_wait3A_484 : memref<8x50x64xf32, #tpu.memory_space<hbm>>)
    return
  }
}

module attributes {stable_mosaic.version = 14 : i64} {
  func.func @_transpose_body(%arg0: i32, %arg1: memref<64x16384xf32, #tpu.memory_space<vmem>>, %arg2: memref<8192x128xf32, #tpu.memory_space<vmem>>, %arg3: memref<16384x64xf32, #tpu.memory_space<vmem>>) attributes {dimension_semantics = [#tpu.dimension_semantics<arbitrary>], iteration_bounds = array<i64: 62>, scalar_prefetch = 0 : i64, scratch_operands = 1 : i64, tpu.core_type = #tpu.core_type<tc>, window_params = [{transform_indices = @transform_0, window_bounds = array<i64: 64, 16384>}, {transform_indices = @transform_1, window_bounds = array<i64: 8192, 128>}]} {
    %get3A = arith.constant 0 : index
    %get3A_0 = arith.constant 0 : index
    %get3A_1 = vector.load %arg1[%get3A, %get3A_0] : memref<64x16384xf32, #tpu.memory_space<vmem>>, vector<64x16384xf32>
    %transpose3A = tpu.transpose %get3A_1, [1, 0] : vector<64x16384xf32> -> vector<16384x64xf32>
    %swap3A = arith.constant 0 : index
    %swap3A_2 = arith.constant 0 : index
    %swap3A_3 = vector.load %arg3[%swap3A, %swap3A_2] : memref<16384x64xf32, #tpu.memory_space<vmem>>, vector<16384x64xf32>
    tpu.vector_store %arg3[%swap3A, %swap3A_2], %transpose3A {strides = array<i32>} : memref<16384x64xf32, #tpu.memory_space<vmem>>, vector<16384x64xf32>,
    %get3A_4 = arith.constant 0 : index
    %get3A_5 = arith.constant 0 : index
    %get3A_6 = tpu.strided_load %arg3[%get3A_4, %get3A_5] {strides = array<i32: 2, 1>} : memref<16384x64xf32, #tpu.memory_space<vmem>>, vector<8192x64xf32>
    %swap3A_7 = arith.constant 0 : index
    %swap3A_8 = arith.constant 0 : index
    %swap3A_9 = vector.load %arg2[%swap3A_7, %swap3A_8] : memref<8192x128xf32, #tpu.memory_space<vmem>>, vector<8192x64xf32>
    tpu.vector_store %arg2[%swap3A_7, %swap3A_8], %get3A_6 {strides = array<i32>} : memref<8192x128xf32, #tpu.memory_space<vmem>>, vector<8192x64xf32>,
    %get3A_10 = arith.constant 1 : index
    %get3A_11 = arith.constant 0 : index
    %get3A_12 = tpu.strided_load %arg3[%get3A_10, %get3A_11] {strides = array<i32: 2, 1>} : memref<16384x64xf32, #tpu.memory_space<vmem>>, vector<8192x64xf32>
    %swap3A_13 = arith.constant 0 : index
    %swap3A_14 = arith.constant 64 : index
    %swap3A_15 = vector.load %arg2[%swap3A_13, %swap3A_14] : memref<8192x128xf32, #tpu.memory_space<vmem>>, vector<8192x64xf32>
    tpu.vector_store %arg2[%swap3A_13, %swap3A_14], %get3A_12 {strides = array<i32>} : memref<8192x128xf32, #tpu.memory_space<vmem>>, vector<8192x64xf32>,
    return
  }
  func.func @transform_0(%arg0: i32) -> (i32, i32) {
    %c0_i32 = arith.constant 0 : i32
    %c0_i32_0 = arith.constant 0 : i32
    return %c0_i32, %arg0 : i32, i32
  }
  func.func @transform_1(%arg0: i32) -> (i32, i32) {
    %c0_i32 = arith.constant 0 : i32
    %c0_i32_0 = arith.constant 0 : i32
    return %arg0, %c0_i32 : i32, i32
  }
}

</mosaic_0001>

<sc_bundles>
// kernel: kernel.4.cloned.1.call-start
scs
__scs_entry_jumppad:
0x0: {  	(pc) =	sbr.rel $0x88, $3  }
0x1: {  	(tag) =	ssettag $0x0;
	lr =	simm.s32 $0x1  }
0x2: {  	[smem:$0x3F9F] =	sst lr;
	_ =	strace $0xD0000000  }
0x3: {  	_ = 	snop  }
0x4: {  	_ = 	snop  }
0x5: {  	_ = 	snop  }
0x6: {  	_ = 	snop  }
0x7: {  	_ = 	snop  }
__scs_overlays_trampoline_lowered:
0x8: {  	[smem:$0x3FAE] =	sst s0  }
0x9: {  	[smem:$0x3FAF] =	sst s1  }
0xa: {  	[smem:$0x3FB0] =	sst s2  }
0xb: {  	[smem:$0x3FB1] =	sst s3  }
0xc: {  	[smem:$0x3FB2] =	sst s4  }
0xd: {  	[smem:$0x3FB3] =	sst s5  }
0xe: {  	[smem:$0x3FB4] =	sst s6  }
0xf: {  	[smem:$0x3FB5] =	sst s7  }
0x10: {  	[smem:$0x3FB6] =	sst s8  }
0x11: {  	[smem:$0x3FB7] =	sst s9;
	s0 =	simm.s32 @!p0 $0x0  }
0x12: {  	s1 =	sld [smem:$0x3F9D];
	s0 =	simm.s32 @p0 $0x1  }
0x13: {  	[smem:$0x3FB8] =	sst s0;
	s0 =	simm.s32 @!p1 $0x0  }
0x14: {  	s2 =	sld [smem:$0x3F9C];
	s0 =	simm.s32 @p1 $0x1  }
0x15: {  	[smem:$0x3FB9] =	sst s0;
	s0 =	simm.s32 @!p2 $0x0  }
0x16: {  	s3 =	sld [smem:$0x3FDB];
	s0 =	simm.s32 @p2 $0x1  }
0x17: {  	s4 =	simm.s32 $0x1BF5;
	[smem:$0x3FBB] =	sst s0  }
0x18: {  	s0 =	sld [smem:$0x3F9E];
	_ =	swait.ge [sflag:s4], $0x0  }
0x19: {  	s7 =	sld [smem:$0x3F9F]  }
0x1a: {  	s8 =	sadd.s32 $0xFFFFE003, lr  }
0x1b: {  	s9 =	sadd.s32 $0xFFFFFEF7, lr;
	s5 =	simm.s32 $0xFFFFFFFF;
	p2 =	slt.u32 s8, $0xFFFFF086  }
0x1c: {  	p1 =	slt.u32 s9, $0xF7A;
	s5 =	simm.s32 @!p2 $0x0  }
0x1d: {  	s5 =	simm.s32 @p1 $0x1;
	p0 =	seq.s32 s7, s2  }
0x1e: {  	s7 =	smul.u32 @!p0 $0xF7A, s2;
	p2 =	seq.s32 @!p0 s5, $0x0  }
0x1f: {  	s9 =	smul.u32 $0xF7A, s1;
	s8 =	simm.s32 @!p0 $0x1BF5;
	p2 =	por !p2, p0  }
0x20: {  	[sflag:s8] =	ssyncset.s32 @!p0 $0xFFFFF086;
	s6 =	sadd.s32 @!p0 s3, s7;
	s7 =	simm.s32 @!p0 $0x108  }
0x21: {  	s3 =	sadd.s32 s3, s9;
	s6 =	sadd.s32 @!p0 $0x88, s6;
	s7 =	simm.s32 @p2 $0x1082  }
0x22: {  	[simem:s7], [sflag:s8] =	dma.local @!p0 [hbm:s6], $0xF7A  }
0x23: {  	s9 =	sor.u32 $0xD0000000, s2;
	s6 =	simm.s32 $0x108;
	_ =	swait.ge @!p0 [sflag:s8], $0x0  }
0x24: {  	s3 =	sadd.s32 $0x88, s3;
	s6 =	simm.s32 @!p1 $0x1082;
	[sflag:s4] =	ssyncset.s32 $0xFFFFF086  }
0x25: {  	[simem:s6], [sflag:s4] =	dma.local [hbm:s3], $0xF7A  }
0x26: {  	[smem:$0x3F9F] =	sst s1;
	(tag) =	ssettag s2;
	_ =	strace s9  }
0x27: {  	s1 =	sld [smem:$0x3FAF]  }
0x28: {  	s2 =	sld [smem:$0x3FB0]  }
0x29: {  	s4 =	sld [smem:$0x3FB2]  }
0x2a: {  	p0 =	seq.s32 s5, $0x0;
	s5 =	sld [smem:$0x3FB3]  }
0x2b: {  	s6 =	sld [smem:$0x3FB4]  }
0x2c: {  	s7 =	sld [smem:$0x3FB5]  }
0x2d: {  	s3 =	simm.s32 $0x108;
	s8 =	sld [smem:$0x3FB6]  }
0x2e: {  	s3 =	simm.s32 @!p0 $0x1082;
	s9 =	sld [smem:$0x3FB7]  }
0x2f: {  	lr =	sadd.s32 s0, s3;
	s0 =	sld [smem:$0x3FAE]  }
0x30: {  	s3 =	sld [smem:$0x3FB1]  }
0x31: {  	[smem:$0x3FBA] =	sst s10  }
0x32: {  	s10 =	sld [smem:$0x3FB8];
	_ =	sdelay $0x3  }
0x33: {  	p0 =	seq.s32 s10, $0x1;
	s10 =	sld [smem:$0x3FBA];
	_ =	sdelay $0x3  }
0x34: {  	[smem:$0x3FBA] =	sst s10  }
0x35: {  	s10 =	sld [smem:$0x3FB9];
	_ =	sdelay $0x3  }
0x36: {  	p1 =	seq.s32 s10, $0x1;
	s10 =	sld [smem:$0x3FBA];
	_ =	sdelay $0x3  }
0x37: {  	[smem:$0x3FBA] =	sst s10  }
0x38: {  	s10 =	sld [smem:$0x3FBB]  }
0x39: {  	_ = 	snop;
	(pc) =	sbr.ind lr, $3  }
0x3a: {  	_ = 	snop  }
0x3b: {  	_ = 	snop  }
0x3c: {  	p2 =	seq.s32 s10, $0x1;
	s10 =	sld [smem:$0x3FBA]  }
0x3d: {  	_ =	shalt  }
0x3e: {  	_ =	shalt  }
0x3f: {  	_ =	shalt  }
0x40: {  	_ =	shalt  }
0x41: {  	_ =	shalt  }
0x42: {  	_ =	shalt  }
0x43: {  	_ =	shalt  }
0x44: {  	_ =	shalt  }
0x45: {  	_ =	shalt  }
0x46: {  	_ =	shalt  }
0x47: {  	_ =	shalt  }
0x48: {  	_ =	shalt  }
0x49: {  	_ =	shalt  }
0x4a: {  	_ =	shalt  }
0x4b: {  	_ =	shalt  }
0x4c: {  	_ =	shalt  }
0x4d: {  	_ =	shalt  }
0x4e: {  	_ =	shalt  }
0x4f: {  	_ =	shalt  }
0x50: {  	_ =	shalt  }
0x51: {  	_ =	shalt  }
0x52: {  	_ =	shalt  }
0x53: {  	_ =	shalt  }
0x54: {  	_ =	shalt  }
0x55: {  	_ =	shalt  }
0x56: {  	_ =	shalt  }
0x57: {  	_ =	shalt  }
0x58: {  	_ =	shalt  }
0x59: {  	_ =	shalt  }
0x5a: {  	_ =	shalt  }
0x5b: {  	_ =	shalt  }
0x5c: {  	_ =	shalt  }
0x5d: {  	_ =	shalt  }
0x5e: {  	_ =	shalt  }
0x5f: {  	_ =	shalt  }
0x60: {  	_ =	shalt  }
0x61: {  	_ =	shalt  }
0x62: {  	_ =	shalt  }
0x63: {  	_ =	shalt  }
0x64: {  	_ =	shalt  }
0x65: {  	_ =	shalt  }
0x66: {  	_ =	shalt  }
0x67: {  	_ =	shalt  }
0x68: {  	_ =	shalt  }
0x69: {  	_ =	shalt  }
0x6a: {  	_ =	shalt  }
0x6b: {  	_ =	shalt  }
0x6c: {  	_ =	shalt  }
0x6d: {  	_ =	shalt  }
0x6e: {  	_ =	shalt  }
0x6f: {  	_ =	shalt  }
0x70: {  	_ =	shalt  }
0x71: {  	_ =	shalt  }
0x72: {  	_ =	shalt  }
0x73: {  	_ =	shalt  }
0x74: {  	_ =	shalt  }
0x75: {  	_ =	shalt  }
0x76: {  	_ =	shalt  }
0x77: {  	_ =	shalt  }
0x78: {  	_ =	shalt  }
0x79: {  	_ =	shalt  }
0x7a: {  	_ =	shalt  }
0x7b: {  	_ =	shalt  }
0x7c: {  	_ =	shalt  }
0x7d: {  	_ =	shalt  }
0x7e: {  	_ =	shalt  }
0x7f: {  	_ =	shalt  }
0x80: {  	_ =	shalt  }
0x81: {  	_ =	shalt  }
0x82: {  	_ =	shalt  }
0x83: {  	_ =	shalt  }
0x84: {  	_ =	shalt  }
0x85: {  	_ =	shalt  }
0x86: {  	_ =	shalt  }
0x87: {  	_ =	shalt  }
.Lfunc_end0:
.L_simem_size_0:
called_computation.1_lowered:
.L_overlay_start_0:
0x88: {  	s2 =	sld [smem:$0x3FD9]  }
0x89: {  	s3 =	sld [smem:$0x3FFE];
	_ =	sdelay $0x1  }
0x8a: {  	s1 =	srdreg.scid  }
0x8b: {  	s0 =	sand.u32 $0x1, s1  }
0x8c: {  	s17 =	sshll.u32 s0, $0xA;
	s2 =	sadd.s32 s3, s2  }
0x8d: {  	s2 =	sadd.s32 s2, s17  }
0x8e: {  	[smem:$0x3FC6] =	sst s2  }
0x8f: {  	_ = 	snop  }
0x90: {  	s2 =	sld [smem:$0x3FD0];
	(tm) =	ssettm $0x1  }
0x91: {  	s18 =	sld [smem:$0x3FFB];
	_ =	sdelay $0x3  }
0x92: {  	_ =	strace s18  }
0x93: {  	s3 =	sld [smem:$0x3FFC];
	_ =	sdelay $0x3  }
0x94: {  	_ =	strace s3  }
0x95: {  	s3 =	sld [smem:$0x3FFD];
	_ =	sdelay $0x3  }
0x96: {  	_ =	strace s3  }
0x97: {  	_ =	strace $0x8FFFFFFF  }
0x98: {  	s19 =	sld [smem:$0x3FDB];
	_ =	sdelay $0x1  }
0x99: {  	s4 =	simm.s32 $_scs_section_size  }
0x9a: {  	s5 =	simm.s32 $_size__tile_overlayer_lowered;
	s6 =	simm.s32 $_tile_overlayer_lowered  }
0x9b: {  	s22 =	simm.s32 $0x1BFF;
	s21 =	sshll.u32 s6, $0x1;
	s3 =	sadd.s32 s4, s19  }
0x9c: {  	s7 =	simm.s32 $0x0;
	s20 =	sshll.u32 s5, $0x1;
	s5 =	sadd.s32 s21, s3  }
0x9d: {  	[timem:s7], [sflag:s22] =	dma.local [hbm:s5], s20  }
0x9e: {  	_ =	swait.ge [sflag:s22], s20  }
0x9f: {  	s4 =	ssub.s32 $0x0, s20;
	[sflag:s22] =	ssyncset.done $0x0  }
0xa0: {  	[sflag:s22] =	ssyncadd.s32 s4;
	_ =	sdelay $0x1  }
0xa1: {  	s23 =	simm.s32 $0x1B8B  }
0xa2: {  	_ =	swait.ge [sflag:s23], $0x1  }
0xa3: {  	[sflag:s23] =	ssyncset.done $0x0  }
0xa4: {  	s25 =	simm.s32 $0x1B8E;
	s24 =	sld [smem:$0x3FFE];
	[sflag:s23] =	ssyncadd.s32 $0xFFFFFFFF  }
0xa5: {  	s26 =	simm.s32 $execute0_lowered;
	[smem:$0x3FD2] =	sst s25  }
0xa6: {  	s5 =	sshll.u32 s26, $0x1;
	_ =	strace $0x80000046;
	[dreg:$0x1] =	wrdreg $0xFFFFFFFF  }
0xa7: {  	s28 =	simm.s32 $_size_execute0_lowered;
	s3 =	sadd.s32 s3, s5;
	[dreg:$0x0] =	wrdreg $0x0  }
0xa8: {  	s5 =	sshll.u32 s28, $0x1;
	[dreg:$0x2] =	wrdreg s3  }
0xa9: {  	[dreg:$0x3] =	wrdreg s5  }
0xaa: {  	[dreg:$0x4] =	wrdreg $0xC0  }
0xab: {  	_ =	task [dreg:s7], $0x5FFFF  }
0xac: {  	[dreg:$0x1] =	wrdreg $0xFFFFFFFF  }
0xad: {  	[dreg:$0x0] =	wrdreg $0x60  }
0xae: {  	[dreg:$0x2] =	wrdreg s24  }
0xaf: {  	[dreg:$0x3] =	wrdreg s2  }
0xb0: {  	[dreg:$0x4] =	wrdreg $0x9  }
0xb1: {  	_ =	task.clear_ibuf [dreg:s7], $0x5FFFF;
	_ =	strace $0x90000046  }
0xb2: {  	s29 =	simm.s32 $0x9;
	_ =	strace $0x80000048  }
0xb3: {  	_ =	swait.ge [sflag:s29], $0x1  }
0xb4: {  	[sflag:s29] =	ssyncadd.s32 $0xFFFFFFFF  }
0xb5: {  	_ =	strace $0x90000048  }
0xb6: {  	_ =	sfence  }
0xb7: {  	s30 =	sld [smem:$0x0];
	_ =	sdelay $0x2  }
0xb8: {  	s31 =	sshll.u32 s1, $0xD;
	s1 =	sshrl.u32 s1, $0x2  }
0xb9: {  	s3 =	sand.u32 $0x4000, s31;
	s1 =	sadd.s32 s1, s30  }
0xba: {  	s0 =	sor.u32 s3, s0;
	s1 =	sshll.u32 s1, $0x11  }
0xbb: {  	s0 =	sor.u32 s1, s0  }
0xbc: {  	s0 =	sadd.s32 $0x8F2B, s0  }
0xbd: {  	[sflag:s0] =	ssyncadd.remote.s32 $0x1  }
0xbe: {  	_ =	sfence.sel $0xFFFF  }
0xbf: {  	[dreg:$0x0] =	wrdreg $0xFFFFFFFF;
	(pc) =	sbr.abs _section_cstart, $3  }
0xc0: {  	[dreg:$0x1] =	wrdreg $0xFFFFFFFF  }
0xc1: {  	_ =	task.clear_ibuf [dreg:s7], $0x2FFFF;
	_ =	strace $0x9FFFFFFF  }
0xc2: {  	(tm) =	ssettm $0x7FFFFFFF  }
0xc3: {  	_ =	shalt  }
tec
execute0_lowered:
.L_overlay_start_1:
0x0: {  	(tag) =	ssettag $0x1  }
0x1: {  	s0 =	srdreg.scid  }
0x2: {  	s1 =	rddreg [dreg:$0x0];
	s8 =	stileid.u32  }
0x3: {  	s6 =	rddreg [dreg:$0x1];
	s2 =	simm.s32 $0x0;
	s9 =	simm.s32 $0x1C00  }
0x4: {  	s18 =	simm.s32 $0xE400;
	s12 =	simm.s32 $0x14800;
	s14 =	simm.s32 $0x15480  }
0x5: {  	s16 =	simm.s32 $0x16100;
	s19 =	simm.s32 $0x16D80;
	s21 =	simm.s32 $0x17A00  }
0x6: {  	s23 =	simm.s32 $0x18680;
	s29 =	simm.s32 $0x19F80;
	s30 =	simm.s32 $0x1  }
0x7: {  	s31 =	simm.s32 $0x2;
	s10 =	simm.s32 $0x5;
	s11 =	simm.s32 $0x6  }
0x8: {  	s13 =	simm.s32 $0x7;
	s15 =	simm.s32 $0x8;
	s17 =	simm.s32 $0x0  }
0x9: {  	s0 =	sand.u32 $0x1, s0;
	s3 =	sshll.u32 s8, $0x8;
	[smem:$0x7FF] =	sst s2  }
0xa: {  	s8 =	smul.u32 $0x19000, s8;
	s4 =	sshll.u32 s0, $0x7;
	_ =	strace $0x80000047  }
0xb: {  	s24 =	ssub.s32 $0x2, s0;
	s0 =	smul.u32 $0xC800, s0;
	s3 =	sor.u32 s4, s3  }
0xc: {  	s7 =	sshrl.u32 s24, $0x1;
	s28 =	sadd.s32 s8, s6;
	s3 =	smul.u32 $0x7, s3  }
.Ltmp0:
0xd: {  	s8 =	simm.s32 $0x32;
	s25 =	ssub.s32 s24, s7;
	(pc) =	sbr.rel .LBB2_1-.Ltmp0, $4  }
0xe: {  	s20 =	sadd.s32 s0, s28;
	s7 =	simm.s32 $0x9;
	s0 =	simm.s32 $0x4  }
0xf: {  	s5 =	sadd.s32 s3, s1;
	s3 =	sadd.s32 $0x7800, s1;
	s1 =	smax.u32 s25, $0x1  }
0x10: {  	s25 =	simm.s32 $0x8000;
	s26 =	sadd.s32 $0x800, s5;
	[dreg:$0x4] =	wrdreg s1  }
0x11: {  	s1 =	simm.s32 $0x3;
	[dreg:$0x3] =	wrdreg s26;
	s26 =	simm.s32 $0x19300  }
.LBB2_4:
0x12: {  	_ =	swait.ge [sflag:s10], $0x6400  }
0x13: {  	[sflag:s10] =	ssyncset.done $0x0  }
0x14: {  	[sflag:s10] =	ssyncadd.s32 $0xFFFF9C00  }
0x15: {  	_ =	swait.ge [sflag:s11], $0x6400  }
0x16: {  	[sflag:s11] =	ssyncset.done $0x0  }
0x17: {  	[sflag:s11] =	ssyncadd.s32 $0xFFFF9C00  }
0x18: {  	_ =	swait.ge [sflag:s13], $0x6400  }
0x19: {  	[sflag:s13] =	ssyncset.done $0x0  }
0x1a: {  	[sflag:s13] =	ssyncadd.s32 $0xFFFF9C00  }
0x1b: {  	_ =	swait.ge [sflag:s15], $0x6400  }
0x1c: {  	s17 =	sadd.s32 $0x1, s17;
	s4 =	rddreg [dreg:$0x4]  }
0x1d: {  	p0 =	sne.s32 s17, s4  }
.Ltmp1:
0x1e: {  	_ = 	snop;
	(pc) =	sbr.rel @!p0 .LBB2_5-.Ltmp1, $3  }
0x1f: {  	_ =	sdelay $0x1  }
0x20: {  	[sflag:s15] =	ssyncset.done $0x0  }
0x21: {  	[sflag:s15] =	ssyncadd.s32 $0xFFFF9C00  }
.LBB2_1:
0x22: {  	s4 =	rddreg [dreg:$0x3]  }
0x23: {  	[tilespmem:s2], [sflag:$0x9] =	stream.linear.gather [hbm4b:s4+s2], $0x1C00, $0x38;
	[tilespmem:$0x1AC00] =	vst v63  }
0x24: {  	_ =	swait.ge [sflag:s7], $0x1C00  }
0x25: {  	[sflag:s7] =	ssyncset.done $0x0  }
0x26: {  	[sflag:s7] =	ssyncadd.s32 $0xFFFFE400  }
0x27: {  	[tilespmem:s9], [sflag:$0x1] =	stream.indirect.gather [hbm4b:s3+s8], $0x40, s2, s8, $0xb8;
	[tilespmem:$0x1AC00] =	vst v63  }
0x28: {  	s22 =	simm.s32 $0x38;
	s5 =	simm.s32 $0x2880  }
0x29: {  	[tilespmem:s5], [sflag:$0x1] =	stream.indirect.gather [hbm4b:s3+s8], $0x40, s22, s8, $0xb8;
	[tilespmem:$0x1AC00] =	vst v63  }
0x2a: {  	s24 =	simm.s32 $0x70;
	s28 =	simm.s32 $0x3500  }
0x2b: {  	[tilespmem:s28], [sflag:$0x1] =	stream.indirect.gather [hbm4b:s3+s8], $0x40, s24, s8, $0xb8;
	[tilespmem:$0x1AC00] =	vst v63  }
0x2c: {  	s6 =	simm.s32 $0xA8;
	s22 =	simm.s32 $0x4180  }
0x2d: {  	[tilespmem:s22], [sflag:$0x1] =	stream.indirect.gather [hbm4b:s3+s8], $0x40, s6, s8, $0xb8;
	[tilespmem:$0x1AC00] =	vst v63  }
0x2e: {  	s24 =	simm.s32 $0xE0;
	s28 =	simm.s32 $0x4E00  }
0x2f: {  	[tilespmem:s28], [sflag:$0x1] =	stream.indirect.gather [hbm4b:s3+s8], $0x40, s24, s8, $0xb8;
	[tilespmem:$0x1AC00] =	vst v63  }
0x30: {  	s6 =	simm.s32 $0x118;
	s22 =	simm.s32 $0x5A80  }
0x31: {  	[tilespmem:s22], [sflag:$0x1] =	stream.indirect.gather [hbm4b:s3+s8], $0x40, s6, s8, $0xb8;
	[tilespmem:$0x1AC00] =	vst v63  }
0x32: {  	s24 =	simm.s32 $0x150;
	s28 =	simm.s32 $0x6700  }
0x33: {  	[tilespmem:s28], [sflag:$0x1] =	stream.indirect.gather [hbm4b:s3+s8], $0x40, s24, s8, $0xb8;
	[tilespmem:$0x1AC00] =	vst v63  }
0x34: {  	s5 =	simm.s32 $0x188;
	s6 =	simm.s32 $0x7380  }
0x35: {  	[tilespmem:s6], [sflag:$0x1] =	stream.indirect.gather [hbm4b:s3+s8], $0x40, s5, s8, $0xb8;
	[tilespmem:$0x1AC00] =	vst v63  }
0x36: {  	s22 =	simm.s32 $0x1C0  }
0x37: {  	[tilespmem:s25], [sflag:$0x2] =	stream.indirect.gather [hbm4b:s3+s8], $0x40, s22, s8, $0xb8;
	[tilespmem:$0x1AC00] =	vst v63  }
0x38: {  	s24 =	simm.s32 $0x1F8;
	s28 =	simm.s32 $0x8C80  }
0x39: {  	[tilespmem:s28], [sflag:$0x2] =	stream.indirect.gather [hbm4b:s3+s8], $0x40, s24, s8, $0xb8;
	[tilespmem:$0x1AC00] =	vst v63  }
0x3a: {  	s6 =	simm.s32 $0x230;
	s22 =	simm.s32 $0x9900  }
0x3b: {  	[tilespmem:s22], [sflag:$0x2] =	stream.indirect.gather [hbm4b:s3+s8], $0x40, s6, s8, $0xb8;
	[tilespmem:$0x1AC00] =	vst v63  }
0x3c: {  	s24 =	simm.s32 $0x268;
	s28 =	simm.s32 $0xA580  }
0x3d: {  	[tilespmem:s28], [sflag:$0x2] =	stream.indirect.gather [hbm4b:s3+s8], $0x40, s24, s8, $0xb8;
	[tilespmem:$0x1AC00] =	vst v63  }
0x3e: {  	s6 =	simm.s32 $0x2A0;
	s22 =	simm.s32 $0xB200  }
0x3f: {  	[tilespmem:s22], [sflag:$0x2] =	stream.indirect.gather [hbm4b:s3+s8], $0x40, s6, s8, $0xb8;
	[tilespmem:$0x1AC00] =	vst v63  }
0x40: {  	s24 =	simm.s32 $0x2D8;
	s28 =	simm.s32 $0xBE80  }
0x41: {  	[tilespmem:s28], [sflag:$0x2] =	stream.indirect.gather [hbm4b:s3+s8], $0x40, s24, s8, $0xb8;
	[tilespmem:$0x1AC00] =	vst v63  }
0x42: {  	s6 =	simm.s32 $0x310;
	s22 =	simm.s32 $0xCB00  }
0x43: {  	[tilespmem:s22], [sflag:$0x2] =	stream.indirect.gather [hbm4b:s3+s8], $0x40, s6, s8, $0xb8;
	[tilespmem:$0x1AC00] =	vst v63  }
0x44: {  	s24 =	simm.s32 $0x348;
	s28 =	simm.s32 $0xD780  }
0x45: {  	[tilespmem:s28], [sflag:$0x2] =	stream.indirect.gather [hbm4b:s3+s8], $0x40, s24, s8, $0xb8;
	[tilespmem:$0x1AC00] =	vst v63  }
0x46: {  	s5 =	simm.s32 $0x380  }
0x47: {  	[tilespmem:s18], [sflag:$0x3] =	stream.indirect.gather [hbm4b:s3+s8], $0x40, s5, s8, $0xb8;
	[tilespmem:$0x1AC00] =	vst v63  }
0x48: {  	s6 =	simm.s32 $0x3B8;
	s22 =	simm.s32 $0xF080  }
0x49: {  	[tilespmem:s22], [sflag:$0x3] =	stream.indirect.gather [hbm4b:s3+s8], $0x40, s6, s8, $0xb8;
	[tilespmem:$0x1AC00] =	vst v63  }
0x4a: {  	s24 =	simm.s32 $0x3F0;
	s28 =	simm.s32 $0xFD00  }
0x4b: {  	[tilespmem:s28], [sflag:$0x3] =	stream.indirect.gather [hbm4b:s3+s8], $0x40, s24, s8, $0xb8;
	[tilespmem:$0x1AC00] =	vst v63  }
0x4c: {  	s6 =	simm.s32 $0x428;
	s22 =	simm.s32 $0x10980  }
0x4d: {  	[tilespmem:s22], [sflag:$0x3] =	stream.indirect.gather [hbm4b:s3+s8], $0x40, s6, s8, $0xb8;
	[tilespmem:$0x1AC00] =	vst v63  }
0x4e: {  	s24 =	simm.s32 $0x460;
	s28 =	simm.s32 $0x11600  }
0x4f: {  	[tilespmem:s28], [sflag:$0x3] =	stream.indirect.gather [hbm4b:s3+s8], $0x40, s24, s8, $0xb8;
	[tilespmem:$0x1AC00] =	vst v63  }
0x50: {  	s6 =	simm.s32 $0x498;
	s22 =	simm.s32 $0x12280  }
0x51: {  	[tilespmem:s22], [sflag:$0x3] =	stream.indirect.gather [hbm4b:s3+s8], $0x40, s6, s8, $0xb8;
	[tilespmem:$0x1AC00] =	vst v63  }
0x52: {  	s24 =	simm.s32 $0x4D0;
	s28 =	simm.s32 $0x12F00  }
0x53: {  	[tilespmem:s28], [sflag:$0x3] =	stream.indirect.gather [hbm4b:s3+s8], $0x40, s24, s8, $0xb8;
	[tilespmem:$0x1AC00] =	vst v63  }
0x54: {  	s5 =	simm.s32 $0x508;
	s6 =	simm.s32 $0x13B80  }
0x55: {  	[tilespmem:s6], [sflag:$0x3] =	stream.indirect.gather [hbm4b:s3+s8], $0x40, s5, s8, $0xb8;
	[tilespmem:$0x1AC00] =	vst v63  }
0x56: {  	s22 =	simm.s32 $0x540  }
0x57: {  	[tilespmem:s12], [sflag:$0x4] =	stream.indirect.gather [hbm4b:s3+s8], $0x40, s22, s8, $0xb8;
	[tilespmem:$0x1AC00] =	vst v63  }
0x58: {  	s24 =	simm.s32 $0x578  }
0x59: {  	[tilespmem:s14], [sflag:$0x4] =	stream.indirect.gather [hbm4b:s3+s8], $0x40, s24, s8, $0xb8;
	[tilespmem:$0x1AC00] =	vst v63  }
0x5a: {  	s28 =	simm.s32 $0x5B0  }
0x5b: {  	[tilespmem:s16], [sflag:$0x4] =	stream.indirect.gather [hbm4b:s3+s8], $0x40, s28, s8, $0xb8;
	[tilespmem:$0x1AC00] =	vst v63  }
0x5c: {  	s5 =	simm.s32 $0x5E8  }
0x5d: {  	[tilespmem:s19], [sflag:$0x4] =	stream.indirect.gather [hbm4b:s3+s8], $0x40, s5, s8, $0xb8;
	[tilespmem:$0x1AC00] =	vst v63  }
0x5e: {  	s6 =	simm.s32 $0x620  }
0x5f: {  	[tilespmem:s21], [sflag:$0x4] =	stream.indirect.gather [hbm4b:s3+s8], $0x40, s6, s8, $0xb8;
	[tilespmem:$0x1AC00] =	vst v63  }
0x60: {  	s22 =	simm.s32 $0x658  }
0x61: {  	[tilespmem:s23], [sflag:$0x4] =	stream.indirect.gather [hbm4b:s3+s8], $0x40, s22, s8, $0xb8;
	[tilespmem:$0x1AC00] =	vst v63  }
0x62: {  	s24 =	simm.s32 $0x690  }
0x63: {  	[tilespmem:s26], [sflag:$0x4] =	stream.indirect.gather [hbm4b:s3+s8], $0x40, s24, s8, $0xb8;
	[tilespmem:$0x1AC00] =	vst v63  }
0x64: {  	s28 =	simm.s32 $0x6C8;
	s6 =	smov.u32 s20;
	s22 =	simm.s32 $0x0  }
0x65: {  	[tilespmem:s29], [sflag:$0x4] =	stream.indirect.gather [hbm4b:s3+s8], $0x40, s28, s8, $0xb8;
	[tilespmem:$0x1AC00] =	vst v63  }
.LBB2_2:
0x66: {  	_ =	swait.ge [sflag:s30], $0xC80  }
0x67: {  	[sflag:s30] =	ssyncset.done $0x0  }
0x68: {  	[sflag:s30] =	ssyncadd.s32 $0xFFFFF380  }
0x69: {  	_ =	swait.ge [sflag:s30], $0xC80  }
0x6a: {  	[sflag:s30] =	ssyncset.done $0x0  }
0x6b: {  	[sflag:s30] =	ssyncadd.s32 $0xFFFFF380  }
0x6c: {  	_ =	swait.ge [sflag:s30], $0xC80  }
0x6d: {  	[sflag:s30] =	ssyncset.done $0x0  }
0x6e: {  	[sflag:s30] =	ssyncadd.s32 $0xFFFFF380  }
0x6f: {  	_ =	swait.ge [sflag:s30], $0xC80  }
0x70: {  	[sflag:s30] =	ssyncset.done $0x0  }
0x71: {  	[sflag:s30] =	ssyncadd.s32 $0xFFFFF380  }
0x72: {  	_ =	swait.ge [sflag:s30], $0xC80  }
0x73: {  	[sflag:s30] =	ssyncset.done $0x0  }
0x74: {  	[sflag:s30] =	ssyncadd.s32 $0xFFFFF380  }
0x75: {  	_ =	swait.ge [sflag:s30], $0xC80  }
0x76: {  	[sflag:s30] =	ssyncset.done $0x0  }
0x77: {  	[sflag:s30] =	ssyncadd.s32 $0xFFFFF380  }
0x78: {  	_ =	swait.ge [sflag:s30], $0xC80  }
0x79: {  	[sflag:s30] =	ssyncset.done $0x0  }
0x7a: {  	[sflag:s30] =	ssyncadd.s32 $0xFFFFF380  }
0x7b: {  	_ =	swait.ge [sflag:s30], $0xC80  }
0x7c: {  	p0 =	seq.s32 s22, $0x5400;
	[sflag:s30] =	ssyncset.done $0x0  }
0x7d: {  	s24 =	simm.s32 @!p0 $0x5;
	[sflag:s30] =	ssyncadd.s32 $0xFFFFF380  }
0x7e: {  	[hbm4b:s6+s2] =	stream.linear.scatter [tilespmem:s9], [sflag:$0x5], $0x6400, $0x38;
	[tilespmem:$0x1AC00] =	vst v63  }
0x7f: {  	_ =	swait.ge @!p0 [sflag:s24], $0x6400  }
0x80: {  	[sflag:s24] =	ssyncset.done @!p0 $0x0  }
0x81: {  	[sflag:s24] =	ssyncadd.s32 @!p0 $0xFFFF9C00;
	s24 =	sshra.s32 @!p0 s22, $0x2  }
0x82: {  	s28 =	simm.s32 @!p0 $0x32;
	s5 =	simm.s32 @!p0 $0x1C00;
	s4 =	sadd.s32 @!p0 $0x700, s24  }
0x83: {  	[tilespmem:s5], [sflag:$0x1] =	stream.indirect.gather @!p0 [hbm4b:s3+s28], $0x40, s4, s28, $0xb8;
	[tilespmem:$0x1AC00] =	vst v63  }
0x84: {  	s4 =	sadd.s32 @!p0 $0x738, s24;
	s5 =	simm.s32 @!p0 $0x2880  }
0x85: {  	[tilespmem:s5], [sflag:$0x1] =	stream.indirect.gather @!p0 [hbm4b:s3+s28], $0x40, s4, s28, $0xb8;
	[tilespmem:$0x1AC00] =	vst v63  }
0x86: {  	s4 =	sadd.s32 @!p0 $0x770, s24;
	s5 =	simm.s32 @!p0 $0x3500  }
0x87: {  	[tilespmem:s5], [sflag:$0x1] =	stream.indirect.gather @!p0 [hbm4b:s3+s28], $0x40, s4, s28, $0xb8;
	[tilespmem:$0x1AC00] =	vst v63  }
0x88: {  	s4 =	sadd.s32 @!p0 $0x7A8, s24;
	s5 =	simm.s32 @!p0 $0x4180  }
0x89: {  	[tilespmem:s5], [sflag:$0x1] =	stream.indirect.gather @!p0 [hbm4b:s3+s28], $0x40, s4, s28, $0xb8;
	[tilespmem:$0x1AC00] =	vst v63  }
0x8a: {  	s4 =	sadd.s32 @!p0 $0x7E0, s24;
	s5 =	simm.s32 @!p0 $0x4E00  }
0x8b: {  	[tilespmem:s5], [sflag:$0x1] =	stream.indirect.gather @!p0 [hbm4b:s3+s28], $0x40, s4, s28, $0xb8;
	[tilespmem:$0x1AC00] =	vst v63  }
0x8c: {  	s4 =	sadd.s32 @!p0 $0x818, s24;
	s5 =	simm.s32 @!p0 $0x5A80  }
0x8d: {  	[tilespmem:s5], [sflag:$0x1] =	stream.indirect.gather @!p0 [hbm4b:s3+s28], $0x40, s4, s28, $0xb8;
	[tilespmem:$0x1AC00] =	vst v63  }
0x8e: {  	s4 =	sadd.s32 @!p0 $0x850, s24;
	s5 =	simm.s32 @!p0 $0x6700  }
0x8f: {  	[tilespmem:s5], [sflag:$0x1] =	stream.indirect.gather @!p0 [hbm4b:s3+s28], $0x40, s4, s28, $0xb8;
	[tilespmem:$0x1AC00] =	vst v63  }
0x90: {  	s4 =	sadd.s32 @!p0 $0x888, s24;
	s5 =	simm.s32 @!p0 $0x7380  }
0x91: {  	[tilespmem:s5], [sflag:$0x1] =	stream.indirect.gather @!p0 [hbm4b:s3+s28], $0x40, s4, s28, $0xb8;
	[tilespmem:$0x1AC00] =	vst v63  }
0x92: {  	_ =	swait.ge [sflag:s31], $0xC80  }
0x93: {  	[sflag:s31] =	ssyncset.done $0x0  }
0x94: {  	[sflag:s31] =	ssyncadd.s32 $0xFFFFF380  }
0x95: {  	_ =	swait.ge [sflag:s31], $0xC80  }
0x96: {  	[sflag:s31] =	ssyncset.done $0x0  }
0x97: {  	[sflag:s31] =	ssyncadd.s32 $0xFFFFF380  }
0x98: {  	_ =	swait.ge [sflag:s31], $0xC80  }
0x99: {  	[sflag:s31] =	ssyncset.done $0x0  }
0x9a: {  	[sflag:s31] =	ssyncadd.s32 $0xFFFFF380  }
0x9b: {  	_ =	swait.ge [sflag:s31], $0xC80  }
0x9c: {  	[sflag:s31] =	ssyncset.done $0x0  }
0x9d: {  	[sflag:s31] =	ssyncadd.s32 $0xFFFFF380  }
0x9e: {  	_ =	swait.ge [sflag:s31], $0xC80  }
0x9f: {  	[sflag:s31] =	ssyncset.done $0x0  }
0xa0: {  	[sflag:s31] =	ssyncadd.s32 $0xFFFFF380  }
0xa1: {  	_ =	swait.ge [sflag:s31], $0xC80  }
0xa2: {  	[sflag:s31] =	ssyncset.done $0x0  }
0xa3: {  	[sflag:s31] =	ssyncadd.s32 $0xFFFFF380  }
0xa4: {  	_ =	swait.ge [sflag:s31], $0xC80  }
0xa5: {  	[sflag:s31] =	ssyncset.done $0x0  }
0xa6: {  	[sflag:s31] =	ssyncadd.s32 $0xFFFFF380  }
0xa7: {  	_ =	swait.ge [sflag:s31], $0xC80  }
0xa8: {  	[sflag:s31] =	ssyncset.done $0x0  }
0xa9: {  	s5 =	sadd.s32 $0xC80, s6;
	s4 =	simm.s32 @!p0 $0x6;
	[sflag:s31] =	ssyncadd.s32 $0xFFFFF380  }
0xaa: {  	[hbm4b:s5+s2] =	stream.linear.scatter [tilespmem:s25], [sflag:$0x6], $0x6400, $0x38;
	[tilespmem:$0x1AC00] =	vst v63  }
0xab: {  	_ =	swait.ge @!p0 [sflag:s4], $0x6400  }
0xac: {  	[sflag:s4] =	ssyncset.done @!p0 $0x0  }
0xad: {  	s5 =	simm.s32 @!p0 $0x8000;
	[sflag:s4] =	ssyncadd.s32 @!p0 $0xFFFF9C00;
	s4 =	sadd.s32 @!p0 $0x8C0, s24  }
0xae: {  	[tilespmem:s5], [sflag:$0x2] =	stream.indirect.gather @!p0 [hbm4b:s3+s28], $0x40, s4, s28, $0xb8;
	[tilespmem:$0x1AC00] =	vst v63  }
0xaf: {  	s4 =	sadd.s32 @!p0 $0x8F8, s24;
	s5 =	simm.s32 @!p0 $0x8C80  }
0xb0: {  	[tilespmem:s5], [sflag:$0x2] =	stream.indirect.gather @!p0 [hbm4b:s3+s28], $0x40, s4, s28, $0xb8;
	[tilespmem:$0x1AC00] =	vst v63  }
0xb1: {  	s4 =	sadd.s32 @!p0 $0x930, s24;
	s5 =	simm.s32 @!p0 $0x9900  }
0xb2: {  	[tilespmem:s5], [sflag:$0x2] =	stream.indirect.gather @!p0 [hbm4b:s3+s28], $0x40, s4, s28, $0xb8;
	[tilespmem:$0x1AC00] =	vst v63  }
0xb3: {  	s4 =	sadd.s32 @!p0 $0x968, s24;
	s5 =	simm.s32 @!p0 $0xA580  }
0xb4: {  	[tilespmem:s5], [sflag:$0x2] =	stream.indirect.gather @!p0 [hbm4b:s3+s28], $0x40, s4, s28, $0xb8;
	[tilespmem:$0x1AC00] =	vst v63  }
0xb5: {  	s4 =	sadd.s32 @!p0 $0x9A0, s24;
	s5 =	simm.s32 @!p0 $0xB200  }
0xb6: {  	[tilespmem:s5], [sflag:$0x2] =	stream.indirect.gather @!p0 [hbm4b:s3+s28], $0x40, s4, s28, $0xb8;
	[tilespmem:$0x1AC00] =	vst v63  }
0xb7: {  	s4 =	sadd.s32 @!p0 $0x9D8, s24;
	s5 =	simm.s32 @!p0 $0xBE80  }
0xb8: {  	[tilespmem:s5], [sflag:$0x2] =	stream.indirect.gather @!p0 [hbm4b:s3+s28], $0x40, s4, s28, $0xb8;
	[tilespmem:$0x1AC00] =	vst v63  }
0xb9: {  	s4 =	sadd.s32 @!p0 $0xA10, s24;
	s5 =	simm.s32 @!p0 $0xCB00  }
0xba: {  	[tilespmem:s5], [sflag:$0x2] =	stream.indirect.gather @!p0 [hbm4b:s3+s28], $0x40, s4, s28, $0xb8;
	[tilespmem:$0x1AC00] =	vst v63  }
0xbb: {  	s4 =	sadd.s32 @!p0 $0xA48, s24;
	s5 =	simm.s32 @!p0 $0xD780  }
0xbc: {  	[tilespmem:s5], [sflag:$0x2] =	stream.indirect.gather @!p0 [hbm4b:s3+s28], $0x40, s4, s28, $0xb8;
	[tilespmem:$0x1AC00] =	vst v63  }
0xbd: {  	_ =	swait.ge [sflag:s1], $0xC80  }
0xbe: {  	[sflag:s1] =	ssyncset.done $0x0  }
0xbf: {  	[sflag:s1] =	ssyncadd.s32 $0xFFFFF380  }
0xc0: {  	_ =	swait.ge [sflag:s1], $0xC80  }
0xc1: {  	[sflag:s1] =	ssyncset.done $0x0  }
0xc2: {  	[sflag:s1] =	ssyncadd.s32 $0xFFFFF380  }
0xc3: {  	_ =	swait.ge [sflag:s1], $0xC80  }
0xc4: {  	[sflag:s1] =	ssyncset.done $0x0  }
0xc5: {  	[sflag:s1] =	ssyncadd.s32 $0xFFFFF380  }
0xc6: {  	_ =	swait.ge [sflag:s1], $0xC80  }
0xc7: {  	[sflag:s1] =	ssyncset.done $0x0  }
0xc8: {  	[sflag:s1] =	ssyncadd.s32 $0xFFFFF380  }
0xc9: {  	_ =	swait.ge [sflag:s1], $0xC80  }
0xca: {  	[sflag:s1] =	ssyncset.done $0x0  }
0xcb: {  	[sflag:s1] =	ssyncadd.s32 $0xFFFFF380  }
0xcc: {  	_ =	swait.ge [sflag:s1], $0xC80  }
0xcd: {  	[sflag:s1] =	ssyncset.done $0x0  }
0xce: {  	[sflag:s1] =	ssyncadd.s32 $0xFFFFF380  }
0xcf: {  	_ =	swait.ge [sflag:s1], $0xC80  }
0xd0: {  	[sflag:s1] =	ssyncset.done $0x0  }
0xd1: {  	[sflag:s1] =	ssyncadd.s32 $0xFFFFF380  }
0xd2: {  	_ =	swait.ge [sflag:s1], $0xC80  }
0xd3: {  	[sflag:s1] =	ssyncset.done $0x0  }
0xd4: {  	s5 =	sadd.s32 $0x1900, s6;
	s4 =	simm.s32 @!p0 $0x7;
	[sflag:s1] =	ssyncadd.s32 $0xFFFFF380  }
0xd5: {  	[hbm4b:s5+s2] =	stream.linear.scatter [tilespmem:s18], [sflag:$0x7], $0x6400, $0x38;
	[tilespmem:$0x1AC00] =	vst v63  }
0xd6: {  	_ =	swait.ge @!p0 [sflag:s4], $0x6400  }
0xd7: {  	[sflag:s4] =	ssyncset.done @!p0 $0x0  }
0xd8: {  	s5 =	simm.s32 @!p0 $0xE400;
	[sflag:s4] =	ssyncadd.s32 @!p0 $0xFFFF9C00;
	s4 =	sadd.s32 @!p0 $0xA80, s24  }
0xd9: {  	[tilespmem:s5], [sflag:$0x3] =	stream.indirect.gather @!p0 [hbm4b:s3+s28], $0x40, s4, s28, $0xb8;
	[tilespmem:$0x1AC00] =	vst v63  }
0xda: {  	s4 =	sadd.s32 @!p0 $0xAB8, s24;
	s5 =	simm.s32 @!p0 $0xF080  }
0xdb: {  	[tilespmem:s5], [sflag:$0x3] =	stream.indirect.gather @!p0 [hbm4b:s3+s28], $0x40, s4, s28, $0xb8;
	[tilespmem:$0x1AC00] =	vst v63  }
0xdc: {  	s4 =	sadd.s32 @!p0 $0xAF0, s24;
	s5 =	simm.s32 @!p0 $0xFD00  }
0xdd: {  	[tilespmem:s5], [sflag:$0x3] =	stream.indirect.gather @!p0 [hbm4b:s3+s28], $0x40, s4, s28, $0xb8;
	[tilespmem:$0x1AC00] =	vst v63  }
0xde: {  	s4 =	sadd.s32 @!p0 $0xB28, s24;
	s5 =	simm.s32 @!p0 $0x10980  }
0xdf: {  	[tilespmem:s5], [sflag:$0x3] =	stream.indirect.gather @!p0 [hbm4b:s3+s28], $0x40, s4, s28, $0xb8;
	[tilespmem:$0x1AC00] =	vst v63  }
0xe0: {  	s4 =	sadd.s32 @!p0 $0xB60, s24;
	s5 =	simm.s32 @!p0 $0x11600  }
0xe1: {  	[tilespmem:s5], [sflag:$0x3] =	stream.indirect.gather @!p0 [hbm4b:s3+s28], $0x40, s4, s28, $0xb8;
	[tilespmem:$0x1AC00] =	vst v63  }
0xe2: {  	s4 =	sadd.s32 @!p0 $0xB98, s24;
	s5 =	simm.s32 @!p0 $0x12280  }
0xe3: {  	[tilespmem:s5], [sflag:$0x3] =	stream.indirect.gather @!p0 [hbm4b:s3+s28], $0x40, s4, s28, $0xb8;
	[tilespmem:$0x1AC00] =	vst v63  }
0xe4: {  	s4 =	sadd.s32 @!p0 $0xBD0, s24;
	s5 =	simm.s32 @!p0 $0x12F00  }
0xe5: {  	[tilespmem:s5], [sflag:$0x3] =	stream.indirect.gather @!p0 [hbm4b:s3+s28], $0x40, s4, s28, $0xb8;
	[tilespmem:$0x1AC00] =	vst v63  }
0xe6: {  	s4 =	sadd.s32 @!p0 $0xC08, s24;
	s5 =	simm.s32 @!p0 $0x13B80  }
0xe7: {  	[tilespmem:s5], [sflag:$0x3] =	stream.indirect.gather @!p0 [hbm4b:s3+s28], $0x40, s4, s28, $0xb8;
	[tilespmem:$0x1AC00] =	vst v63  }
0xe8: {  	_ =	swait.ge [sflag:s0], $0xC80  }
0xe9: {  	[sflag:s0] =	ssyncset.done $0x0  }
0xea: {  	[sflag:s0] =	ssyncadd.s32 $0xFFFFF380  }
0xeb: {  	_ =	swait.ge [sflag:s0], $0xC80  }
0xec: {  	[sflag:s0] =	ssyncset.done $0x0  }
0xed: {  	[sflag:s0] =	ssyncadd.s32 $0xFFFFF380  }
0xee: {  	_ =	swait.ge [sflag:s0], $0xC80  }
0xef: {  	[sflag:s0] =	ssyncset.done $0x0  }
0xf0: {  	[sflag:s0] =	ssyncadd.s32 $0xFFFFF380  }
0xf1: {  	_ =	swait.ge [sflag:s0], $0xC80  }
0xf2: {  	[sflag:s0] =	ssyncset.done $0x0  }
0xf3: {  	[sflag:s0] =	ssyncadd.s32 $0xFFFFF380  }
0xf4: {  	_ =	swait.ge [sflag:s0], $0xC80  }
0xf5: {  	[sflag:s0] =	ssyncset.done $0x0  }
0xf6: {  	[sflag:s0] =	ssyncadd.s32 $0xFFFFF380  }
0xf7: {  	_ =	swait.ge [sflag:s0], $0xC80  }
0xf8: {  	[sflag:s0] =	ssyncset.done $0x0  }
0xf9: {  	[sflag:s0] =	ssyncadd.s32 $0xFFFFF380  }
0xfa: {  	_ =	swait.ge [sflag:s0], $0xC80  }
0xfb: {  	[sflag:s0] =	ssyncset.done $0x0  }
.Ltmp2:
0xfc: {  	[sflag:s0] =	ssyncadd.s32 $0xFFFFF380;
	(pc) =	sbr.rel @p0 .LBB2_4-.Ltmp2, $4  }
0xfd: {  	_ =	swait.ge [sflag:s0], $0xC80  }
0xfe: {  	[sflag:s0] =	ssyncset.done $0x0  }
0xff: {  	s28 =	sadd.s32 $0x2580, s6;
	[sflag:s0] =	ssyncadd.s32 $0xFFFFF380  }
0x100: {  	[hbm4b:s28+s2] =	stream.linear.scatter [tilespmem:s12], [sflag:$0x8], $0x6400, $0x38;
	[tilespmem:$0x1AC00] =	vst v63  }
0x101: {  	_ =	swait.ge [sflag:s15], $0x6400  }
0x102: {  	s4 =	sshra.s32 s22, $0x2;
	[sflag:s15] =	ssyncset.done $0x0  }
0x103: {  	s5 =	sadd.s32 $0xC40, s4;
	[sflag:s15] =	ssyncadd.s32 $0xFFFF9C00  }
0x104: {  	[tilespmem:s12], [sflag:$0x4] =	stream.indirect.gather [hbm4b:s3+s8], $0x40, s5, s8, $0xb8;
	[tilespmem:$0x1AC00] =	vst v63  }
0x105: {  	s24 =	sadd.s32 $0xC78, s4  }
0x106: {  	[tilespmem:s14], [sflag:$0x4] =	stream.indirect.gather [hbm4b:s3+s8], $0x40, s24, s8, $0xb8;
	[tilespmem:$0x1AC00] =	vst v63  }
0x107: {  	s28 =	sadd.s32 $0xCB0, s4  }
0x108: {  	[tilespmem:s16], [sflag:$0x4] =	stream.indirect.gather [hbm4b:s3+s8], $0x40, s28, s8, $0xb8;
	[tilespmem:$0x1AC00] =	vst v63  }
0x109: {  	s24 =	sadd.s32 $0xCE8, s4  }
0x10a: {  	[tilespmem:s19], [sflag:$0x4] =	stream.indirect.gather [hbm4b:s3+s8], $0x40, s24, s8, $0xb8;
	[tilespmem:$0x1AC00] =	vst v63  }
0x10b: {  	s28 =	sadd.s32 $0xD20, s4  }
0x10c: {  	[tilespmem:s21], [sflag:$0x4] =	stream.indirect.gather [hbm4b:s3+s8], $0x40, s28, s8, $0xb8;
	[tilespmem:$0x1AC00] =	vst v63  }
0x10d: {  	s24 =	sadd.s32 $0xD58, s4  }
0x10e: {  	[tilespmem:s23], [sflag:$0x4] =	stream.indirect.gather [hbm4b:s3+s8], $0x40, s24, s8, $0xb8;
	[tilespmem:$0x1AC00] =	vst v63  }
.Ltmp3:
0x10f: {  	_ = 	snop;
	(pc) =	sbr.rel .LBB2_2-.Ltmp3, $4  }
0x110: {  	s28 =	sadd.s32 $0xD90, s4  }
0x111: {  	[tilespmem:s26], [sflag:$0x4] =	stream.indirect.gather [hbm4b:s3+s8], $0x40, s28, s8, $0xb8;
	[tilespmem:$0x1AC00] =	vst v63  }
0x112: {  	s22 =	sadd.s32 $0x1C00, s22;
	s6 =	sadd.s32 $0x3200, s6;
	s4 =	sadd.s32 $0xDC8, s4  }
0x113: {  	[tilespmem:s29], [sflag:$0x4] =	stream.indirect.gather [hbm4b:s3+s8], $0x40, s4, s8, $0xb8;
	[tilespmem:$0x1AC00] =	vst v63  }
.LBB2_5:
0x114: {  	_ =	sfence.sel $0x180000  }
0x115: {  	[bflag:$0x0] =	sbarrier.arrive $0xFFFF  }
0x116: {  	_ =	strace $0x90000047  }
0x117: {  	s0 =	stileid.u32;
	[bflag:$0x2] =	sbarrier.arrive $0xFFFF  }
0x118: {  	p0 =	sne.s32 s0, $0x0;
	s0 =	rddreg [dreg:$0x2]  }
0x119: {  	s0 =	sadd.s32 @!p0 $0x100000, s0  }
0x11a: {  	[sflag:s0] =	ssyncadd.tile.s32 @!p0 $0x1;
	_ =	shalt  }
.Lfunc_end2:
_tile_overlayer_lowered:
.L_overlay_start_2:
0x11b: {  	(tag) =	ssettag $0x2  }
0x11c: {  	s0 =	rddreg [dreg:$0x0];
	s2 =	stileid.u32  }
0x11d: {  	s1 =	rddreg [dreg:$0x1];
	p0 =	sne.s32 s2, $0x0  }
0x11e: {  	s3 =	rddreg [dreg:$0x2];
	[bflag:$0x3] =	sbarrier.arrive $0xFFFF;
	s2 =	simm.s32 @!p0 $0x1C09  }
0x11f: {  	[timem:s3], [sflag:s2] =	dma.local @!p0 [hbm:s0], s1  }
0x120: {  	s0 =	simm.s32 @!p0 $0x9  }
0x121: {  	_ =	swait.ge @!p0 [sflag:s0], s1  }
0x122: {  	s1 =	ssub.s32 @!p0 $0x0, s1;
	[sflag:s0] =	ssyncset.done @!p0 $0x0  }
0x123: {  	[sflag:s0] =	ssyncadd.s32 @!p0 s1  }
0x124: {  	[bflag:$0x3] =	sbarrier.arrive $0xFFFF  }
0x125: {  	_ =	shalt  }

// kernel: sparse-core-data-format-call.cloned.1.call-start
scs
called_computation_lowered:
.L_overlay_start_0:
0x0: {  	s2 =	sld [smem:$0x3FD9]  }
0x1: {  	s3 =	sld [smem:$0x3FFE];
	_ =	sdelay $0x1  }
0x2: {  	s1 =	srdreg.scid  }
0x3: {  	s0 =	sand.u32 $0x1, s1  }
0x4: {  	s18 =	sshll.u32 s0, $0xA;
	s2 =	sadd.s32 s3, s2  }
0x5: {  	s2 =	sadd.s32 s2, s18  }
0x6: {  	[smem:$0x3FC6] =	sst s2  }
0x7: {  	_ = 	snop  }
0x8: {  	s2 =	sld [smem:$0x3FD0];
	(tm) =	ssettm $0x1  }
0x9: {  	s19 =	sld [smem:$0x3FFB];
	_ =	sdelay $0x3  }
0xa: {  	_ =	strace s19  }
0xb: {  	s3 =	sld [smem:$0x3FFC];
	_ =	sdelay $0x3  }
0xc: {  	_ =	strace s3  }
0xd: {  	s3 =	sld [smem:$0x3FFD];
	_ =	sdelay $0x3  }
0xe: {  	_ =	strace s3  }
0xf: {  	_ =	strace $0x8FFFFFFF  }
0x10: {  	s20 =	sld [smem:$0x3FDB];
	_ =	sdelay $0x1  }
0x11: {  	s4 =	simm.s32 $_scs_section_size  }
0x12: {  	s5 =	simm.s32 $_size__tile_overlayer_lowered;
	s6 =	simm.s32 $_tile_overlayer_lowered  }
0x13: {  	s23 =	simm.s32 $0x1BFF;
	s22 =	sshll.u32 s6, $0x1;
	s3 =	sadd.s32 s4, s20  }
0x14: {  	s7 =	simm.s32 $0x0;
	s21 =	sshll.u32 s5, $0x1;
	s5 =	sadd.s32 s22, s3  }
0x15: {  	[timem:s7], [sflag:s23] =	dma.local [hbm:s5], s21  }
0x16: {  	_ =	swait.ge [sflag:s23], s21  }
0x17: {  	s4 =	ssub.s32 $0x0, s21;
	[sflag:s23] =	ssyncset.done $0x0  }
0x18: {  	[sflag:s23] =	ssyncadd.s32 s4;
	_ =	sdelay $0x1  }
0x19: {  	s24 =	simm.s32 $0x1B8B  }
0x1a: {  	_ =	swait.ge [sflag:s24], $0x1  }
0x1b: {  	[sflag:s24] =	ssyncset.done $0x0  }
0x1c: {  	s26 =	simm.s32 $0x1B8E;
	s25 =	sld [smem:$0x3FFE];
	[sflag:s24] =	ssyncadd.s32 $0xFFFFFFFF  }
0x1d: {  	s27 =	simm.s32 $execute0_lowered;
	[smem:$0x3FD2] =	sst s26  }
0x1e: {  	s5 =	sshll.u32 s27, $0x1;
	_ =	strace $0x80000049;
	[dreg:$0x1] =	wrdreg $0xFFFFFFFF  }
0x1f: {  	s28 =	simm.s32 $_size_execute0_lowered;
	s3 =	sadd.s32 s3, s5;
	[dreg:$0x0] =	wrdreg $0x0  }
0x20: {  	s5 =	sshll.u32 s28, $0x1;
	[dreg:$0x2] =	wrdreg s3  }
0x21: {  	[dreg:$0x3] =	wrdreg s5  }
0x22: {  	[dreg:$0x4] =	wrdreg $0xC0  }
0x23: {  	_ =	task [dreg:s7], $0x5FFFF  }
0x24: {  	[dreg:$0x1] =	wrdreg $0xFFFFFFFF  }
0x25: {  	[dreg:$0x0] =	wrdreg $0x60  }
0x26: {  	[dreg:$0x2] =	wrdreg s25  }
0x27: {  	[dreg:$0x3] =	wrdreg s2  }
0x28: {  	[dreg:$0x4] =	wrdreg $0x9  }
0x29: {  	_ =	task.clear_ibuf [dreg:s7], $0x5FFFF;
	_ =	strace $0x90000049  }
0x2a: {  	s29 =	simm.s32 $0x9;
	_ =	strace $0x8000004B  }
0x2b: {  	_ =	swait.ge [sflag:s29], $0x1  }
0x2c: {  	[sflag:s29] =	ssyncadd.s32 $0xFFFFFFFF  }
0x2d: {  	_ =	strace $0x9000004B  }
0x2e: {  	_ =	sfence  }
0x2f: {  	s30 =	sld [smem:$0x0];
	_ =	sdelay $0x2  }
0x30: {  	s31 =	sshll.u32 s1, $0xD;
	s1 =	sshrl.u32 s1, $0x2  }
0x31: {  	s3 =	sand.u32 $0x4000, s31;
	s1 =	sadd.s32 s1, s30  }
0x32: {  	s0 =	sor.u32 s3, s0;
	s1 =	sshll.u32 s1, $0x11  }
0x33: {  	s0 =	sor.u32 s1, s0  }
0x34: {  	s0 =	sadd.s32 $0x8F2B, s0  }
0x35: {  	[sflag:s0] =	ssyncadd.remote.s32 $0x1  }
0x36: {  	_ =	sfence.sel $0xFFFF  }
0x37: {  	[dreg:$0x0] =	wrdreg $0xFFFFFFFF;
	(pc) =	sbr.abs _section_cstart, $3  }
0x38: {  	[dreg:$0x1] =	wrdreg $0xFFFFFFFF  }
0x39: {  	_ =	task.clear_ibuf [dreg:s7], $0x2FFFF;
	_ =	strace $0x9FFFFFFF  }
0x3a: {  	(tm) =	ssettm $0x7FFFFFFF  }
0x3b: {  	_ =	shalt  }
tec
execute0_lowered:
.L_overlay_start_1:
0x0: {  	(tag) =	ssettag $0x1  }
0x1: {  	s0 =	srdreg.scid  }
0x2: {  	s1 =	sshll.u32 s0, $0x4  }
0x3: {  	s0 =	stileid.u32;
	s1 =	sand.u32 $0x10, s1  }
0x4: {  	s1 =	sor.u32 s0, s1  }
0x5: {  	s6 =	rddreg [dreg:$0x0];
	s4 =	simm.s32 $0x1;
	s2 =	sshll.u32 s1, $0x7  }
0x6: {  	s7 =	simm.s32 $0x2;
	s12 =	simm.s32 $0x0;
	s1 =	ssub.s32 $0x1000, s2  }
0x7: {  	s8 =	simm.s32 $0x8000;
	s13 =	simm.s32 $0x0;
	s3 =	sand.u32 $0xF80, s1  }
0x8: {  	s9 =	simm.s32 $0x0;
	s5 =	sshrl.u32 s1, $0xC;
	p0 =	sne.s32 s3, $0x0  }
.Ltmp0:
0x9: {  	s1 =	rddreg [dreg:$0x2];
	s4 =	simm.s32 @!p0 $0x0;
	(pc) =	sbr.rel .LBB1_1-.Ltmp0, $4  }
0xa: {  	s11 =	simm.s32 $0x0;
	s3 =	rddreg [dreg:$0x1];
	s5 =	sadd.s32 s4, s5  }
0xb: {  	_ =	strace $0x8000004A;
	s4 =	simm.s32 $0x1;
	s5 =	smul.u32 $0x32, s5  }
0xc: {  	s6 =	sadd.s32 $0x800, s6;
	s10 =	smov.u32 s2;
	[sflag:s4] =	ssyncpa.u1 $0x0  }
0xd: {  	p0 =	por $0x0, $0x0;
	[sflag:s7] =	ssyncpa.u1 $0x0;
	s7 =	sor.u32 $0x1, s5  }
.LBB1_4:
0xe: {  	s16 =	sshll.u32 s13, $0x3;
	s17 =	sand.u32 $0x78, s13  }
0xf: {  	s30 =	sand.u32 $0x7E00, s13;
	s12 =	sshll.u32 s12, $0xF;
	s16 =	sand.u32 $0xC00, s16  }
0x10: {  	[tilespmem:s15+$0x810 ss:$0x81] =	vst.msk $0xffff, v2;
	s31 =	sand.u32 $0x7, s13;
	s16 =	sor.u32 s17, s16;
	s17 =	sadd.s32 s3, s30  }
0x11: {  	[tilespmem:s15+$0x1020 ss:$0x81] =	vst.msk $0xffff, v0;
	s13 =	sshll.u32 s31, $0x12;
	s12 =	sadd.s32 s12, s17;
	s16 =	sshrl.u32 s16, $0x3  }
0x12: {  	[tilespmem:s15+$0x0 ss:$0x81] =	vst.msk $0xffff, v1;
	s13 =	sor.u32 $0x400, s13;
	s12 =	sadd.s32 s16, s12  }
0x13: {  	[hbm4b:s12+s13] =	stream.strided.scatter [tilespmem:s14], [sflag:$0x2], $0x2000, s8, s13, $0x20;
	[tilespmem:$0x8080] =	vst v63  }
.LBB1_5:
0x14: {  	s14 =	sadd.s32 $0x1, s9  }
0x15: {  	s12 =	sadd.s32 $0x1000, s10;
	s16 =	smov.u32 s10;
	p2 =	sgt.s32 s14, $0x31  }
0x16: {  	s16 =	smov.u32 @p2 s12  }
0x17: {  	s14 =	simm.s32 @p2 $0x0;
	p2 =	sgt.s32 s16, $0xFFF  }
0x18: {  	s16 =	smov.u32 @p2 s2;
	p2 =	sne.s32 s11, s7  }
.Ltmp1:
0x19: {  	p1 =	slt.u32 s11, $0x2;
	(pc) =	sbr.rel @!p2 .LBB1_6-.Ltmp1, $4  }
0x1a: {  	s15 =	simm.s32 @!p1 $0x2  }
0x1b: {  	s13 =	smov.u32 s10;
	p0 =	por !p0, !p0;
	_ =	swait.ge @!p1 [sflag:s15], $0x2000  }
0x1c: {  	s12 =	smov.u32 s9;
	[sflag:s15] =	ssyncset.done @!p1 $0x0;
	s9 =	smov.u32 s14  }
0x1d: {  	s11 =	sadd.s32 $0x1, s11;
	[sflag:s15] =	ssyncadd.s32 @!p1 $0xFFFFE000;
	s10 =	smov.u32 s16  }
.LBB1_1:
0x1e: {  	p1 =	sge.u32 s11, s5  }
0x1f: {  	s14 =	sand.u32 @!p1 $0x1FFFFFF, s9  }
0x20: {  	s15 =	smulhi.u32 @!p1 $0x4924925, s14;
	_ =	sdelay $0x1  }
0x21: {  	s15 =	smul.u32 @!p1 $0x38, s15  }
0x22: {  	s16 =	sxor.u32 @!p1 $0xFFFFFFFF, s11;
	s17 =	smul.u32 @!p1 $0x380, s10  }
0x23: {  	s31 =	sadd.s32 $0xFFFFFFFF, s11;
	s16 =	sshll.u32 @!p1 s16, $0xD;
	s14 =	ssub.s32 @!p1 s14, s15  }
0x24: {  	s15 =	sand.u32 @!p1 $0x2000, s16;
	s16 =	sadd.s32 @!p1 s6, s17;
	s14 =	sshll.u32 @!p1 s14, $0x4  }
0x25: {  	s17 =	simm.s32 @!p1 $0x1C00;
	s14 =	sadd.s32 @!p1 s14, s16;
	s16 =	simm.s32 @!p1 $0x40  }
0x26: {  	[tilespmem:s15], [sflag:$0x1] =	stream.strided.gather @!p1 [hbm4b:s14+s16], $0x2000, s17, s16, $0x38;
	[tilespmem:$0x8080] =	vst v63  }
0x27: {  	p1 =	sge.u32 s31, s5  }
.Ltmp2:
0x28: {  	_ = 	snop;
	(pc) =	sbr.rel @p1 .LBB1_5-.Ltmp2, $1  }
0x29: {  	_ =	sdelay $0x3  }
0x2a: {  	s14 =	simm.s32 $0x1  }
0x2b: {  	_ =	swait.ge [sflag:s4], $0x2000;
	s14 =	simm.s32 @!p0 $0x0  }
0x2c: {  	[sflag:s4] =	ssyncset.done $0x0;
	s15 =	sshll.u32 s14, $0xD  }
0x2d: {  	[sflag:s4] =	ssyncadd.s32 $0xFFFFE000;
	s18 =	sor.u32 $0x20, s15  }
0x2e: {  	s14 =	smul.u32 $0x8100, s14;
	v3 =	vld [tilespmem:s18+$0x10]  }
0x2f: {  	s30 =	sand.u32 $0x1, s11;
	v2 =	vld [tilespmem:s18+$0xFFFFFFF0]  }
0x30: {  	s15 =	smul.u32 $0x8100, s30;
	s14 =	sshrl.u32 s14, $0x2;
	v0 =	vld [tilespmem:s18+$0x0]  }
0x31: {  	v1 =	vld [tilespmem:s18+$0xFFFFFFE0];
	s16 =	sor.u32 $0x4000, s14  }
0x32: {  	s31 =	sshrl.u32 s15, $0x2;
	s15 =	sadd.s32 $0x0, s16  }
0x33: {  	s17 =	simm.s32 $0x4;
	s18 =	sadd.s32 $0x40, s18;
	s14 =	sor.u32 $0x4000, s31;
	[tilespmem:s15+$0x1830 ss:$0x81] =	vst.msk $0xffff, v3  }
.LBB1_3:
0x34: {  	v3 =	vld [tilespmem:s18+$0x10];
	p1 =	sne.s32 s17, $0x1FC;
	[tilespmem:s15+$0x810 ss:$0x81] =	vst.msk $0xffff, v2;
	s19 =	smov.u32 s17;
	s17 =	sadd.s32 $0x4, s17  }
.Ltmp3:
0x35: {  	v2 =	vld [tilespmem:s18+$0xFFFFFFF0];
	[tilespmem:s15+$0x1020 ss:$0x81] =	vst.msk $0xffff, v0;
	(pc) =	sbr.rel @p1 .LBB1_3-.Ltmp3, $4  }
0x36: {  	v0 =	vld [tilespmem:s18+$0x0];
	[tilespmem:s15+$0x0 ss:$0x81] =	vst.msk $0xffff, v1  }
0x37: {  	s15 =	sshra.s32 s19, $0x2;
	v1 =	vld [tilespmem:s18+$0xFFFFFFE0]  }
0x38: {  	s15 =	sadd.s32 s15, s16  }
0x39: {  	s18 =	sadd.s32 $0x40, s18;
	[tilespmem:s15+$0x1830 ss:$0x81] =	vst.msk $0xffff, v3  }
.Ltmp4:
0x3a: {  	_ = 	snop;
	(pc) =	sbr.rel .LBB1_4-.Ltmp4, $1  }
0x3b: {  	_ =	sdelay $0x3  }
.LBB1_6:
0x3c: {  	_ =	sfence.sel $0x180000  }
0x3d: {  	s2 =	simm.s32 $0x1;
	[bflag:$0x0] =	sbarrier.arrive $0xFFFF  }
0x3e: {  	s31 =	simm.s32 $0x2;
	[sflag:s2] =	ssyncpa.u1 $0x1  }
0x3f: {  	[sflag:s31] =	ssyncpa.u1 $0x1  }
0x40: {  	p0 =	sne.s32 s0, $0x0;
	_ =	strace $0x9000004A  }
0x41: {  	s0 =	sadd.s32 @!p0 $0x100000, s1;
	[bflag:$0x2] =	sbarrier.arrive $0xFFFF  }
0x42: {  	[sflag:s0] =	ssyncadd.tile.s32 @!p0 $0x1;
	_ =	shalt  }
.Lfunc_end1:
_tile_overlayer_lowered:
.L_overlay_start_2:
0x43: {  	(tag) =	ssettag $0x2  }
0x44: {  	s0 =	rddreg [dreg:$0x0];
	s2 =	stileid.u32  }
0x45: {  	s1 =	rddreg [dreg:$0x1];
	p0 =	sne.s32 s2, $0x0  }
0x46: {  	s3 =	rddreg [dreg:$0x2];
	[bflag:$0x3] =	sbarrier.arrive $0xFFFF;
	s2 =	simm.s32 @!p0 $0x1C01  }
0x47: {  	[timem:s3], [sflag:s2] =	dma.local @!p0 [hbm:s0], s1  }
0x48: {  	s0 =	simm.s32 @!p0 $0x1  }
0x49: {  	_ =	swait.ge @!p0 [sflag:s0], s1  }
0x4a: {  	s1 =	ssub.s32 @!p0 $0x0, s1;
	[sflag:s0] =	ssyncset.done @!p0 $0x0  }
0x4b: {  	[sflag:s0] =	ssyncadd.s32 @!p0 s1  }
0x4c: {  	[bflag:$0x3] =	sbarrier.arrive $0xFFFF  }
0x4d: {  	_ =	shalt  }

</sc_bundles>
